<compile_context>
chip_gen: v7x
topology: tpu7x:2x2x1
jax: 0.10.2.dev20260603
libtpu: 0.0.44.dev20260713+nightly
codegen_flags: <defaults>
</compile_context>

<pallas_src>
import functools

import jax
import jax.numpy as jnp
from jax import lax
from jax.experimental import pallas as pl
from jax.experimental.pallas import tpu as pltpu
from jax.experimental.pallas import tpu_sc as plsc

K = 2
WEIGHT = 1.0
MARGIN = 0.5

L = 16
NC = 2
NS = 16
NW = NC * NS

TILE_R = 8
TILE_C = 128

CHUNK_H = 208
N_FULL = 60
QUARTER = 12504
NLANES = TILE_C // L


def _merge_pair(m1a, m2a, m1b, m2b):
    m1 = jnp.maximum(m1a, m1b)
    m2 = jnp.maximum(jnp.minimum(m1a, m1b), jnp.maximum(m2a, m2b))
    return m1, m2


def _make_sc_kernel(B, C):
    n_old = C // 2
    rows_per = TILE_C // 4

    tail3 = (C - n_old) - 3 * QUARTER - N_FULL * CHUNK_H
    tail012 = QUARTER - N_FULL * CHUNK_H

    mesh = plsc.VectorSubcoreMesh(core_axis_name="c", subcore_axis_name="s")

    @functools.partial(
        pl.kernel,
        mesh=mesh,
        compiler_params=pltpu.CompilerParams(needs_layout_passes=False),
        out_type=jax.ShapeDtypeStruct((NW, 2 * L), jnp.float32),
        scratch_types=[
            pltpu.VMEM((rows_per,), jnp.int32),
            pltpu.VMEM((rows_per,), jnp.float32),
            pltpu.VMEM((CHUNK_H, TILE_C), jnp.float32),
            pltpu.VMEM((CHUNK_H, TILE_C), jnp.float32),
            pltpu.VMEM((CHUNK_H, TILE_C), jnp.float32),
            pltpu.VMEM((tail012, TILE_C), jnp.float32),
            pltpu.VMEM((tail3, TILE_C), jnp.float32),
            pltpu.VMEM((rows_per, TILE_R, TILE_C), jnp.float32),
            pltpu.VMEM((2 * TILE_R * L,), jnp.float32),
            pltpu.VMEM((4 * 2 * TILE_R * L,), jnp.float32),
            pltpu.VMEM((2 * L,), jnp.float32),
            pltpu.VMEM_SHARED((NS, 2 * TILE_R * L), jnp.float32),
            pltpu.SemaphoreType.DMA,
            pltpu.SemaphoreType.DMA,
            pltpu.SemaphoreType.DMA,
            pltpu.SemaphoreType.DMA,
            pltpu.SemaphoreType.DMA,
            pltpu.SemaphoreType.DMA,
        ],
    )
    def sc_kernel(scoresT_hbm, labels_hbm, hard_hbm, out_hbm,
                  lab_v, hard_v, buf_a, buf_b, buf_c, buf_ta, buf_tb, gt_v,
                  stage_v, peer_v, res_v, shared,
                  sem_s, sem_a, sem_b, sem_c, sem_t, sem_g):
        cid = lax.axis_index("c")
        sid = lax.axis_index("s")
        j = cid * 4 + sid // 4
        k = sid % 4
        wid = cid * NS + sid
        row_base = j * TILE_C + k * rows_per
        batch0 = pl.multiple_of(j * TILE_C, TILE_C)
        cls0 = pl.multiple_of(n_old + k * QUARTER, TILE_R)

        pltpu.async_copy(labels_hbm.at[pl.ds(row_base, rows_per)],
                         lab_v, sem_s)
        pltpu.make_async_copy(labels_hbm.at[pl.ds(row_base, rows_per)],
                              lab_v, sem_s).wait()
        pltpu.sync_copy(hard_hbm.at[pl.ds(row_base, rows_per)], hard_v)

        for b in range(rows_per // L):
            lab16 = lab_v[pl.ds(b * L, L)]
            for jj in range(L):
                lab = lab16[jj]
                c8 = pl.multiple_of(
                    (lax.shift_right_logical(lab, 3)) * TILE_R, TILE_R)
                pltpu.async_copy(
                    scoresT_hbm.at[pl.ds(c8, TILE_R),
                                   pl.ds(batch0, TILE_C)],
                    gt_v.at[b * L + jj], sem_g)

        neg = jnp.full((L,), -jnp.inf, jnp.float32)
        zero = jnp.zeros((L,), jnp.float32)

        def chunk_src(c):
            off = pl.multiple_of(cls0 + c * CHUNK_H, TILE_R)
            return scoresT_hbm.at[pl.ds(off, CHUNK_H),
                                  pl.ds(batch0, TILE_C)]

        def accum_chunk(buf, height, acc, unroll=4):
            def it(i, a):
                a1, a2 = a
                n1, n2 = [], []
                for u in range(NLANES):
                    v = buf[i, pl.ds(u * L, L)]
                    n2.append(jnp.maximum(a2[u], jnp.minimum(a1[u], v)))
                    n1.append(jnp.maximum(a1[u], v))
                return tuple(n1), tuple(n2)

            return lax.fori_loop(0, height, it, acc,
                                 unroll=min(unroll, height))

        tail_off = pl.multiple_of(cls0 + N_FULL * CHUNK_H, TILE_R)

        @pl.when(k < 3)
        def _():
            pltpu.async_copy(
                scoresT_hbm.at[pl.ds(tail_off, tail012),
                               pl.ds(batch0, TILE_C)], buf_ta, sem_t)

        @pl.when(k == 3)
        def _():
            pltpu.async_copy(
                scoresT_hbm.at[pl.ds(tail_off, tail3),
                               pl.ds(batch0, TILE_C)], buf_tb, sem_t)

        pltpu.async_copy(chunk_src(0), buf_a, sem_a)
        pltpu.async_copy(chunk_src(1), buf_b, sem_b)
        pltpu.async_copy(chunk_src(2), buf_c, sem_c)

        acc0 = ((neg,) * NLANES, (neg,) * NLANES)
        ring = ((buf_a, sem_a), (buf_b, sem_b), (buf_c, sem_c))

        def trip_body(p, acc):
            c0 = 3 * p
            for i, (buf, sem) in enumerate(ring):
                pltpu.make_async_copy(chunk_src(c0 + i), buf, sem).wait()
                acc = accum_chunk(buf, CHUNK_H, acc)

                @pl.when(c0 + i + 3 < N_FULL)
                def _():
                    pltpu.async_copy(chunk_src(c0 + i + 3), buf, sem)

            return acc

        m1s, m2s = lax.fori_loop(0, N_FULL // 3, trip_body, acc0)

        @pl.when(k < 3)
        def _():
            pltpu.make_async_copy(
                scoresT_hbm.at[pl.ds(tail_off, tail012),
                               pl.ds(batch0, TILE_C)], buf_ta, sem_t).wait()

        @pl.when(k == 3)
        def _():
            pltpu.make_async_copy(
                scoresT_hbm.at[pl.ds(tail_off, tail3),
                               pl.ds(batch0, TILE_C)], buf_tb, sem_t).wait()

        tk = jnp.full((L,), k, jnp.int32)
        is3 = tk == 3
        m1a, m2a = accum_chunk(buf_ta, tail012, (m1s, m2s))
        m1b, m2b = accum_chunk(buf_tb, tail3, (m1s, m2s))
        m1s = tuple(jnp.where(is3, b_, a_) for a_, b_ in zip(m1a, m1b))
        m2s = tuple(jnp.where(is3, b_, a_) for a_, b_ in zip(m2a, m2b))

        def gt_drain(r, carry):
            pltpu.make_async_copy(
                scoresT_hbm.at[pl.ds(0, TILE_R), pl.ds(0, TILE_C)],
                gt_v.at[r], sem_g).wait()
            return carry

        lax.fori_loop(0, rows_per, gt_drain, jnp.int32(0))

        for u in range(NLANES):
            stage_v[pl.ds(u * L, L)] = m1s[u]
            stage_v[pl.ds((TILE_R + u) * L, L)] = m2s[u]
        pltpu.sync_copy(stage_v, shared.at[sid])
        plsc.subcore_barrier()

        base_peer = (sid // 4) * 4
        for kk in range(4):
            pltpu.sync_copy(shared.at[base_peer + kk],
                            peer_v.at[pl.ds(kk * 2 * TILE_R * L,
                                            2 * TILE_R * L)])

        iota = lax.iota(jnp.int32, L)
        loss_acc = zero
        hard_acc = zero
        for m in range(2):
            u_mine = 2 * k + m
            mm1 = None
            for kk in range(4):
                o1 = kk * 2 * TILE_R * L + u_mine * L
                o2 = o1 + TILE_R * L
                p1 = plsc.load_gather(peer_v, [o1 + iota])
                p2 = plsc.load_gather(peer_v, [o2 + iota])
                if mm1 is None:
                    mm1, mm2 = p1, p2
                else:
                    mm1, mm2 = _merge_pair(mm1, mm2, p1, p2)

            lab16 = lab_v[pl.ds(m * L, L)]
            hd16 = hard_v[pl.ds(m * L, L)]
            ridx = jnp.full((L,), m * L, jnp.int32) + iota
            coff = lab16 & (TILE_R - 1)
            lane = jnp.full((L,), k * rows_per + m * L, jnp.int32) + iota
            gt16 = plsc.load_gather(gt_v, [ridx, coff, lane])
            pe = (jnp.maximum(mm1 - gt16 + MARGIN, zero)
                  + jnp.maximum(mm2 - gt16 + MARGIN, zero))
            loss_acc = loss_acc + hd16 * pe
            hard_acc = hard_acc + hd16

        res_v[pl.ds(0, L)] = loss_acc
        res_v[pl.ds(L, L)] = hard_acc
        pltpu.sync_copy(res_v, out_hbm.at[wid])

    return sc_kernel


def kernel(scores, labels, num_old_classes):
    B, C = scores.shape
    labels = labels.astype(jnp.int32)
    hard = (labels < num_old_classes).astype(jnp.float32)

    partials = _make_sc_kernel(B, C)(scores.T, labels, hard)
    loss_sum = jnp.sum(partials[:, :L])
    hard_num = jnp.sum(partials[:, L:])
    denom = jnp.maximum(hard_num * K, 1.0)
    return WEIGHT * loss_sum / denom

# --- scband reference (transcript-rebuilt; emitter-appended) ---
"""Pipeline reference for scband-inter-class-separation-11244224381218 (READ-ONLY COPY).

The authoritative reference and input builder live on the scoring server;
editing this copy changes nothing except your own understanding.
"""

import jax, jax.numpy as jnp
import numpy as np

K = 2
WEIGHT = 1.0
MARGIN = 0.5


def setup_inputs(seed: int = 0) -> dict:
    key = jax.random.key(seed)
    k1, k2 = jax.random.split(key)
    scores = jax.random.normal(k1, (1024, 100000), dtype=jnp.float32)
    labels = jax.random.randint(k2, (1024,), 0, 100000)
    return {"scores": scores, "labels": labels, "num_old_classes": 50000}


def reference(scores, labels, num_old_classes):
    B = scores.shape[0]
    n_old = scores.shape[1] // 2
    # gt_scores: score at the ground-truth label for each row (scatter->masked_select in torch)
    gt_scores = scores[jnp.arange(B), labels]
    # top-K scores among novel classes
    max_novel_scores, _ = jax.lax.top_k(scores[:, n_old:], K)
    # hard rows: label belongs to an old (seen) class
    hard = labels < num_old_classes
    hard_f = hard.astype(scores.dtype)
    hard_num = jnp.sum(hard_f)
    # MarginRankingLoss with target=1: mean(max(0, -(x1 - x2) + margin))
    per_elem = jnp.maximum(0.0, max_novel_scores - gt_scores[:, None] + MARGIN)
    masked_sum = jnp.sum(per_elem * hard_f[:, None])
    denom = jnp.maximum(hard_num * K, 1.0)
    loss = jnp.where(hard_num > 0, WEIGHT * masked_sum / denom, 0.0)
    return loss

if __name__ == "__main__":
    import jax
    _d = setup_inputs()
    print(jax.jit(kernel)(*tuple(_d.values())))

</pallas_src>

<mosaic_0001>
#map = affine_map<(d0, d1) -> (0, 0)>
#map1 = affine_map<(d0, d1) -> (0)>
module attributes {stable_mosaic.version = 14 : i64} {
  func.func @sc_kernel(%arg0: i32, %arg1: i32, %arg2: memref<100000x1024xf32, #tpu.memory_space<hbm>>, %arg3: memref<1024xi32, #tpu.memory_space<hbm>>, %arg4: memref<1024xf32, #tpu.memory_space<hbm>>, %arg5: memref<32x32xf32, #tpu.memory_space<hbm>>, %arg6: memref<32xi32, #tpu.memory_space<vmem>>, %arg7: memref<32xf32, #tpu.memory_space<vmem>>, %arg8: memref<208x128xf32, #tpu.memory_space<vmem>>, %arg9: memref<208x128xf32, #tpu.memory_space<vmem>>, %arg10: memref<208x128xf32, #tpu.memory_space<vmem>>, %arg11: memref<24x128xf32, #tpu.memory_space<vmem>>, %arg12: memref<8x128xf32, #tpu.memory_space<vmem>>, %arg13: memref<32x8x128xf32, #tpu.memory_space<vmem>>, %arg14: memref<256xf32, #tpu.memory_space<vmem>>, %arg15: memref<1024xf32, #tpu.memory_space<vmem>>, %arg16: memref<32xf32, #tpu.memory_space<vmem>>, %arg17: memref<16x256xf32, #tpu.memory_space<vmem_shared>>, %arg18: memref<!tpu.dma_semaphore, #tpu.memory_space<semaphore_mem>>, %arg19: memref<!tpu.dma_semaphore, #tpu.memory_space<semaphore_mem>>, %arg20: memref<!tpu.dma_semaphore, #tpu.memory_space<semaphore_mem>>, %arg21: memref<!tpu.dma_semaphore, #tpu.memory_space<semaphore_mem>>, %arg22: memref<!tpu.dma_semaphore, #tpu.memory_space<semaphore_mem>>, %arg23: memref<!tpu.dma_semaphore, #tpu.memory_space<semaphore_mem>>) attributes {dimension_semantics = [#tpu.dimension_semantics<core_parallel>, #tpu.dimension_semantics<subcore_parallel>], iteration_bounds = array<i64: 2, 16>, scalar_prefetch = 0 : i64, scratch_operands = 18 : i64, tpu.core_type = #tpu.core_type<sc_vector_subcore>, window_params = [{transform_indices = #map}, {transform_indices = #map1}, {transform_indices = #map1}, {transform_indices = #map}]} {
    %mul3A = arith.constant 4 : i32
    %mul3A_0 = arith.muli %arg0, %mul3A : i32
    %jit3A = arith.constant 4 : i32
    %div3A = arith.divsi %arg1, %jit3A : i32
    %sign3A = arith.constant 0 : i32
    %sign3A_1 = arith.cmpi sgt, %arg1, %sign3A : i32
    %sign3A_2 = arith.extui %sign3A_1 : i1 to i32
    %sign3A_3 = arith.constant 0 : i32
    %sign3A_4 = arith.cmpi slt, %arg1, %sign3A_3 : i32
    %sign3A_5 = arith.extui %sign3A_4 : i1 to i32
    %sign3A_6 = arith.subi %sign3A_2, %sign3A_5 : i32
    %sign3A_7 = arith.constant 0 : i32
    %sign3A_8 = arith.cmpi sgt, %jit3A, %sign3A_7 : i32
    %sign3A_9 = arith.extui %sign3A_8 : i1 to i32
    %sign3A_10 = arith.constant 0 : i32
    %sign3A_11 = arith.cmpi slt, %jit3A, %sign3A_10 : i32
    %sign3A_12 = arith.extui %sign3A_11 : i1 to i32
    %sign3A_13 = arith.subi %sign3A_9, %sign3A_12 : i32
    %ne3A = arith.cmpi ne, %sign3A_6, %sign3A_13 : i32
    %rem3A = arith.remsi %arg1, %jit3A : i32
    %ne3A_14 = arith.constant 0 : i32
    %ne3A_15 = arith.cmpi ne, %rem3A, %ne3A_14 : i32
    %and3A = arith.andi %ne3A, %ne3A_15 : i1
    %sub3A = arith.constant 1 : i32
    %sub3A_16 = arith.subi %div3A, %sub3A : i32
    %select_n3A = arith.select %and3A, %sub3A_16, %div3A : i32
    %add3A = arith.addi %mul3A_0, %select_n3A : i32
    %jit3A_17 = arith.constant 4 : i32
    %eq3A = arith.constant 0 : i32
    %eq3A_18 = arith.cmpi eq, %jit3A_17, %eq3A : i32
    %jit3A_19 = arith.constant 1 : i32
    %select_n3A_20 = arith.select %eq3A_18, %jit3A_19, %jit3A_17 : i32
    %rem3A_21 = arith.remsi %arg1, %select_n3A_20 : i32
    %ne3A_22 = arith.constant 0 : i32
    %ne3A_23 = arith.cmpi ne, %rem3A_21, %ne3A_22 : i32
    %lt3A = arith.constant 0 : i32
    %lt3A_24 = arith.cmpi slt, %rem3A_21, %lt3A : i32
    %lt3A_25 = arith.constant 0 : i32
    %lt3A_26 = arith.cmpi slt, %select_n3A_20, %lt3A_25 : i32
    %ne3A_27 = arith.xori %lt3A_24, %lt3A_26 : i1
    %and3A_28 = arith.andi %ne3A_27, %ne3A_23 : i1
    %add3A_29 = arith.addi %rem3A_21, %select_n3A_20 : i32
    %select_n3A_30 = arith.select %and3A_28, %add3A_29, %rem3A_21 : i32
    %mul3A_31 = arith.constant 16 : i32
    %mul3A_32 = arith.muli %arg0, %mul3A_31 : i32
    %add3A_33 = arith.addi %mul3A_32, %arg1 : i32
    %mul3A_34 = arith.constant 128 : i32
    %mul3A_35 = arith.muli %add3A, %mul3A_34 : i32
    %mul3A_36 = arith.constant 32 : i32
    %mul3A_37 = arith.muli %select_n3A_30, %mul3A_36 : i32
    %add3A_38 = arith.addi %mul3A_35, %mul3A_37 : i32
    %mul3A_39 = arith.constant 128 : i32
    %mul3A_40 = arith.muli %add3A, %mul3A_39 : i32
    %multiple_of3A = tpu.assume_multiple %mul3A_40, 128 : i32
    %mul3A_41 = arith.constant 12504 : i32
    %mul3A_42 = arith.muli %select_n3A_30, %mul3A_41 : i32
    %add3A_43 = arith.constant 50000 : i32
    %add3A_44 = arith.addi %add3A_43, %mul3A_42 : i32
    %multiple_of3A_45 = tpu.assume_multiple %add3A_44, 8 : i32
    %dma_start3A = tpu.memref_slice %arg3[%add3A_38] : memref<1024xi32, #tpu.memory_space<hbm>> -> memref<32xi32, #tpu.memory_space<hbm>>
    %dma_start3A_46 = tpu.memref_slice %arg3[%add3A_38] : memref<1024xi32, #tpu.memory_space<hbm>> -> memref<32xi32, #tpu.memory_space<hbm>>
    tpu.enqueue_dma source(%dma_start3A_46 : memref<32xi32, #tpu.memory_space<hbm>>) target(%arg6 : memref<32xi32, #tpu.memory_space<vmem>>) target_semaphore(%arg18 : memref<!tpu.dma_semaphore, #tpu.memory_space<semaphore_mem>>)
    %dma_wait3A = tpu.memref_slice %arg3[%add3A_38] : memref<1024xi32, #tpu.memory_space<hbm>> -> memref<32xi32, #tpu.memory_space<hbm>>
    %dma_wait3A_47 = tpu.memref_slice %arg3[%add3A_38] : memref<1024xi32, #tpu.memory_space<hbm>> -> memref<32xi32, #tpu.memory_space<hbm>>
    tpu.wait_dma2 semaphore(%arg18 : memref<!tpu.dma_semaphore, #tpu.memory_space<semaphore_mem>>) src(%dma_wait3A_47 : memref<32xi32, #tpu.memory_space<hbm>>) dst(%arg6 : memref<32xi32, #tpu.memory_space<vmem>>)
    "tpu.region"() ({
      %run_scoped3A = tpu.sem_alloc : memref<!tpu.dma_semaphore, #tpu.memory_space<semaphore_mem>>
      %dma_start3A_962 = tpu.memref_slice %arg4[%add3A_38] : memref<1024xf32, #tpu.memory_space<hbm>> -> memref<32xf32, #tpu.memory_space<hbm>>
      %dma_start3A_963 = tpu.memref_slice %arg4[%add3A_38] : memref<1024xf32, #tpu.memory_space<hbm>> -> memref<32xf32, #tpu.memory_space<hbm>>
      tpu.enqueue_dma source(%dma_start3A_963 : memref<32xf32, #tpu.memory_space<hbm>>) target(%arg7 : memref<32xf32, #tpu.memory_space<vmem>>) target_semaphore(%run_scoped3A : memref<!tpu.dma_semaphore, #tpu.memory_space<semaphore_mem>>)
      %dma_wait3A_964 = tpu.memref_slice %arg4[%add3A_38] : memref<1024xf32, #tpu.memory_space<hbm>> -> memref<32xf32, #tpu.memory_space<hbm>>
      %dma_wait3A_965 = tpu.memref_slice %arg4[%add3A_38] : memref<1024xf32, #tpu.memory_space<hbm>> -> memref<32xf32, #tpu.memory_space<hbm>>
      tpu.wait_dma2 semaphore(%run_scoped3A : memref<!tpu.dma_semaphore, #tpu.memory_space<semaphore_mem>>) src(%dma_wait3A_965 : memref<32xf32, #tpu.memory_space<hbm>>) dst(%arg7 : memref<32xf32, #tpu.memory_space<vmem>>)
      tpu.yield
    }) : () -> ()
    %get3A = arith.constant 0 : index
    %get3A_48 = tpu.vector_load %arg6[%get3A] {strides = array<i32>} : memref<32xi32, #tpu.memory_space<vmem>>, vector<16xi32>,
    %slice3A = vector.extract_strided_slice %get3A_48 {offsets = [0], sizes = [1], strides = [1]} : vector<16xi32> to vector<1xi32>
    %squeeze3A = vector.extract %slice3A[0] : i32 from vector<1xi32>
    %shift_right_logical3A = arith.constant 3 : i32
    %shift_right_logical3A_49 = arith.shrui %squeeze3A, %shift_right_logical3A : i32
    %mul3A_50 = arith.constant 8 : i32
    %mul3A_51 = arith.muli %shift_right_logical3A_49, %mul3A_50 : i32
    %multiple_of3A_52 = tpu.assume_multiple %mul3A_51, 8 : i32
    %dma_start3A_53 = arith.constant 0 : i32
    %dma_start3A_54 = arith.constant 0 : i32
    %dma_start3A_55 = arith.constant 0 : i32
    %dma_start3A_56 = tpu.memref_slice %arg13[%dma_start3A_53, %dma_start3A_54, %dma_start3A_55] : memref<32x8x128xf32, #tpu.memory_space<vmem>> -> memref<1x8x128xf32, #tpu.memory_space<vmem>>
    %dma_start3A_57 = tpu.memref_squeeze %dma_start3A_56 : memref<1x8x128xf32, #tpu.memory_space<vmem>> -> memref<8x128xf32, #tpu.memory_space<vmem>>
    %dma_start3A_58 = tpu.memref_slice %arg2[%multiple_of3A_52, %multiple_of3A] : memref<100000x1024xf32, #tpu.memory_space<hbm>> -> memref<8x128xf32, #tpu.memory_space<hbm>>
    %dma_start3A_59 = arith.constant 0 : i32
    %dma_start3A_60 = arith.constant 0 : i32
    %dma_start3A_61 = tpu.memref_slice %arg13[%dma_start3A_53, %dma_start3A_59, %dma_start3A_60] : memref<32x8x128xf32, #tpu.memory_space<vmem>> -> memref<1x8x128xf32, #tpu.memory_space<vmem>>
    %dma_start3A_62 = tpu.memref_squeeze %dma_start3A_61 : memref<1x8x128xf32, #tpu.memory_space<vmem>> -> memref<8x128xf32, #tpu.memory_space<vmem>>
    %dma_start3A_63 = tpu.memref_slice %arg2[%multiple_of3A_52, %multiple_of3A] : memref<100000x1024xf32, #tpu.memory_space<hbm>> -> memref<8x128xf32, #tpu.memory_space<hbm>>
    tpu.enqueue_dma source(%dma_start3A_63 : memref<8x128xf32, #tpu.memory_space<hbm>>) target(%dma_start3A_62 : memref<8x128xf32, #tpu.memory_space<vmem>>) target_semaphore(%arg23 : memref<!tpu.dma_semaphore, #tpu.memory_space<semaphore_mem>>)
    %slice3A_64 = vector.extract_strided_slice %get3A_48 {offsets = [1], sizes = [1], strides = [1]} : vector<16xi32> to vector<1xi32>
    %squeeze3A_65 = vector.extract %slice3A_64[0] : i32 from vector<1xi32>
    %shift_right_logical3A_66 = arith.constant 3 : i32
    %shift_right_logical3A_67 = arith.shrui %squeeze3A_65, %shift_right_logical3A_66 : i32
    %mul3A_68 = arith.constant 8 : i32
    %mul3A_69 = arith.muli %shift_right_logical3A_67, %mul3A_68 : i32
    %multiple_of3A_70 = tpu.assume_multiple %mul3A_69, 8 : i32
    %dma_start3A_71 = arith.constant 1 : i32
    %dma_start3A_72 = arith.constant 0 : i32
    %dma_start3A_73 = arith.constant 0 : i32
    %dma_start3A_74 = tpu.memref_slice %arg13[%dma_start3A_71, %dma_start3A_72, %dma_start3A_73] : memref<32x8x128xf32, #tpu.memory_space<vmem>> -> memref<1x8x128xf32, #tpu.memory_space<vmem>>
    %dma_start3A_75 = tpu.memref_squeeze %dma_start3A_74 : memref<1x8x128xf32, #tpu.memory_space<vmem>> -> memref<8x128xf32, #tpu.memory_space<vmem>>
    %dma_start3A_76 = tpu.memref_slice %arg2[%multiple_of3A_70, %multiple_of3A] : memref<100000x1024xf32, #tpu.memory_space<hbm>> -> memref<8x128xf32, #tpu.memory_space<hbm>>
    %dma_start3A_77 = arith.constant 0 : i32
    %dma_start3A_78 = arith.constant 0 : i32
    %dma_start3A_79 = tpu.memref_slice %arg13[%dma_start3A_71, %dma_start3A_77, %dma_start3A_78] : memref<32x8x128xf32, #tpu.memory_space<vmem>> -> memref<1x8x128xf32, #tpu.memory_space<vmem>>
    %dma_start3A_80 = tpu.memref_squeeze %dma_start3A_79 : memref<1x8x128xf32, #tpu.memory_space<vmem>> -> memref<8x128xf32, #tpu.memory_space<vmem>>
    %dma_start3A_81 = tpu.memref_slice %arg2[%multiple_of3A_70, %multiple_of3A] : memref<100000x1024xf32, #tpu.memory_space<hbm>> -> memref<8x128xf32, #tpu.memory_space<hbm>>
    tpu.enqueue_dma source(%dma_start3A_81 : memref<8x128xf32, #tpu.memory_space<hbm>>) target(%dma_start3A_80 : memref<8x128xf32, #tpu.memory_space<vmem>>) target_semaphore(%arg23 : memref<!tpu.dma_semaphore, #tpu.memory_space<semaphore_mem>>)
    %slice3A_82 = vector.extract_strided_slice %get3A_48 {offsets = [2], sizes = [1], strides = [1]} : vector<16xi32> to vector<1xi32>
    %squeeze3A_83 = vector.extract %slice3A_82[0] : i32 from vector<1xi32>
    %shift_right_logical3A_84 = arith.constant 3 : i32
    %shift_right_logical3A_85 = arith.shrui %squeeze3A_83, %shift_right_logical3A_84 : i32
    %mul3A_86 = arith.constant 8 : i32
    %mul3A_87 = arith.muli %shift_right_logical3A_85, %mul3A_86 : i32
    %multiple_of3A_88 = tpu.assume_multiple %mul3A_87, 8 : i32
    %dma_start3A_89 = arith.constant 2 : i32
    %dma_start3A_90 = arith.constant 0 : i32
    %dma_start3A_91 = arith.constant 0 : i32
    %dma_start3A_92 = tpu.memref_slice %arg13[%dma_start3A_89, %dma_start3A_90, %dma_start3A_91] : memref<32x8x128xf32, #tpu.memory_space<vmem>> -> memref<1x8x128xf32, #tpu.memory_space<vmem>>
    %dma_start3A_93 = tpu.memref_squeeze %dma_start3A_92 : memref<1x8x128xf32, #tpu.memory_space<vmem>> -> memref<8x128xf32, #tpu.memory_space<vmem>>
    %dma_start3A_94 = tpu.memref_slice %arg2[%multiple_of3A_88, %multiple_of3A] : memref<100000x1024xf32, #tpu.memory_space<hbm>> -> memref<8x128xf32, #tpu.memory_space<hbm>>
    %dma_start3A_95 = arith.constant 0 : i32
    %dma_start3A_96 = arith.constant 0 : i32
    %dma_start3A_97 = tpu.memref_slice %arg13[%dma_start3A_89, %dma_start3A_95, %dma_start3A_96] : memref<32x8x128xf32, #tpu.memory_space<vmem>> -> memref<1x8x128xf32, #tpu.memory_space<vmem>>
    %dma_start3A_98 = tpu.memref_squeeze %dma_start3A_97 : memref<1x8x128xf32, #tpu.memory_space<vmem>> -> memref<8x128xf32, #tpu.memory_space<vmem>>
    %dma_start3A_99 = tpu.memref_slice %arg2[%multiple_of3A_88, %multiple_of3A] : memref<100000x1024xf32, #tpu.memory_space<hbm>> -> memref<8x128xf32, #tpu.memory_space<hbm>>
    tpu.enqueue_dma source(%dma_start3A_99 : memref<8x128xf32, #tpu.memory_space<hbm>>) target(%dma_start3A_98 : memref<8x128xf32, #tpu.memory_space<vmem>>) target_semaphore(%arg23 : memref<!tpu.dma_semaphore, #tpu.memory_space<semaphore_mem>>)
    %slice3A_100 = vector.extract_strided_slice %get3A_48 {offsets = [3], sizes = [1], strides = [1]} : vector<16xi32> to vector<1xi32>
    %squeeze3A_101 = vector.extract %slice3A_100[0] : i32 from vector<1xi32>
    %shift_right_logical3A_102 = arith.constant 3 : i32
    %shift_right_logical3A_103 = arith.shrui %squeeze3A_101, %shift_right_logical3A_102 : i32
    %mul3A_104 = arith.constant 8 : i32
    %mul3A_105 = arith.muli %shift_right_logical3A_103, %mul3A_104 : i32
    %multiple_of3A_106 = tpu.assume_multiple %mul3A_105, 8 : i32
    %dma_start3A_107 = arith.constant 3 : i32
    %dma_start3A_108 = arith.constant 0 : i32
    %dma_start3A_109 = arith.constant 0 : i32
    %dma_start3A_110 = tpu.memref_slice %arg13[%dma_start3A_107, %dma_start3A_108, %dma_start3A_109] : memref<32x8x128xf32, #tpu.memory_space<vmem>> -> memref<1x8x128xf32, #tpu.memory_space<vmem>>
    %dma_start3A_111 = tpu.memref_squeeze %dma_start3A_110 : memref<1x8x128xf32, #tpu.memory_space<vmem>> -> memref<8x128xf32, #tpu.memory_space<vmem>>
    %dma_start3A_112 = tpu.memref_slice %arg2[%multiple_of3A_106, %multiple_of3A] : memref<100000x1024xf32, #tpu.memory_space<hbm>> -> memref<8x128xf32, #tpu.memory_space<hbm>>
    %dma_start3A_113 = arith.constant 0 : i32
    %dma_start3A_114 = arith.constant 0 : i32
    %dma_start3A_115 = tpu.memref_slice %arg13[%dma_start3A_107, %dma_start3A_113, %dma_start3A_114] : memref<32x8x128xf32, #tpu.memory_space<vmem>> -> memref<1x8x128xf32, #tpu.memory_space<vmem>>
    %dma_start3A_116 = tpu.memref_squeeze %dma_start3A_115 : memref<1x8x128xf32, #tpu.memory_space<vmem>> -> memref<8x128xf32, #tpu.memory_space<vmem>>
    %dma_start3A_117 = tpu.memref_slice %arg2[%multiple_of3A_106, %multiple_of3A] : memref<100000x1024xf32, #tpu.memory_space<hbm>> -> memref<8x128xf32, #tpu.memory_space<hbm>>
    tpu.enqueue_dma source(%dma_start3A_117 : memref<8x128xf32, #tpu.memory_space<hbm>>) target(%dma_start3A_116 : memref<8x128xf32, #tpu.memory_space<vmem>>) target_semaphore(%arg23 : memref<!tpu.dma_semaphore, #tpu.memory_space<semaphore_mem>>)
    %slice3A_118 = vector.extract_strided_slice %get3A_48 {offsets = [4], sizes = [1], strides = [1]} : vector<16xi32> to vector<1xi32>
    %squeeze3A_119 = vector.extract %slice3A_118[0] : i32 from vector<1xi32>
    %shift_right_logical3A_120 = arith.constant 3 : i32
    %shift_right_logical3A_121 = arith.shrui %squeeze3A_119, %shift_right_logical3A_120 : i32
    %mul3A_122 = arith.constant 8 : i32
    %mul3A_123 = arith.muli %shift_right_logical3A_121, %mul3A_122 : i32
    %multiple_of3A_124 = tpu.assume_multiple %mul3A_123, 8 : i32
    %dma_start3A_125 = arith.constant 4 : i32
    %dma_start3A_126 = arith.constant 0 : i32
    %dma_start3A_127 = arith.constant 0 : i32
    %dma_start3A_128 = tpu.memref_slice %arg13[%dma_start3A_125, %dma_start3A_126, %dma_start3A_127] : memref<32x8x128xf32, #tpu.memory_space<vmem>> -> memref<1x8x128xf32, #tpu.memory_space<vmem>>
    %dma_start3A_129 = tpu.memref_squeeze %dma_start3A_128 : memref<1x8x128xf32, #tpu.memory_space<vmem>> -> memref<8x128xf32, #tpu.memory_space<vmem>>
    %dma_start3A_130 = tpu.memref_slice %arg2[%multiple_of3A_124, %multiple_of3A] : memref<100000x1024xf32, #tpu.memory_space<hbm>> -> memref<8x128xf32, #tpu.memory_space<hbm>>
    %dma_start3A_131 = arith.constant 0 : i32
    %dma_start3A_132 = arith.constant 0 : i32
    %dma_start3A_133 = tpu.memref_slice %arg13[%dma_start3A_125, %dma_start3A_131, %dma_start3A_132] : memref<32x8x128xf32, #tpu.memory_space<vmem>> -> memref<1x8x128xf32, #tpu.memory_space<vmem>>
    %dma_start3A_134 = tpu.memref_squeeze %dma_start3A_133 : memref<1x8x128xf32, #tpu.memory_space<vmem>> -> memref<8x128xf32, #tpu.memory_space<vmem>>
    %dma_start3A_135 = tpu.memref_slice %arg2[%multiple_of3A_124, %multiple_of3A] : memref<100000x1024xf32, #tpu.memory_space<hbm>> -> memref<8x128xf32, #tpu.memory_space<hbm>>
    tpu.enqueue_dma source(%dma_start3A_135 : memref<8x128xf32, #tpu.memory_space<hbm>>) target(%dma_start3A_134 : memref<8x128xf32, #tpu.memory_space<vmem>>) target_semaphore(%arg23 : memref<!tpu.dma_semaphore, #tpu.memory_space<semaphore_mem>>)
    %slice3A_136 = vector.extract_strided_slice %get3A_48 {offsets = [5], sizes = [1], strides = [1]} : vector<16xi32> to vector<1xi32>
    %squeeze3A_137 = vector.extract %slice3A_136[0] : i32 from vector<1xi32>
    %shift_right_logical3A_138 = arith.constant 3 : i32
    %shift_right_logical3A_139 = arith.shrui %squeeze3A_137, %shift_right_logical3A_138 : i32
    %mul3A_140 = arith.constant 8 : i32
    %mul3A_141 = arith.muli %shift_right_logical3A_139, %mul3A_140 : i32
    %multiple_of3A_142 = tpu.assume_multiple %mul3A_141, 8 : i32
    %dma_start3A_143 = arith.constant 5 : i32
    %dma_start3A_144 = arith.constant 0 : i32
    %dma_start3A_145 = arith.constant 0 : i32
    %dma_start3A_146 = tpu.memref_slice %arg13[%dma_start3A_143, %dma_start3A_144, %dma_start3A_145] : memref<32x8x128xf32, #tpu.memory_space<vmem>> -> memref<1x8x128xf32, #tpu.memory_space<vmem>>
    %dma_start3A_147 = tpu.memref_squeeze %dma_start3A_146 : memref<1x8x128xf32, #tpu.memory_space<vmem>> -> memref<8x128xf32, #tpu.memory_space<vmem>>
    %dma_start3A_148 = tpu.memref_slice %arg2[%multiple_of3A_142, %multiple_of3A] : memref<100000x1024xf32, #tpu.memory_space<hbm>> -> memref<8x128xf32, #tpu.memory_space<hbm>>
    %dma_start3A_149 = arith.constant 0 : i32
    %dma_start3A_150 = arith.constant 0 : i32
    %dma_start3A_151 = tpu.memref_slice %arg13[%dma_start3A_143, %dma_start3A_149, %dma_start3A_150] : memref<32x8x128xf32, #tpu.memory_space<vmem>> -> memref<1x8x128xf32, #tpu.memory_space<vmem>>
    %dma_start3A_152 = tpu.memref_squeeze %dma_start3A_151 : memref<1x8x128xf32, #tpu.memory_space<vmem>> -> memref<8x128xf32, #tpu.memory_space<vmem>>
    %dma_start3A_153 = tpu.memref_slice %arg2[%multiple_of3A_142, %multiple_of3A] : memref<100000x1024xf32, #tpu.memory_space<hbm>> -> memref<8x128xf32, #tpu.memory_space<hbm>>
    tpu.enqueue_dma source(%dma_start3A_153 : memref<8x128xf32, #tpu.memory_space<hbm>>) target(%dma_start3A_152 : memref<8x128xf32, #tpu.memory_space<vmem>>) target_semaphore(%arg23 : memref<!tpu.dma_semaphore, #tpu.memory_space<semaphore_mem>>)
    %slice3A_154 = vector.extract_strided_slice %get3A_48 {offsets = [6], sizes = [1], strides = [1]} : vector<16xi32> to vector<1xi32>
    %squeeze3A_155 = vector.extract %slice3A_154[0] : i32 from vector<1xi32>
    %shift_right_logical3A_156 = arith.constant 3 : i32
    %shift_right_logical3A_157 = arith.shrui %squeeze3A_155, %shift_right_logical3A_156 : i32
    %mul3A_158 = arith.constant 8 : i32
    %mul3A_159 = arith.muli %shift_right_logical3A_157, %mul3A_158 : i32
    %multiple_of3A_160 = tpu.assume_multiple %mul3A_159, 8 : i32
    %dma_start3A_161 = arith.constant 6 : i32
    %dma_start3A_162 = arith.constant 0 : i32
    %dma_start3A_163 = arith.constant 0 : i32
    %dma_start3A_164 = tpu.memref_slice %arg13[%dma_start3A_161, %dma_start3A_162, %dma_start3A_163] : memref<32x8x128xf32, #tpu.memory_space<vmem>> -> memref<1x8x128xf32, #tpu.memory_space<vmem>>
    %dma_start3A_165 = tpu.memref_squeeze %dma_start3A_164 : memref<1x8x128xf32, #tpu.memory_space<vmem>> -> memref<8x128xf32, #tpu.memory_space<vmem>>
    %dma_start3A_166 = tpu.memref_slice %arg2[%multiple_of3A_160, %multiple_of3A] : memref<100000x1024xf32, #tpu.memory_space<hbm>> -> memref<8x128xf32, #tpu.memory_space<hbm>>
    %dma_start3A_167 = arith.constant 0 : i32
    %dma_start3A_168 = arith.constant 0 : i32
    %dma_start3A_169 = tpu.memref_slice %arg13[%dma_start3A_161, %dma_start3A_167, %dma_start3A_168] : memref<32x8x128xf32, #tpu.memory_space<vmem>> -> memref<1x8x128xf32, #tpu.memory_space<vmem>>
    %dma_start3A_170 = tpu.memref_squeeze %dma_start3A_169 : memref<1x8x128xf32, #tpu.memory_space<vmem>> -> memref<8x128xf32, #tpu.memory_space<vmem>>
    %dma_start3A_171 = tpu.memref_slice %arg2[%multiple_of3A_160, %multiple_of3A] : memref<100000x1024xf32, #tpu.memory_space<hbm>> -> memref<8x128xf32, #tpu.memory_space<hbm>>
    tpu.enqueue_dma source(%dma_start3A_171 : memref<8x128xf32, #tpu.memory_space<hbm>>) target(%dma_start3A_170 : memref<8x128xf32, #tpu.memory_space<vmem>>) target_semaphore(%arg23 : memref<!tpu.dma_semaphore, #tpu.memory_space<semaphore_mem>>)
    %slice3A_172 = vector.extract_strided_slice %get3A_48 {offsets = [7], sizes = [1], strides = [1]} : vector<16xi32> to vector<1xi32>
    %squeeze3A_173 = vector.extract %slice3A_172[0] : i32 from vector<1xi32>
    %shift_right_logical3A_174 = arith.constant 3 : i32
    %shift_right_logical3A_175 = arith.shrui %squeeze3A_173, %shift_right_logical3A_174 : i32
    %mul3A_176 = arith.constant 8 : i32
    %mul3A_177 = arith.muli %shift_right_logical3A_175, %mul3A_176 : i32
    %multiple_of3A_178 = tpu.assume_multiple %mul3A_177, 8 : i32
    %dma_start3A_179 = arith.constant 7 : i32
    %dma_start3A_180 = arith.constant 0 : i32
    %dma_start3A_181 = arith.constant 0 : i32
    %dma_start3A_182 = tpu.memref_slice %arg13[%dma_start3A_179, %dma_start3A_180, %dma_start3A_181] : memref<32x8x128xf32, #tpu.memory_space<vmem>> -> memref<1x8x128xf32, #tpu.memory_space<vmem>>
    %dma_start3A_183 = tpu.memref_squeeze %dma_start3A_182 : memref<1x8x128xf32, #tpu.memory_space<vmem>> -> memref<8x128xf32, #tpu.memory_space<vmem>>
    %dma_start3A_184 = tpu.memref_slice %arg2[%multiple_of3A_178, %multiple_of3A] : memref<100000x1024xf32, #tpu.memory_space<hbm>> -> memref<8x128xf32, #tpu.memory_space<hbm>>
    %dma_start3A_185 = arith.constant 0 : i32
    %dma_start3A_186 = arith.constant 0 : i32
    %dma_start3A_187 = tpu.memref_slice %arg13[%dma_start3A_179, %dma_start3A_185, %dma_start3A_186] : memref<32x8x128xf32, #tpu.memory_space<vmem>> -> memref<1x8x128xf32, #tpu.memory_space<vmem>>
    %dma_start3A_188 = tpu.memref_squeeze %dma_start3A_187 : memref<1x8x128xf32, #tpu.memory_space<vmem>> -> memref<8x128xf32, #tpu.memory_space<vmem>>
    %dma_start3A_189 = tpu.memref_slice %arg2[%multiple_of3A_178, %multiple_of3A] : memref<100000x1024xf32, #tpu.memory_space<hbm>> -> memref<8x128xf32, #tpu.memory_space<hbm>>
    tpu.enqueue_dma source(%dma_start3A_189 : memref<8x128xf32, #tpu.memory_space<hbm>>) target(%dma_start3A_188 : memref<8x128xf32, #tpu.memory_space<vmem>>) target_semaphore(%arg23 : memref<!tpu.dma_semaphore, #tpu.memory_space<semaphore_mem>>)
    %slice3A_190 = vector.extract_strided_slice %get3A_48 {offsets = [8], sizes = [1], strides = [1]} : vector<16xi32> to vector<1xi32>
    %squeeze3A_191 = vector.extract %slice3A_190[0] : i32 from vector<1xi32>
    %shift_right_logical3A_192 = arith.constant 3 : i32
    %shift_right_logical3A_193 = arith.shrui %squeeze3A_191, %shift_right_logical3A_192 : i32
    %mul3A_194 = arith.constant 8 : i32
    %mul3A_195 = arith.muli %shift_right_logical3A_193, %mul3A_194 : i32
    %multiple_of3A_196 = tpu.assume_multiple %mul3A_195, 8 : i32
    %dma_start3A_197 = arith.constant 8 : i32
    %dma_start3A_198 = arith.constant 0 : i32
    %dma_start3A_199 = arith.constant 0 : i32
    %dma_start3A_200 = tpu.memref_slice %arg13[%dma_start3A_197, %dma_start3A_198, %dma_start3A_199] : memref<32x8x128xf32, #tpu.memory_space<vmem>> -> memref<1x8x128xf32, #tpu.memory_space<vmem>>
    %dma_start3A_201 = tpu.memref_squeeze %dma_start3A_200 : memref<1x8x128xf32, #tpu.memory_space<vmem>> -> memref<8x128xf32, #tpu.memory_space<vmem>>
    %dma_start3A_202 = tpu.memref_slice %arg2[%multiple_of3A_196, %multiple_of3A] : memref<100000x1024xf32, #tpu.memory_space<hbm>> -> memref<8x128xf32, #tpu.memory_space<hbm>>
    %dma_start3A_203 = arith.constant 0 : i32
    %dma_start3A_204 = arith.constant 0 : i32
    %dma_start3A_205 = tpu.memref_slice %arg13[%dma_start3A_197, %dma_start3A_203, %dma_start3A_204] : memref<32x8x128xf32, #tpu.memory_space<vmem>> -> memref<1x8x128xf32, #tpu.memory_space<vmem>>
    %dma_start3A_206 = tpu.memref_squeeze %dma_start3A_205 : memref<1x8x128xf32, #tpu.memory_space<vmem>> -> memref<8x128xf32, #tpu.memory_space<vmem>>
    %dma_start3A_207 = tpu.memref_slice %arg2[%multiple_of3A_196, %multiple_of3A] : memref<100000x1024xf32, #tpu.memory_space<hbm>> -> memref<8x128xf32, #tpu.memory_space<hbm>>
    tpu.enqueue_dma source(%dma_start3A_207 : memref<8x128xf32, #tpu.memory_space<hbm>>) target(%dma_start3A_206 : memref<8x128xf32, #tpu.memory_space<vmem>>) target_semaphore(%arg23 : memref<!tpu.dma_semaphore, #tpu.memory_space<semaphore_mem>>)
    %slice3A_208 = vector.extract_strided_slice %get3A_48 {offsets = [9], sizes = [1], strides = [1]} : vector<16xi32> to vector<1xi32>
    %squeeze3A_209 = vector.extract %slice3A_208[0] : i32 from vector<1xi32>
    %shift_right_logical3A_210 = arith.constant 3 : i32
    %shift_right_logical3A_211 = arith.shrui %squeeze3A_209, %shift_right_logical3A_210 : i32
    %mul3A_212 = arith.constant 8 : i32
    %mul3A_213 = arith.muli %shift_right_logical3A_211, %mul3A_212 : i32
    %multiple_of3A_214 = tpu.assume_multiple %mul3A_213, 8 : i32
    %dma_start3A_215 = arith.constant 9 : i32
    %dma_start3A_216 = arith.constant 0 : i32
    %dma_start3A_217 = arith.constant 0 : i32
    %dma_start3A_218 = tpu.memref_slice %arg13[%dma_start3A_215, %dma_start3A_216, %dma_start3A_217] : memref<32x8x128xf32, #tpu.memory_space<vmem>> -> memref<1x8x128xf32, #tpu.memory_space<vmem>>
    %dma_start3A_219 = tpu.memref_squeeze %dma_start3A_218 : memref<1x8x128xf32, #tpu.memory_space<vmem>> -> memref<8x128xf32, #tpu.memory_space<vmem>>
    %dma_start3A_220 = tpu.memref_slice %arg2[%multiple_of3A_214, %multiple_of3A] : memref<100000x1024xf32, #tpu.memory_space<hbm>> -> memref<8x128xf32, #tpu.memory_space<hbm>>
    %dma_start3A_221 = arith.constant 0 : i32
    %dma_start3A_222 = arith.constant 0 : i32
    %dma_start3A_223 = tpu.memref_slice %arg13[%dma_start3A_215, %dma_start3A_221, %dma_start3A_222] : memref<32x8x128xf32, #tpu.memory_space<vmem>> -> memref<1x8x128xf32, #tpu.memory_space<vmem>>
    %dma_start3A_224 = tpu.memref_squeeze %dma_start3A_223 : memref<1x8x128xf32, #tpu.memory_space<vmem>> -> memref<8x128xf32, #tpu.memory_space<vmem>>
    %dma_start3A_225 = tpu.memref_slice %arg2[%multiple_of3A_214, %multiple_of3A] : memref<100000x1024xf32, #tpu.memory_space<hbm>> -> memref<8x128xf32, #tpu.memory_space<hbm>>
    tpu.enqueue_dma source(%dma_start3A_225 : memref<8x128xf32, #tpu.memory_space<hbm>>) target(%dma_start3A_224 : memref<8x128xf32, #tpu.memory_space<vmem>>) target_semaphore(%arg23 : memref<!tpu.dma_semaphore, #tpu.memory_space<semaphore_mem>>)
    %slice3A_226 = vector.extract_strided_slice %get3A_48 {offsets = [10], sizes = [1], strides = [1]} : vector<16xi32> to vector<1xi32>
    %squeeze3A_227 = vector.extract %slice3A_226[0] : i32 from vector<1xi32>
    %shift_right_logical3A_228 = arith.constant 3 : i32
    %shift_right_logical3A_229 = arith.shrui %squeeze3A_227, %shift_right_logical3A_228 : i32
    %mul3A_230 = arith.constant 8 : i32
    %mul3A_231 = arith.muli %shift_right_logical3A_229, %mul3A_230 : i32
    %multiple_of3A_232 = tpu.assume_multiple %mul3A_231, 8 : i32
    %dma_start3A_233 = arith.constant 10 : i32
    %dma_start3A_234 = arith.constant 0 : i32
    %dma_start3A_235 = arith.constant 0 : i32
    %dma_start3A_236 = tpu.memref_slice %arg13[%dma_start3A_233, %dma_start3A_234, %dma_start3A_235] : memref<32x8x128xf32, #tpu.memory_space<vmem>> -> memref<1x8x128xf32, #tpu.memory_space<vmem>>
    %dma_start3A_237 = tpu.memref_squeeze %dma_start3A_236 : memref<1x8x128xf32, #tpu.memory_space<vmem>> -> memref<8x128xf32, #tpu.memory_space<vmem>>
    %dma_start3A_238 = tpu.memref_slice %arg2[%multiple_of3A_232, %multiple_of3A] : memref<100000x1024xf32, #tpu.memory_space<hbm>> -> memref<8x128xf32, #tpu.memory_space<hbm>>
    %dma_start3A_239 = arith.constant 0 : i32
    %dma_start3A_240 = arith.constant 0 : i32
    %dma_start3A_241 = tpu.memref_slice %arg13[%dma_start3A_233, %dma_start3A_239, %dma_start3A_240] : memref<32x8x128xf32, #tpu.memory_space<vmem>> -> memref<1x8x128xf32, #tpu.memory_space<vmem>>
    %dma_start3A_242 = tpu.memref_squeeze %dma_start3A_241 : memref<1x8x128xf32, #tpu.memory_space<vmem>> -> memref<8x128xf32, #tpu.memory_space<vmem>>
    %dma_start3A_243 = tpu.memref_slice %arg2[%multiple_of3A_232, %multiple_of3A] : memref<100000x1024xf32, #tpu.memory_space<hbm>> -> memref<8x128xf32, #tpu.memory_space<hbm>>
    tpu.enqueue_dma source(%dma_start3A_243 : memref<8x128xf32, #tpu.memory_space<hbm>>) target(%dma_start3A_242 : memref<8x128xf32, #tpu.memory_space<vmem>>) target_semaphore(%arg23 : memref<!tpu.dma_semaphore, #tpu.memory_space<semaphore_mem>>)
    %slice3A_244 = vector.extract_strided_slice %get3A_48 {offsets = [11], sizes = [1], strides = [1]} : vector<16xi32> to vector<1xi32>
    %squeeze3A_245 = vector.extract %slice3A_244[0] : i32 from vector<1xi32>
    %shift_right_logical3A_246 = arith.constant 3 : i32
    %shift_right_logical3A_247 = arith.shrui %squeeze3A_245, %shift_right_logical3A_246 : i32
    %mul3A_248 = arith.constant 8 : i32
    %mul3A_249 = arith.muli %shift_right_logical3A_247, %mul3A_248 : i32
    %multiple_of3A_250 = tpu.assume_multiple %mul3A_249, 8 : i32
    %dma_start3A_251 = arith.constant 11 : i32
    %dma_start3A_252 = arith.constant 0 : i32
    %dma_start3A_253 = arith.constant 0 : i32
    %dma_start3A_254 = tpu.memref_slice %arg13[%dma_start3A_251, %dma_start3A_252, %dma_start3A_253] : memref<32x8x128xf32, #tpu.memory_space<vmem>> -> memref<1x8x128xf32, #tpu.memory_space<vmem>>
    %dma_start3A_255 = tpu.memref_squeeze %dma_start3A_254 : memref<1x8x128xf32, #tpu.memory_space<vmem>> -> memref<8x128xf32, #tpu.memory_space<vmem>>
    %dma_start3A_256 = tpu.memref_slice %arg2[%multiple_of3A_250, %multiple_of3A] : memref<100000x1024xf32, #tpu.memory_space<hbm>> -> memref<8x128xf32, #tpu.memory_space<hbm>>
    %dma_start3A_257 = arith.constant 0 : i32
    %dma_start3A_258 = arith.constant 0 : i32
    %dma_start3A_259 = tpu.memref_slice %arg13[%dma_start3A_251, %dma_start3A_257, %dma_start3A_258] : memref<32x8x128xf32, #tpu.memory_space<vmem>> -> memref<1x8x128xf32, #tpu.memory_space<vmem>>
    %dma_start3A_260 = tpu.memref_squeeze %dma_start3A_259 : memref<1x8x128xf32, #tpu.memory_space<vmem>> -> memref<8x128xf32, #tpu.memory_space<vmem>>
    %dma_start3A_261 = tpu.memref_slice %arg2[%multiple_of3A_250, %multiple_of3A] : memref<100000x1024xf32, #tpu.memory_space<hbm>> -> memref<8x128xf32, #tpu.memory_space<hbm>>
    tpu.enqueue_dma source(%dma_start3A_261 : memref<8x128xf32, #tpu.memory_space<hbm>>) target(%dma_start3A_260 : memref<8x128xf32, #tpu.memory_space<vmem>>) target_semaphore(%arg23 : memref<!tpu.dma_semaphore, #tpu.memory_space<semaphore_mem>>)
    %slice3A_262 = vector.extract_strided_slice %get3A_48 {offsets = [12], sizes = [1], strides = [1]} : vector<16xi32> to vector<1xi32>
    %squeeze3A_263 = vector.extract %slice3A_262[0] : i32 from vector<1xi32>
    %shift_right_logical3A_264 = arith.constant 3 : i32
    %shift_right_logical3A_265 = arith.shrui %squeeze3A_263, %shift_right_logical3A_264 : i32
    %mul3A_266 = arith.constant 8 : i32
    %mul3A_267 = arith.muli %shift_right_logical3A_265, %mul3A_266 : i32
    %multiple_of3A_268 = tpu.assume_multiple %mul3A_267, 8 : i32
    %dma_start3A_269 = arith.constant 12 : i32
    %dma_start3A_270 = arith.constant 0 : i32
    %dma_start3A_271 = arith.constant 0 : i32
    %dma_start3A_272 = tpu.memref_slice %arg13[%dma_start3A_269, %dma_start3A_270, %dma_start3A_271] : memref<32x8x128xf32, #tpu.memory_space<vmem>> -> memref<1x8x128xf32, #tpu.memory_space<vmem>>
    %dma_start3A_273 = tpu.memref_squeeze %dma_start3A_272 : memref<1x8x128xf32, #tpu.memory_space<vmem>> -> memref<8x128xf32, #tpu.memory_space<vmem>>
    %dma_start3A_274 = tpu.memref_slice %arg2[%multiple_of3A_268, %multiple_of3A] : memref<100000x1024xf32, #tpu.memory_space<hbm>> -> memref<8x128xf32, #tpu.memory_space<hbm>>
    %dma_start3A_275 = arith.constant 0 : i32
    %dma_start3A_276 = arith.constant 0 : i32
    %dma_start3A_277 = tpu.memref_slice %arg13[%dma_start3A_269, %dma_start3A_275, %dma_start3A_276] : memref<32x8x128xf32, #tpu.memory_space<vmem>> -> memref<1x8x128xf32, #tpu.memory_space<vmem>>
    %dma_start3A_278 = tpu.memref_squeeze %dma_start3A_277 : memref<1x8x128xf32, #tpu.memory_space<vmem>> -> memref<8x128xf32, #tpu.memory_space<vmem>>
    %dma_start3A_279 = tpu.memref_slice %arg2[%multiple_of3A_268, %multiple_of3A] : memref<100000x1024xf32, #tpu.memory_space<hbm>> -> memref<8x128xf32, #tpu.memory_space<hbm>>
    tpu.enqueue_dma source(%dma_start3A_279 : memref<8x128xf32, #tpu.memory_space<hbm>>) target(%dma_start3A_278 : memref<8x128xf32, #tpu.memory_space<vmem>>) target_semaphore(%arg23 : memref<!tpu.dma_semaphore, #tpu.memory_space<semaphore_mem>>)
    %slice3A_280 = vector.extract_strided_slice %get3A_48 {offsets = [13], sizes = [1], strides = [1]} : vector<16xi32> to vector<1xi32>
    %squeeze3A_281 = vector.extract %slice3A_280[0] : i32 from vector<1xi32>
    %shift_right_logical3A_282 = arith.constant 3 : i32
    %shift_right_logical3A_283 = arith.shrui %squeeze3A_281, %shift_right_logical3A_282 : i32
    %mul3A_284 = arith.constant 8 : i32
    %mul3A_285 = arith.muli %shift_right_logical3A_283, %mul3A_284 : i32
    %multiple_of3A_286 = tpu.assume_multiple %mul3A_285, 8 : i32
    %dma_start3A_287 = arith.constant 13 : i32
    %dma_start3A_288 = arith.constant 0 : i32
    %dma_start3A_289 = arith.constant 0 : i32
    %dma_start3A_290 = tpu.memref_slice %arg13[%dma_start3A_287, %dma_start3A_288, %dma_start3A_289] : memref<32x8x128xf32, #tpu.memory_space<vmem>> -> memref<1x8x128xf32, #tpu.memory_space<vmem>>
    %dma_start3A_291 = tpu.memref_squeeze %dma_start3A_290 : memref<1x8x128xf32, #tpu.memory_space<vmem>> -> memref<8x128xf32, #tpu.memory_space<vmem>>
    %dma_start3A_292 = tpu.memref_slice %arg2[%multiple_of3A_286, %multiple_of3A] : memref<100000x1024xf32, #tpu.memory_space<hbm>> -> memref<8x128xf32, #tpu.memory_space<hbm>>
    %dma_start3A_293 = arith.constant 0 : i32
    %dma_start3A_294 = arith.constant 0 : i32
    %dma_start3A_295 = tpu.memref_slice %arg13[%dma_start3A_287, %dma_start3A_293, %dma_start3A_294] : memref<32x8x128xf32, #tpu.memory_space<vmem>> -> memref<1x8x128xf32, #tpu.memory_space<vmem>>
    %dma_start3A_296 = tpu.memref_squeeze %dma_start3A_295 : memref<1x8x128xf32, #tpu.memory_space<vmem>> -> memref<8x128xf32, #tpu.memory_space<vmem>>
    %dma_start3A_297 = tpu.memref_slice %arg2[%multiple_of3A_286, %multiple_of3A] : memref<100000x1024xf32, #tpu.memory_space<hbm>> -> memref<8x128xf32, #tpu.memory_space<hbm>>
    tpu.enqueue_dma source(%dma_start3A_297 : memref<8x128xf32, #tpu.memory_space<hbm>>) target(%dma_start3A_296 : memref<8x128xf32, #tpu.memory_space<vmem>>) target_semaphore(%arg23 : memref<!tpu.dma_semaphore, #tpu.memory_space<semaphore_mem>>)
    %slice3A_298 = vector.extract_strided_slice %get3A_48 {offsets = [14], sizes = [1], strides = [1]} : vector<16xi32> to vector<1xi32>
    %squeeze3A_299 = vector.extract %slice3A_298[0] : i32 from vector<1xi32>
    %shift_right_logical3A_300 = arith.constant 3 : i32
    %shift_right_logical3A_301 = arith.shrui %squeeze3A_299, %shift_right_logical3A_300 : i32
    %mul3A_302 = arith.constant 8 : i32
    %mul3A_303 = arith.muli %shift_right_logical3A_301, %mul3A_302 : i32
    %multiple_of3A_304 = tpu.assume_multiple %mul3A_303, 8 : i32
    %dma_start3A_305 = arith.constant 14 : i32
    %dma_start3A_306 = arith.constant 0 : i32
    %dma_start3A_307 = arith.constant 0 : i32
    %dma_start3A_308 = tpu.memref_slice %arg13[%dma_start3A_305, %dma_start3A_306, %dma_start3A_307] : memref<32x8x128xf32, #tpu.memory_space<vmem>> -> memref<1x8x128xf32, #tpu.memory_space<vmem>>
    %dma_start3A_309 = tpu.memref_squeeze %dma_start3A_308 : memref<1x8x128xf32, #tpu.memory_space<vmem>> -> memref<8x128xf32, #tpu.memory_space<vmem>>
    %dma_start3A_310 = tpu.memref_slice %arg2[%multiple_of3A_304, %multiple_of3A] : memref<100000x1024xf32, #tpu.memory_space<hbm>> -> memref<8x128xf32, #tpu.memory_space<hbm>>
    %dma_start3A_311 = arith.constant 0 : i32
    %dma_start3A_312 = arith.constant 0 : i32
    %dma_start3A_313 = tpu.memref_slice %arg13[%dma_start3A_305, %dma_start3A_311, %dma_start3A_312] : memref<32x8x128xf32, #tpu.memory_space<vmem>> -> memref<1x8x128xf32, #tpu.memory_space<vmem>>
    %dma_start3A_314 = tpu.memref_squeeze %dma_start3A_313 : memref<1x8x128xf32, #tpu.memory_space<vmem>> -> memref<8x128xf32, #tpu.memory_space<vmem>>
    %dma_start3A_315 = tpu.memref_slice %arg2[%multiple_of3A_304, %multiple_of3A] : memref<100000x1024xf32, #tpu.memory_space<hbm>> -> memref<8x128xf32, #tpu.memory_space<hbm>>
    tpu.enqueue_dma source(%dma_start3A_315 : memref<8x128xf32, #tpu.memory_space<hbm>>) target(%dma_start3A_314 : memref<8x128xf32, #tpu.memory_space<vmem>>) target_semaphore(%arg23 : memref<!tpu.dma_semaphore, #tpu.memory_space<semaphore_mem>>)
    %slice3A_316 = vector.extract_strided_slice %get3A_48 {offsets = [15], sizes = [1], strides = [1]} : vector<16xi32> to vector<1xi32>
    %squeeze3A_317 = vector.extract %slice3A_316[0] : i32 from vector<1xi32>
    %shift_right_logical3A_318 = arith.constant 3 : i32
    %shift_right_logical3A_319 = arith.shrui %squeeze3A_317, %shift_right_logical3A_318 : i32
    %mul3A_320 = arith.constant 8 : i32
    %mul3A_321 = arith.muli %shift_right_logical3A_319, %mul3A_320 : i32
    %multiple_of3A_322 = tpu.assume_multiple %mul3A_321, 8 : i32
    %dma_start3A_323 = arith.constant 15 : i32
    %dma_start3A_324 = arith.constant 0 : i32
    %dma_start3A_325 = arith.constant 0 : i32
    %dma_start3A_326 = tpu.memref_slice %arg13[%dma_start3A_323, %dma_start3A_324, %dma_start3A_325] : memref<32x8x128xf32, #tpu.memory_space<vmem>> -> memref<1x8x128xf32, #tpu.memory_space<vmem>>
    %dma_start3A_327 = tpu.memref_squeeze %dma_start3A_326 : memref<1x8x128xf32, #tpu.memory_space<vmem>> -> memref<8x128xf32, #tpu.memory_space<vmem>>
    %dma_start3A_328 = tpu.memref_slice %arg2[%multiple_of3A_322, %multiple_of3A] : memref<100000x1024xf32, #tpu.memory_space<hbm>> -> memref<8x128xf32, #tpu.memory_space<hbm>>
    %dma_start3A_329 = arith.constant 0 : i32
    %dma_start3A_330 = arith.constant 0 : i32
    %dma_start3A_331 = tpu.memref_slice %arg13[%dma_start3A_323, %dma_start3A_329, %dma_start3A_330] : memref<32x8x128xf32, #tpu.memory_space<vmem>> -> memref<1x8x128xf32, #tpu.memory_space<vmem>>
    %dma_start3A_332 = tpu.memref_squeeze %dma_start3A_331 : memref<1x8x128xf32, #tpu.memory_space<vmem>> -> memref<8x128xf32, #tpu.memory_space<vmem>>
    %dma_start3A_333 = tpu.memref_slice %arg2[%multiple_of3A_322, %multiple_of3A] : memref<100000x1024xf32, #tpu.memory_space<hbm>> -> memref<8x128xf32, #tpu.memory_space<hbm>>
    tpu.enqueue_dma source(%dma_start3A_333 : memref<8x128xf32, #tpu.memory_space<hbm>>) target(%dma_start3A_332 : memref<8x128xf32, #tpu.memory_space<vmem>>) target_semaphore(%arg23 : memref<!tpu.dma_semaphore, #tpu.memory_space<semaphore_mem>>)
    %get3A_334 = arith.constant 16 : index
    %get3A_335 = tpu.vector_load %arg6[%get3A_334] {strides = array<i32>} : memref<32xi32, #tpu.memory_space<vmem>>, vector<16xi32>,
    %slice3A_336 = vector.extract_strided_slice %get3A_335 {offsets = [0], sizes = [1], strides = [1]} : vector<16xi32> to vector<1xi32>
    %squeeze3A_337 = vector.extract %slice3A_336[0] : i32 from vector<1xi32>
    %shift_right_logical3A_338 = arith.constant 3 : i32
    %shift_right_logical3A_339 = arith.shrui %squeeze3A_337, %shift_right_logical3A_338 : i32
    %mul3A_340 = arith.constant 8 : i32
    %mul3A_341 = arith.muli %shift_right_logical3A_339, %mul3A_340 : i32
    %multiple_of3A_342 = tpu.assume_multiple %mul3A_341, 8 : i32
    %dma_start3A_343 = arith.constant 16 : i32
    %dma_start3A_344 = arith.constant 0 : i32
    %dma_start3A_345 = arith.constant 0 : i32
    %dma_start3A_346 = tpu.memref_slice %arg13[%dma_start3A_343, %dma_start3A_344, %dma_start3A_345] : memref<32x8x128xf32, #tpu.memory_space<vmem>> -> memref<1x8x128xf32, #tpu.memory_space<vmem>>
    %dma_start3A_347 = tpu.memref_squeeze %dma_start3A_346 : memref<1x8x128xf32, #tpu.memory_space<vmem>> -> memref<8x128xf32, #tpu.memory_space<vmem>>
    %dma_start3A_348 = tpu.memref_slice %arg2[%multiple_of3A_342, %multiple_of3A] : memref<100000x1024xf32, #tpu.memory_space<hbm>> -> memref<8x128xf32, #tpu.memory_space<hbm>>
    %dma_start3A_349 = arith.constant 0 : i32
    %dma_start3A_350 = arith.constant 0 : i32
    %dma_start3A_351 = tpu.memref_slice %arg13[%dma_start3A_343, %dma_start3A_349, %dma_start3A_350] : memref<32x8x128xf32, #tpu.memory_space<vmem>> -> memref<1x8x128xf32, #tpu.memory_space<vmem>>
    %dma_start3A_352 = tpu.memref_squeeze %dma_start3A_351 : memref<1x8x128xf32, #tpu.memory_space<vmem>> -> memref<8x128xf32, #tpu.memory_space<vmem>>
    %dma_start3A_353 = tpu.memref_slice %arg2[%multiple_of3A_342, %multiple_of3A] : memref<100000x1024xf32, #tpu.memory_space<hbm>> -> memref<8x128xf32, #tpu.memory_space<hbm>>
    tpu.enqueue_dma source(%dma_start3A_353 : memref<8x128xf32, #tpu.memory_space<hbm>>) target(%dma_start3A_352 : memref<8x128xf32, #tpu.memory_space<vmem>>) target_semaphore(%arg23 : memref<!tpu.dma_semaphore, #tpu.memory_space<semaphore_mem>>)
    %slice3A_354 = vector.extract_strided_slice %get3A_335 {offsets = [1], sizes = [1], strides = [1]} : vector<16xi32> to vector<1xi32>
    %squeeze3A_355 = vector.extract %slice3A_354[0] : i32 from vector<1xi32>
    %shift_right_logical3A_356 = arith.constant 3 : i32
    %shift_right_logical3A_357 = arith.shrui %squeeze3A_355, %shift_right_logical3A_356 : i32
    %mul3A_358 = arith.constant 8 : i32
    %mul3A_359 = arith.muli %shift_right_logical3A_357, %mul3A_358 : i32
    %multiple_of3A_360 = tpu.assume_multiple %mul3A_359, 8 : i32
    %dma_start3A_361 = arith.constant 17 : i32
    %dma_start3A_362 = arith.constant 0 : i32
    %dma_start3A_363 = arith.constant 0 : i32
    %dma_start3A_364 = tpu.memref_slice %arg13[%dma_start3A_361, %dma_start3A_362, %dma_start3A_363] : memref<32x8x128xf32, #tpu.memory_space<vmem>> -> memref<1x8x128xf32, #tpu.memory_space<vmem>>
    %dma_start3A_365 = tpu.memref_squeeze %dma_start3A_364 : memref<1x8x128xf32, #tpu.memory_space<vmem>> -> memref<8x128xf32, #tpu.memory_space<vmem>>
    %dma_start3A_366 = tpu.memref_slice %arg2[%multiple_of3A_360, %multiple_of3A] : memref<100000x1024xf32, #tpu.memory_space<hbm>> -> memref<8x128xf32, #tpu.memory_space<hbm>>
    %dma_start3A_367 = arith.constant 0 : i32
    %dma_start3A_368 = arith.constant 0 : i32
    %dma_start3A_369 = tpu.memref_slice %arg13[%dma_start3A_361, %dma_start3A_367, %dma_start3A_368] : memref<32x8x128xf32, #tpu.memory_space<vmem>> -> memref<1x8x128xf32, #tpu.memory_space<vmem>>
    %dma_start3A_370 = tpu.memref_squeeze %dma_start3A_369 : memref<1x8x128xf32, #tpu.memory_space<vmem>> -> memref<8x128xf32, #tpu.memory_space<vmem>>
    %dma_start3A_371 = tpu.memref_slice %arg2[%multiple_of3A_360, %multiple_of3A] : memref<100000x1024xf32, #tpu.memory_space<hbm>> -> memref<8x128xf32, #tpu.memory_space<hbm>>
    tpu.enqueue_dma source(%dma_start3A_371 : memref<8x128xf32, #tpu.memory_space<hbm>>) target(%dma_start3A_370 : memref<8x128xf32, #tpu.memory_space<vmem>>) target_semaphore(%arg23 : memref<!tpu.dma_semaphore, #tpu.memory_space<semaphore_mem>>)
    %slice3A_372 = vector.extract_strided_slice %get3A_335 {offsets = [2], sizes = [1], strides = [1]} : vector<16xi32> to vector<1xi32>
    %squeeze3A_373 = vector.extract %slice3A_372[0] : i32 from vector<1xi32>
    %shift_right_logical3A_374 = arith.constant 3 : i32
    %shift_right_logical3A_375 = arith.shrui %squeeze3A_373, %shift_right_logical3A_374 : i32
    %mul3A_376 = arith.constant 8 : i32
    %mul3A_377 = arith.muli %shift_right_logical3A_375, %mul3A_376 : i32
    %multiple_of3A_378 = tpu.assume_multiple %mul3A_377, 8 : i32
    %dma_start3A_379 = arith.constant 18 : i32
    %dma_start3A_380 = arith.constant 0 : i32
    %dma_start3A_381 = arith.constant 0 : i32
    %dma_start3A_382 = tpu.memref_slice %arg13[%dma_start3A_379, %dma_start3A_380, %dma_start3A_381] : memref<32x8x128xf32, #tpu.memory_space<vmem>> -> memref<1x8x128xf32, #tpu.memory_space<vmem>>
    %dma_start3A_383 = tpu.memref_squeeze %dma_start3A_382 : memref<1x8x128xf32, #tpu.memory_space<vmem>> -> memref<8x128xf32, #tpu.memory_space<vmem>>
    %dma_start3A_384 = tpu.memref_slice %arg2[%multiple_of3A_378, %multiple_of3A] : memref<100000x1024xf32, #tpu.memory_space<hbm>> -> memref<8x128xf32, #tpu.memory_space<hbm>>
    %dma_start3A_385 = arith.constant 0 : i32
    %dma_start3A_386 = arith.constant 0 : i32
    %dma_start3A_387 = tpu.memref_slice %arg13[%dma_start3A_379, %dma_start3A_385, %dma_start3A_386] : memref<32x8x128xf32, #tpu.memory_space<vmem>> -> memref<1x8x128xf32, #tpu.memory_space<vmem>>
    %dma_start3A_388 = tpu.memref_squeeze %dma_start3A_387 : memref<1x8x128xf32, #tpu.memory_space<vmem>> -> memref<8x128xf32, #tpu.memory_space<vmem>>
    %dma_start3A_389 = tpu.memref_slice %arg2[%multiple_of3A_378, %multiple_of3A] : memref<100000x1024xf32, #tpu.memory_space<hbm>> -> memref<8x128xf32, #tpu.memory_space<hbm>>
    tpu.enqueue_dma source(%dma_start3A_389 : memref<8x128xf32, #tpu.memory_space<hbm>>) target(%dma_start3A_388 : memref<8x128xf32, #tpu.memory_space<vmem>>) target_semaphore(%arg23 : memref<!tpu.dma_semaphore, #tpu.memory_space<semaphore_mem>>)
    %slice3A_390 = vector.extract_strided_slice %get3A_335 {offsets = [3], sizes = [1], strides = [1]} : vector<16xi32> to vector<1xi32>
    %squeeze3A_391 = vector.extract %slice3A_390[0] : i32 from vector<1xi32>
    %shift_right_logical3A_392 = arith.constant 3 : i32
    %shift_right_logical3A_393 = arith.shrui %squeeze3A_391, %shift_right_logical3A_392 : i32
    %mul3A_394 = arith.constant 8 : i32
    %mul3A_395 = arith.muli %shift_right_logical3A_393, %mul3A_394 : i32
    %multiple_of3A_396 = tpu.assume_multiple %mul3A_395, 8 : i32
    %dma_start3A_397 = arith.constant 19 : i32
    %dma_start3A_398 = arith.constant 0 : i32
    %dma_start3A_399 = arith.constant 0 : i32
    %dma_start3A_400 = tpu.memref_slice %arg13[%dma_start3A_397, %dma_start3A_398, %dma_start3A_399] : memref<32x8x128xf32, #tpu.memory_space<vmem>> -> memref<1x8x128xf32, #tpu.memory_space<vmem>>
    %dma_start3A_401 = tpu.memref_squeeze %dma_start3A_400 : memref<1x8x128xf32, #tpu.memory_space<vmem>> -> memref<8x128xf32, #tpu.memory_space<vmem>>
    %dma_start3A_402 = tpu.memref_slice %arg2[%multiple_of3A_396, %multiple_of3A] : memref<100000x1024xf32, #tpu.memory_space<hbm>> -> memref<8x128xf32, #tpu.memory_space<hbm>>
    %dma_start3A_403 = arith.constant 0 : i32
    %dma_start3A_404 = arith.constant 0 : i32
    %dma_start3A_405 = tpu.memref_slice %arg13[%dma_start3A_397, %dma_start3A_403, %dma_start3A_404] : memref<32x8x128xf32, #tpu.memory_space<vmem>> -> memref<1x8x128xf32, #tpu.memory_space<vmem>>
    %dma_start3A_406 = tpu.memref_squeeze %dma_start3A_405 : memref<1x8x128xf32, #tpu.memory_space<vmem>> -> memref<8x128xf32, #tpu.memory_space<vmem>>
    %dma_start3A_407 = tpu.memref_slice %arg2[%multiple_of3A_396, %multiple_of3A] : memref<100000x1024xf32, #tpu.memory_space<hbm>> -> memref<8x128xf32, #tpu.memory_space<hbm>>
    tpu.enqueue_dma source(%dma_start3A_407 : memref<8x128xf32, #tpu.memory_space<hbm>>) target(%dma_start3A_406 : memref<8x128xf32, #tpu.memory_space<vmem>>) target_semaphore(%arg23 : memref<!tpu.dma_semaphore, #tpu.memory_space<semaphore_mem>>)
    %slice3A_408 = vector.extract_strided_slice %get3A_335 {offsets = [4], sizes = [1], strides = [1]} : vector<16xi32> to vector<1xi32>
    %squeeze3A_409 = vector.extract %slice3A_408[0] : i32 from vector<1xi32>
    %shift_right_logical3A_410 = arith.constant 3 : i32
    %shift_right_logical3A_411 = arith.shrui %squeeze3A_409, %shift_right_logical3A_410 : i32
    %mul3A_412 = arith.constant 8 : i32
    %mul3A_413 = arith.muli %shift_right_logical3A_411, %mul3A_412 : i32
    %multiple_of3A_414 = tpu.assume_multiple %mul3A_413, 8 : i32
    %dma_start3A_415 = arith.constant 20 : i32
    %dma_start3A_416 = arith.constant 0 : i32
    %dma_start3A_417 = arith.constant 0 : i32
    %dma_start3A_418 = tpu.memref_slice %arg13[%dma_start3A_415, %dma_start3A_416, %dma_start3A_417] : memref<32x8x128xf32, #tpu.memory_space<vmem>> -> memref<1x8x128xf32, #tpu.memory_space<vmem>>
    %dma_start3A_419 = tpu.memref_squeeze %dma_start3A_418 : memref<1x8x128xf32, #tpu.memory_space<vmem>> -> memref<8x128xf32, #tpu.memory_space<vmem>>
    %dma_start3A_420 = tpu.memref_slice %arg2[%multiple_of3A_414, %multiple_of3A] : memref<100000x1024xf32, #tpu.memory_space<hbm>> -> memref<8x128xf32, #tpu.memory_space<hbm>>
    %dma_start3A_421 = arith.constant 0 : i32
    %dma_start3A_422 = arith.constant 0 : i32
    %dma_start3A_423 = tpu.memref_slice %arg13[%dma_start3A_415, %dma_start3A_421, %dma_start3A_422] : memref<32x8x128xf32, #tpu.memory_space<vmem>> -> memref<1x8x128xf32, #tpu.memory_space<vmem>>
    %dma_start3A_424 = tpu.memref_squeeze %dma_start3A_423 : memref<1x8x128xf32, #tpu.memory_space<vmem>> -> memref<8x128xf32, #tpu.memory_space<vmem>>
    %dma_start3A_425 = tpu.memref_slice %arg2[%multiple_of3A_414, %multiple_of3A] : memref<100000x1024xf32, #tpu.memory_space<hbm>> -> memref<8x128xf32, #tpu.memory_space<hbm>>
    tpu.enqueue_dma source(%dma_start3A_425 : memref<8x128xf32, #tpu.memory_space<hbm>>) target(%dma_start3A_424 : memref<8x128xf32, #tpu.memory_space<vmem>>) target_semaphore(%arg23 : memref<!tpu.dma_semaphore, #tpu.memory_space<semaphore_mem>>)
    %slice3A_426 = vector.extract_strided_slice %get3A_335 {offsets = [5], sizes = [1], strides = [1]} : vector<16xi32> to vector<1xi32>
    %squeeze3A_427 = vector.extract %slice3A_426[0] : i32 from vector<1xi32>
    %shift_right_logical3A_428 = arith.constant 3 : i32
    %shift_right_logical3A_429 = arith.shrui %squeeze3A_427, %shift_right_logical3A_428 : i32
    %mul3A_430 = arith.constant 8 : i32
    %mul3A_431 = arith.muli %shift_right_logical3A_429, %mul3A_430 : i32
    %multiple_of3A_432 = tpu.assume_multiple %mul3A_431, 8 : i32
    %dma_start3A_433 = arith.constant 21 : i32
    %dma_start3A_434 = arith.constant 0 : i32
    %dma_start3A_435 = arith.constant 0 : i32
    %dma_start3A_436 = tpu.memref_slice %arg13[%dma_start3A_433, %dma_start3A_434, %dma_start3A_435] : memref<32x8x128xf32, #tpu.memory_space<vmem>> -> memref<1x8x128xf32, #tpu.memory_space<vmem>>
    %dma_start3A_437 = tpu.memref_squeeze %dma_start3A_436 : memref<1x8x128xf32, #tpu.memory_space<vmem>> -> memref<8x128xf32, #tpu.memory_space<vmem>>
    %dma_start3A_438 = tpu.memref_slice %arg2[%multiple_of3A_432, %multiple_of3A] : memref<100000x1024xf32, #tpu.memory_space<hbm>> -> memref<8x128xf32, #tpu.memory_space<hbm>>
    %dma_start3A_439 = arith.constant 0 : i32
    %dma_start3A_440 = arith.constant 0 : i32
    %dma_start3A_441 = tpu.memref_slice %arg13[%dma_start3A_433, %dma_start3A_439, %dma_start3A_440] : memref<32x8x128xf32, #tpu.memory_space<vmem>> -> memref<1x8x128xf32, #tpu.memory_space<vmem>>
    %dma_start3A_442 = tpu.memref_squeeze %dma_start3A_441 : memref<1x8x128xf32, #tpu.memory_space<vmem>> -> memref<8x128xf32, #tpu.memory_space<vmem>>
    %dma_start3A_443 = tpu.memref_slice %arg2[%multiple_of3A_432, %multiple_of3A] : memref<100000x1024xf32, #tpu.memory_space<hbm>> -> memref<8x128xf32, #tpu.memory_space<hbm>>
    tpu.enqueue_dma source(%dma_start3A_443 : memref<8x128xf32, #tpu.memory_space<hbm>>) target(%dma_start3A_442 : memref<8x128xf32, #tpu.memory_space<vmem>>) target_semaphore(%arg23 : memref<!tpu.dma_semaphore, #tpu.memory_space<semaphore_mem>>)
    %slice3A_444 = vector.extract_strided_slice %get3A_335 {offsets = [6], sizes = [1], strides = [1]} : vector<16xi32> to vector<1xi32>
    %squeeze3A_445 = vector.extract %slice3A_444[0] : i32 from vector<1xi32>
    %shift_right_logical3A_446 = arith.constant 3 : i32
    %shift_right_logical3A_447 = arith.shrui %squeeze3A_445, %shift_right_logical3A_446 : i32
    %mul3A_448 = arith.constant 8 : i32
    %mul3A_449 = arith.muli %shift_right_logical3A_447, %mul3A_448 : i32
    %multiple_of3A_450 = tpu.assume_multiple %mul3A_449, 8 : i32
    %dma_start3A_451 = arith.constant 22 : i32
    %dma_start3A_452 = arith.constant 0 : i32
    %dma_start3A_453 = arith.constant 0 : i32
    %dma_start3A_454 = tpu.memref_slice %arg13[%dma_start3A_451, %dma_start3A_452, %dma_start3A_453] : memref<32x8x128xf32, #tpu.memory_space<vmem>> -> memref<1x8x128xf32, #tpu.memory_space<vmem>>
    %dma_start3A_455 = tpu.memref_squeeze %dma_start3A_454 : memref<1x8x128xf32, #tpu.memory_space<vmem>> -> memref<8x128xf32, #tpu.memory_space<vmem>>
    %dma_start3A_456 = tpu.memref_slice %arg2[%multiple_of3A_450, %multiple_of3A] : memref<100000x1024xf32, #tpu.memory_space<hbm>> -> memref<8x128xf32, #tpu.memory_space<hbm>>
    %dma_start3A_457 = arith.constant 0 : i32
    %dma_start3A_458 = arith.constant 0 : i32
    %dma_start3A_459 = tpu.memref_slice %arg13[%dma_start3A_451, %dma_start3A_457, %dma_start3A_458] : memref<32x8x128xf32, #tpu.memory_space<vmem>> -> memref<1x8x128xf32, #tpu.memory_space<vmem>>
    %dma_start3A_460 = tpu.memref_squeeze %dma_start3A_459 : memref<1x8x128xf32, #tpu.memory_space<vmem>> -> memref<8x128xf32, #tpu.memory_space<vmem>>
    %dma_start3A_461 = tpu.memref_slice %arg2[%multiple_of3A_450, %multiple_of3A] : memref<100000x1024xf32, #tpu.memory_space<hbm>> -> memref<8x128xf32, #tpu.memory_space<hbm>>
    tpu.enqueue_dma source(%dma_start3A_461 : memref<8x128xf32, #tpu.memory_space<hbm>>) target(%dma_start3A_460 : memref<8x128xf32, #tpu.memory_space<vmem>>) target_semaphore(%arg23 : memref<!tpu.dma_semaphore, #tpu.memory_space<semaphore_mem>>)
    %slice3A_462 = vector.extract_strided_slice %get3A_335 {offsets = [7], sizes = [1], strides = [1]} : vector<16xi32> to vector<1xi32>
    %squeeze3A_463 = vector.extract %slice3A_462[0] : i32 from vector<1xi32>
    %shift_right_logical3A_464 = arith.constant 3 : i32
    %shift_right_logical3A_465 = arith.shrui %squeeze3A_463, %shift_right_logical3A_464 : i32
    %mul3A_466 = arith.constant 8 : i32
    %mul3A_467 = arith.muli %shift_right_logical3A_465, %mul3A_466 : i32
    %multiple_of3A_468 = tpu.assume_multiple %mul3A_467, 8 : i32
    %dma_start3A_469 = arith.constant 23 : i32
    %dma_start3A_470 = arith.constant 0 : i32
    %dma_start3A_471 = arith.constant 0 : i32
    %dma_start3A_472 = tpu.memref_slice %arg13[%dma_start3A_469, %dma_start3A_470, %dma_start3A_471] : memref<32x8x128xf32, #tpu.memory_space<vmem>> -> memref<1x8x128xf32, #tpu.memory_space<vmem>>
    %dma_start3A_473 = tpu.memref_squeeze %dma_start3A_472 : memref<1x8x128xf32, #tpu.memory_space<vmem>> -> memref<8x128xf32, #tpu.memory_space<vmem>>
    %dma_start3A_474 = tpu.memref_slice %arg2[%multiple_of3A_468, %multiple_of3A] : memref<100000x1024xf32, #tpu.memory_space<hbm>> -> memref<8x128xf32, #tpu.memory_space<hbm>>
    %dma_start3A_475 = arith.constant 0 : i32
    %dma_start3A_476 = arith.constant 0 : i32
    %dma_start3A_477 = tpu.memref_slice %arg13[%dma_start3A_469, %dma_start3A_475, %dma_start3A_476] : memref<32x8x128xf32, #tpu.memory_space<vmem>> -> memref<1x8x128xf32, #tpu.memory_space<vmem>>
    %dma_start3A_478 = tpu.memref_squeeze %dma_start3A_477 : memref<1x8x128xf32, #tpu.memory_space<vmem>> -> memref<8x128xf32, #tpu.memory_space<vmem>>
    %dma_start3A_479 = tpu.memref_slice %arg2[%multiple_of3A_468, %multiple_of3A] : memref<100000x1024xf32, #tpu.memory_space<hbm>> -> memref<8x128xf32, #tpu.memory_space<hbm>>
    tpu.enqueue_dma source(%dma_start3A_479 : memref<8x128xf32, #tpu.memory_space<hbm>>) target(%dma_start3A_478 : memref<8x128xf32, #tpu.memory_space<vmem>>) target_semaphore(%arg23 : memref<!tpu.dma_semaphore, #tpu.memory_space<semaphore_mem>>)
    %slice3A_480 = vector.extract_strided_slice %get3A_335 {offsets = [8], sizes = [1], strides = [1]} : vector<16xi32> to vector<1xi32>
    %squeeze3A_481 = vector.extract %slice3A_480[0] : i32 from vector<1xi32>
    %shift_right_logical3A_482 = arith.constant 3 : i32
    %shift_right_logical3A_483 = arith.shrui %squeeze3A_481, %shift_right_logical3A_482 : i32
    %mul3A_484 = arith.constant 8 : i32
    %mul3A_485 = arith.muli %shift_right_logical3A_483, %mul3A_484 : i32
    %multiple_of3A_486 = tpu.assume_multiple %mul3A_485, 8 : i32
    %dma_start3A_487 = arith.constant 24 : i32
    %dma_start3A_488 = arith.constant 0 : i32
    %dma_start3A_489 = arith.constant 0 : i32
    %dma_start3A_490 = tpu.memref_slice %arg13[%dma_start3A_487, %dma_start3A_488, %dma_start3A_489] : memref<32x8x128xf32, #tpu.memory_space<vmem>> -> memref<1x8x128xf32, #tpu.memory_space<vmem>>
    %dma_start3A_491 = tpu.memref_squeeze %dma_start3A_490 : memref<1x8x128xf32, #tpu.memory_space<vmem>> -> memref<8x128xf32, #tpu.memory_space<vmem>>
    %dma_start3A_492 = tpu.memref_slice %arg2[%multiple_of3A_486, %multiple_of3A] : memref<100000x1024xf32, #tpu.memory_space<hbm>> -> memref<8x128xf32, #tpu.memory_space<hbm>>
    %dma_start3A_493 = arith.constant 0 : i32
    %dma_start3A_494 = arith.constant 0 : i32
    %dma_start3A_495 = tpu.memref_slice %arg13[%dma_start3A_487, %dma_start3A_493, %dma_start3A_494] : memref<32x8x128xf32, #tpu.memory_space<vmem>> -> memref<1x8x128xf32, #tpu.memory_space<vmem>>
    %dma_start3A_496 = tpu.memref_squeeze %dma_start3A_495 : memref<1x8x128xf32, #tpu.memory_space<vmem>> -> memref<8x128xf32, #tpu.memory_space<vmem>>
    %dma_start3A_497 = tpu.memref_slice %arg2[%multiple_of3A_486, %multiple_of3A] : memref<100000x1024xf32, #tpu.memory_space<hbm>> -> memref<8x128xf32, #tpu.memory_space<hbm>>
    tpu.enqueue_dma source(%dma_start3A_497 : memref<8x128xf32, #tpu.memory_space<hbm>>) target(%dma_start3A_496 : memref<8x128xf32, #tpu.memory_space<vmem>>) target_semaphore(%arg23 : memref<!tpu.dma_semaphore, #tpu.memory_space<semaphore_mem>>)
    %slice3A_498 = vector.extract_strided_slice %get3A_335 {offsets = [9], sizes = [1], strides = [1]} : vector<16xi32> to vector<1xi32>
    %squeeze3A_499 = vector.extract %slice3A_498[0] : i32 from vector<1xi32>
    %shift_right_logical3A_500 = arith.constant 3 : i32
    %shift_right_logical3A_501 = arith.shrui %squeeze3A_499, %shift_right_logical3A_500 : i32
    %mul3A_502 = arith.constant 8 : i32
    %mul3A_503 = arith.muli %shift_right_logical3A_501, %mul3A_502 : i32
    %multiple_of3A_504 = tpu.assume_multiple %mul3A_503, 8 : i32
    %dma_start3A_505 = arith.constant 25 : i32
    %dma_start3A_506 = arith.constant 0 : i32
    %dma_start3A_507 = arith.constant 0 : i32
    %dma_start3A_508 = tpu.memref_slice %arg13[%dma_start3A_505, %dma_start3A_506, %dma_start3A_507] : memref<32x8x128xf32, #tpu.memory_space<vmem>> -> memref<1x8x128xf32, #tpu.memory_space<vmem>>
    %dma_start3A_509 = tpu.memref_squeeze %dma_start3A_508 : memref<1x8x128xf32, #tpu.memory_space<vmem>> -> memref<8x128xf32, #tpu.memory_space<vmem>>
    %dma_start3A_510 = tpu.memref_slice %arg2[%multiple_of3A_504, %multiple_of3A] : memref<100000x1024xf32, #tpu.memory_space<hbm>> -> memref<8x128xf32, #tpu.memory_space<hbm>>
    %dma_start3A_511 = arith.constant 0 : i32
    %dma_start3A_512 = arith.constant 0 : i32
    %dma_start3A_513 = tpu.memref_slice %arg13[%dma_start3A_505, %dma_start3A_511, %dma_start3A_512] : memref<32x8x128xf32, #tpu.memory_space<vmem>> -> memref<1x8x128xf32, #tpu.memory_space<vmem>>
    %dma_start3A_514 = tpu.memref_squeeze %dma_start3A_513 : memref<1x8x128xf32, #tpu.memory_space<vmem>> -> memref<8x128xf32, #tpu.memory_space<vmem>>
    %dma_start3A_515 = tpu.memref_slice %arg2[%multiple_of3A_504, %multiple_of3A] : memref<100000x1024xf32, #tpu.memory_space<hbm>> -> memref<8x128xf32, #tpu.memory_space<hbm>>
    tpu.enqueue_dma source(%dma_start3A_515 : memref<8x128xf32, #tpu.memory_space<hbm>>) target(%dma_start3A_514 : memref<8x128xf32, #tpu.memory_space<vmem>>) target_semaphore(%arg23 : memref<!tpu.dma_semaphore, #tpu.memory_space<semaphore_mem>>)
    %slice3A_516 = vector.extract_strided_slice %get3A_335 {offsets = [10], sizes = [1], strides = [1]} : vector<16xi32> to vector<1xi32>
    %squeeze3A_517 = vector.extract %slice3A_516[0] : i32 from vector<1xi32>
    %shift_right_logical3A_518 = arith.constant 3 : i32
    %shift_right_logical3A_519 = arith.shrui %squeeze3A_517, %shift_right_logical3A_518 : i32
    %mul3A_520 = arith.constant 8 : i32
    %mul3A_521 = arith.muli %shift_right_logical3A_519, %mul3A_520 : i32
    %multiple_of3A_522 = tpu.assume_multiple %mul3A_521, 8 : i32
    %dma_start3A_523 = arith.constant 26 : i32
    %dma_start3A_524 = arith.constant 0 : i32
    %dma_start3A_525 = arith.constant 0 : i32
    %dma_start3A_526 = tpu.memref_slice %arg13[%dma_start3A_523, %dma_start3A_524, %dma_start3A_525] : memref<32x8x128xf32, #tpu.memory_space<vmem>> -> memref<1x8x128xf32, #tpu.memory_space<vmem>>
    %dma_start3A_527 = tpu.memref_squeeze %dma_start3A_526 : memref<1x8x128xf32, #tpu.memory_space<vmem>> -> memref<8x128xf32, #tpu.memory_space<vmem>>
    %dma_start3A_528 = tpu.memref_slice %arg2[%multiple_of3A_522, %multiple_of3A] : memref<100000x1024xf32, #tpu.memory_space<hbm>> -> memref<8x128xf32, #tpu.memory_space<hbm>>
    %dma_start3A_529 = arith.constant 0 : i32
    %dma_start3A_530 = arith.constant 0 : i32
    %dma_start3A_531 = tpu.memref_slice %arg13[%dma_start3A_523, %dma_start3A_529, %dma_start3A_530] : memref<32x8x128xf32, #tpu.memory_space<vmem>> -> memref<1x8x128xf32, #tpu.memory_space<vmem>>
    %dma_start3A_532 = tpu.memref_squeeze %dma_start3A_531 : memref<1x8x128xf32, #tpu.memory_space<vmem>> -> memref<8x128xf32, #tpu.memory_space<vmem>>
    %dma_start3A_533 = tpu.memref_slice %arg2[%multiple_of3A_522, %multiple_of3A] : memref<100000x1024xf32, #tpu.memory_space<hbm>> -> memref<8x128xf32, #tpu.memory_space<hbm>>
    tpu.enqueue_dma source(%dma_start3A_533 : memref<8x128xf32, #tpu.memory_space<hbm>>) target(%dma_start3A_532 : memref<8x128xf32, #tpu.memory_space<vmem>>) target_semaphore(%arg23 : memref<!tpu.dma_semaphore, #tpu.memory_space<semaphore_mem>>)
    %slice3A_534 = vector.extract_strided_slice %get3A_335 {offsets = [11], sizes = [1], strides = [1]} : vector<16xi32> to vector<1xi32>
    %squeeze3A_535 = vector.extract %slice3A_534[0] : i32 from vector<1xi32>
    %shift_right_logical3A_536 = arith.constant 3 : i32
    %shift_right_logical3A_537 = arith.shrui %squeeze3A_535, %shift_right_logical3A_536 : i32
    %mul3A_538 = arith.constant 8 : i32
    %mul3A_539 = arith.muli %shift_right_logical3A_537, %mul3A_538 : i32
    %multiple_of3A_540 = tpu.assume_multiple %mul3A_539, 8 : i32
    %dma_start3A_541 = arith.constant 27 : i32
    %dma_start3A_542 = arith.constant 0 : i32
    %dma_start3A_543 = arith.constant 0 : i32
    %dma_start3A_544 = tpu.memref_slice %arg13[%dma_start3A_541, %dma_start3A_542, %dma_start3A_543] : memref<32x8x128xf32, #tpu.memory_space<vmem>> -> memref<1x8x128xf32, #tpu.memory_space<vmem>>
    %dma_start3A_545 = tpu.memref_squeeze %dma_start3A_544 : memref<1x8x128xf32, #tpu.memory_space<vmem>> -> memref<8x128xf32, #tpu.memory_space<vmem>>
    %dma_start3A_546 = tpu.memref_slice %arg2[%multiple_of3A_540, %multiple_of3A] : memref<100000x1024xf32, #tpu.memory_space<hbm>> -> memref<8x128xf32, #tpu.memory_space<hbm>>
    %dma_start3A_547 = arith.constant 0 : i32
    %dma_start3A_548 = arith.constant 0 : i32
    %dma_start3A_549 = tpu.memref_slice %arg13[%dma_start3A_541, %dma_start3A_547, %dma_start3A_548] : memref<32x8x128xf32, #tpu.memory_space<vmem>> -> memref<1x8x128xf32, #tpu.memory_space<vmem>>
    %dma_start3A_550 = tpu.memref_squeeze %dma_start3A_549 : memref<1x8x128xf32, #tpu.memory_space<vmem>> -> memref<8x128xf32, #tpu.memory_space<vmem>>
    %dma_start3A_551 = tpu.memref_slice %arg2[%multiple_of3A_540, %multiple_of3A] : memref<100000x1024xf32, #tpu.memory_space<hbm>> -> memref<8x128xf32, #tpu.memory_space<hbm>>
    tpu.enqueue_dma source(%dma_start3A_551 : memref<8x128xf32, #tpu.memory_space<hbm>>) target(%dma_start3A_550 : memref<8x128xf32, #tpu.memory_space<vmem>>) target_semaphore(%arg23 : memref<!tpu.dma_semaphore, #tpu.memory_space<semaphore_mem>>)
    %slice3A_552 = vector.extract_strided_slice %get3A_335 {offsets = [12], sizes = [1], strides = [1]} : vector<16xi32> to vector<1xi32>
    %squeeze3A_553 = vector.extract %slice3A_552[0] : i32 from vector<1xi32>
    %shift_right_logical3A_554 = arith.constant 3 : i32
    %shift_right_logical3A_555 = arith.shrui %squeeze3A_553, %shift_right_logical3A_554 : i32
    %mul3A_556 = arith.constant 8 : i32
    %mul3A_557 = arith.muli %shift_right_logical3A_555, %mul3A_556 : i32
    %multiple_of3A_558 = tpu.assume_multiple %mul3A_557, 8 : i32
    %dma_start3A_559 = arith.constant 28 : i32
    %dma_start3A_560 = arith.constant 0 : i32
    %dma_start3A_561 = arith.constant 0 : i32
    %dma_start3A_562 = tpu.memref_slice %arg13[%dma_start3A_559, %dma_start3A_560, %dma_start3A_561] : memref<32x8x128xf32, #tpu.memory_space<vmem>> -> memref<1x8x128xf32, #tpu.memory_space<vmem>>
    %dma_start3A_563 = tpu.memref_squeeze %dma_start3A_562 : memref<1x8x128xf32, #tpu.memory_space<vmem>> -> memref<8x128xf32, #tpu.memory_space<vmem>>
    %dma_start3A_564 = tpu.memref_slice %arg2[%multiple_of3A_558, %multiple_of3A] : memref<100000x1024xf32, #tpu.memory_space<hbm>> -> memref<8x128xf32, #tpu.memory_space<hbm>>
    %dma_start3A_565 = arith.constant 0 : i32
    %dma_start3A_566 = arith.constant 0 : i32
    %dma_start3A_567 = tpu.memref_slice %arg13[%dma_start3A_559, %dma_start3A_565, %dma_start3A_566] : memref<32x8x128xf32, #tpu.memory_space<vmem>> -> memref<1x8x128xf32, #tpu.memory_space<vmem>>
    %dma_start3A_568 = tpu.memref_squeeze %dma_start3A_567 : memref<1x8x128xf32, #tpu.memory_space<vmem>> -> memref<8x128xf32, #tpu.memory_space<vmem>>
    %dma_start3A_569 = tpu.memref_slice %arg2[%multiple_of3A_558, %multiple_of3A] : memref<100000x1024xf32, #tpu.memory_space<hbm>> -> memref<8x128xf32, #tpu.memory_space<hbm>>
    tpu.enqueue_dma source(%dma_start3A_569 : memref<8x128xf32, #tpu.memory_space<hbm>>) target(%dma_start3A_568 : memref<8x128xf32, #tpu.memory_space<vmem>>) target_semaphore(%arg23 : memref<!tpu.dma_semaphore, #tpu.memory_space<semaphore_mem>>)
    %slice3A_570 = vector.extract_strided_slice %get3A_335 {offsets = [13], sizes = [1], strides = [1]} : vector<16xi32> to vector<1xi32>
    %squeeze3A_571 = vector.extract %slice3A_570[0] : i32 from vector<1xi32>
    %shift_right_logical3A_572 = arith.constant 3 : i32
    %shift_right_logical3A_573 = arith.shrui %squeeze3A_571, %shift_right_logical3A_572 : i32
    %mul3A_574 = arith.constant 8 : i32
    %mul3A_575 = arith.muli %shift_right_logical3A_573, %mul3A_574 : i32
    %multiple_of3A_576 = tpu.assume_multiple %mul3A_575, 8 : i32
    %dma_start3A_577 = arith.constant 29 : i32
    %dma_start3A_578 = arith.constant 0 : i32
    %dma_start3A_579 = arith.constant 0 : i32
    %dma_start3A_580 = tpu.memref_slice %arg13[%dma_start3A_577, %dma_start3A_578, %dma_start3A_579] : memref<32x8x128xf32, #tpu.memory_space<vmem>> -> memref<1x8x128xf32, #tpu.memory_space<vmem>>
    %dma_start3A_581 = tpu.memref_squeeze %dma_start3A_580 : memref<1x8x128xf32, #tpu.memory_space<vmem>> -> memref<8x128xf32, #tpu.memory_space<vmem>>
    %dma_start3A_582 = tpu.memref_slice %arg2[%multiple_of3A_576, %multiple_of3A] : memref<100000x1024xf32, #tpu.memory_space<hbm>> -> memref<8x128xf32, #tpu.memory_space<hbm>>
    %dma_start3A_583 = arith.constant 0 : i32
    %dma_start3A_584 = arith.constant 0 : i32
    %dma_start3A_585 = tpu.memref_slice %arg13[%dma_start3A_577, %dma_start3A_583, %dma_start3A_584] : memref<32x8x128xf32, #tpu.memory_space<vmem>> -> memref<1x8x128xf32, #tpu.memory_space<vmem>>
    %dma_start3A_586 = tpu.memref_squeeze %dma_start3A_585 : memref<1x8x128xf32, #tpu.memory_space<vmem>> -> memref<8x128xf32, #tpu.memory_space<vmem>>
    %dma_start3A_587 = tpu.memref_slice %arg2[%multiple_of3A_576, %multiple_of3A] : memref<100000x1024xf32, #tpu.memory_space<hbm>> -> memref<8x128xf32, #tpu.memory_space<hbm>>
    tpu.enqueue_dma source(%dma_start3A_587 : memref<8x128xf32, #tpu.memory_space<hbm>>) target(%dma_start3A_586 : memref<8x128xf32, #tpu.memory_space<vmem>>) target_semaphore(%arg23 : memref<!tpu.dma_semaphore, #tpu.memory_space<semaphore_mem>>)
    %slice3A_588 = vector.extract_strided_slice %get3A_335 {offsets = [14], sizes = [1], strides = [1]} : vector<16xi32> to vector<1xi32>
    %squeeze3A_589 = vector.extract %slice3A_588[0] : i32 from vector<1xi32>
    %shift_right_logical3A_590 = arith.constant 3 : i32
    %shift_right_logical3A_591 = arith.shrui %squeeze3A_589, %shift_right_logical3A_590 : i32
    %mul3A_592 = arith.constant 8 : i32
    %mul3A_593 = arith.muli %shift_right_logical3A_591, %mul3A_592 : i32
    %multiple_of3A_594 = tpu.assume_multiple %mul3A_593, 8 : i32
    %dma_start3A_595 = arith.constant 30 : i32
    %dma_start3A_596 = arith.constant 0 : i32
    %dma_start3A_597 = arith.constant 0 : i32
    %dma_start3A_598 = tpu.memref_slice %arg13[%dma_start3A_595, %dma_start3A_596, %dma_start3A_597] : memref<32x8x128xf32, #tpu.memory_space<vmem>> -> memref<1x8x128xf32, #tpu.memory_space<vmem>>
    %dma_start3A_599 = tpu.memref_squeeze %dma_start3A_598 : memref<1x8x128xf32, #tpu.memory_space<vmem>> -> memref<8x128xf32, #tpu.memory_space<vmem>>
    %dma_start3A_600 = tpu.memref_slice %arg2[%multiple_of3A_594, %multiple_of3A] : memref<100000x1024xf32, #tpu.memory_space<hbm>> -> memref<8x128xf32, #tpu.memory_space<hbm>>
    %dma_start3A_601 = arith.constant 0 : i32
    %dma_start3A_602 = arith.constant 0 : i32
    %dma_start3A_603 = tpu.memref_slice %arg13[%dma_start3A_595, %dma_start3A_601, %dma_start3A_602] : memref<32x8x128xf32, #tpu.memory_space<vmem>> -> memref<1x8x128xf32, #tpu.memory_space<vmem>>
    %dma_start3A_604 = tpu.memref_squeeze %dma_start3A_603 : memref<1x8x128xf32, #tpu.memory_space<vmem>> -> memref<8x128xf32, #tpu.memory_space<vmem>>
    %dma_start3A_605 = tpu.memref_slice %arg2[%multiple_of3A_594, %multiple_of3A] : memref<100000x1024xf32, #tpu.memory_space<hbm>> -> memref<8x128xf32, #tpu.memory_space<hbm>>
    tpu.enqueue_dma source(%dma_start3A_605 : memref<8x128xf32, #tpu.memory_space<hbm>>) target(%dma_start3A_604 : memref<8x128xf32, #tpu.memory_space<vmem>>) target_semaphore(%arg23 : memref<!tpu.dma_semaphore, #tpu.memory_space<semaphore_mem>>)
    %slice3A_606 = vector.extract_strided_slice %get3A_335 {offsets = [15], sizes = [1], strides = [1]} : vector<16xi32> to vector<1xi32>
    %squeeze3A_607 = vector.extract %slice3A_606[0] : i32 from vector<1xi32>
    %shift_right_logical3A_608 = arith.constant 3 : i32
    %shift_right_logical3A_609 = arith.shrui %squeeze3A_607, %shift_right_logical3A_608 : i32
    %mul3A_610 = arith.constant 8 : i32
    %mul3A_611 = arith.muli %shift_right_logical3A_609, %mul3A_610 : i32
    %multiple_of3A_612 = tpu.assume_multiple %mul3A_611, 8 : i32
    %dma_start3A_613 = arith.constant 31 : i32
    %dma_start3A_614 = arith.constant 0 : i32
    %dma_start3A_615 = arith.constant 0 : i32
    %dma_start3A_616 = tpu.memref_slice %arg13[%dma_start3A_613, %dma_start3A_614, %dma_start3A_615] : memref<32x8x128xf32, #tpu.memory_space<vmem>> -> memref<1x8x128xf32, #tpu.memory_space<vmem>>
    %dma_start3A_617 = tpu.memref_squeeze %dma_start3A_616 : memref<1x8x128xf32, #tpu.memory_space<vmem>> -> memref<8x128xf32, #tpu.memory_space<vmem>>
    %dma_start3A_618 = tpu.memref_slice %arg2[%multiple_of3A_612, %multiple_of3A] : memref<100000x1024xf32, #tpu.memory_space<hbm>> -> memref<8x128xf32, #tpu.memory_space<hbm>>
    %dma_start3A_619 = arith.constant 0 : i32
    %dma_start3A_620 = arith.constant 0 : i32
    %dma_start3A_621 = tpu.memref_slice %arg13[%dma_start3A_613, %dma_start3A_619, %dma_start3A_620] : memref<32x8x128xf32, #tpu.memory_space<vmem>> -> memref<1x8x128xf32, #tpu.memory_space<vmem>>
    %dma_start3A_622 = tpu.memref_squeeze %dma_start3A_621 : memref<1x8x128xf32, #tpu.memory_space<vmem>> -> memref<8x128xf32, #tpu.memory_space<vmem>>
    %dma_start3A_623 = tpu.memref_slice %arg2[%multiple_of3A_612, %multiple_of3A] : memref<100000x1024xf32, #tpu.memory_space<hbm>> -> memref<8x128xf32, #tpu.memory_space<hbm>>
    tpu.enqueue_dma source(%dma_start3A_623 : memref<8x128xf32, #tpu.memory_space<hbm>>) target(%dma_start3A_622 : memref<8x128xf32, #tpu.memory_space<vmem>>) target_semaphore(%arg23 : memref<!tpu.dma_semaphore, #tpu.memory_space<semaphore_mem>>)
    %broadcast_in_dim3A = arith.constant 0xFF800000 : f32
    %broadcast_in_dim3A_624 = vector.broadcast %broadcast_in_dim3A : f32 to vector<16xf32>
    %broadcast_in_dim3A_625 = arith.constant 0.000000e+00 : f32
    %broadcast_in_dim3A_626 = vector.broadcast %broadcast_in_dim3A_625 : f32 to vector<16xf32>
    %add3A_627 = arith.constant 12480 : i32
    %add3A_628 = arith.addi %multiple_of3A_45, %add3A_627 : i32
    %multiple_of3A_629 = tpu.assume_multiple %add3A_628, 8 : i32
    %lt3A_630 = arith.constant 3 : i32
    %lt3A_631 = arith.cmpi slt, %select_n3A_30, %lt3A_630 : i32
    %convert_element_type3A = arith.extui %lt3A_631 : i1 to i32
    %cond3A = arith.constant 0 : i32
    %cond3A_632 = arith.cmpi ne, %convert_element_type3A, %cond3A : i32
    scf.if %cond3A_632 {
      %dma_start3A_962 = tpu.memref_slice %arg2[%multiple_of3A_629, %multiple_of3A] : memref<100000x1024xf32, #tpu.memory_space<hbm>> -> memref<24x128xf32, #tpu.memory_space<hbm>>
      %dma_start3A_963 = tpu.memref_slice %arg2[%multiple_of3A_629, %multiple_of3A] : memref<100000x1024xf32, #tpu.memory_space<hbm>> -> memref<24x128xf32, #tpu.memory_space<hbm>>
      tpu.enqueue_dma source(%dma_start3A_963 : memref<24x128xf32, #tpu.memory_space<hbm>>) target(%arg11 : memref<24x128xf32, #tpu.memory_space<vmem>>) target_semaphore(%arg22 : memref<!tpu.dma_semaphore, #tpu.memory_space<semaphore_mem>>)
    } else {
    }
    %eq3A_633 = arith.constant 3 : i32
    %eq3A_634 = arith.cmpi eq, %select_n3A_30, %eq3A_633 : i32
    %convert_element_type3A_635 = arith.extui %eq3A_634 : i1 to i32
    %cond3A_636 = arith.constant 0 : i32
    %cond3A_637 = arith.cmpi ne, %convert_element_type3A_635, %cond3A_636 : i32
    scf.if %cond3A_637 {
      %dma_start3A_962 = tpu.memref_slice %arg2[%multiple_of3A_629, %multiple_of3A] : memref<100000x1024xf32, #tpu.memory_space<hbm>> -> memref<8x128xf32, #tpu.memory_space<hbm>>
      %dma_start3A_963 = tpu.memref_slice %arg2[%multiple_of3A_629, %multiple_of3A] : memref<100000x1024xf32, #tpu.memory_space<hbm>> -> memref<8x128xf32, #tpu.memory_space<hbm>>
      tpu.enqueue_dma source(%dma_start3A_963 : memref<8x128xf32, #tpu.memory_space<hbm>>) target(%arg12 : memref<8x128xf32, #tpu.memory_space<vmem>>) target_semaphore(%arg22 : memref<!tpu.dma_semaphore, #tpu.memory_space<semaphore_mem>>)
    } else {
    }
    %add3A_638 = arith.constant 0 : i32
    %add3A_639 = arith.addi %multiple_of3A_45, %add3A_638 : i32
    %multiple_of3A_640 = tpu.assume_multiple %add3A_639, 8 : i32
    %dma_start3A_641 = tpu.memref_slice %arg2[%multiple_of3A_640, %multiple_of3A] : memref<100000x1024xf32, #tpu.memory_space<hbm>> -> memref<208x128xf32, #tpu.memory_space<hbm>>
    %dma_start3A_642 = tpu.memref_slice %arg2[%multiple_of3A_640, %multiple_of3A] : memref<100000x1024xf32, #tpu.memory_space<hbm>> -> memref<208x128xf32, #tpu.memory_space<hbm>>
    tpu.enqueue_dma source(%dma_start3A_642 : memref<208x128xf32, #tpu.memory_space<hbm>>) target(%arg8 : memref<208x128xf32, #tpu.memory_space<vmem>>) target_semaphore(%arg19 : memref<!tpu.dma_semaphore, #tpu.memory_space<semaphore_mem>>)
    %add3A_643 = arith.constant 208 : i32
    %add3A_644 = arith.addi %multiple_of3A_45, %add3A_643 : i32
    %multiple_of3A_645 = tpu.assume_multiple %add3A_644, 8 : i32
    %dma_start3A_646 = tpu.memref_slice %arg2[%multiple_of3A_645, %multiple_of3A] : memref<100000x1024xf32, #tpu.memory_space<hbm>> -> memref<208x128xf32, #tpu.memory_space<hbm>>
    %dma_start3A_647 = tpu.memref_slice %arg2[%multiple_of3A_645, %multiple_of3A] : memref<100000x1024xf32, #tpu.memory_space<hbm>> -> memref<208x128xf32, #tpu.memory_space<hbm>>
    tpu.enqueue_dma source(%dma_start3A_647 : memref<208x128xf32, #tpu.memory_space<hbm>>) target(%arg9 : memref<208x128xf32, #tpu.memory_space<vmem>>) target_semaphore(%arg20 : memref<!tpu.dma_semaphore, #tpu.memory_space<semaphore_mem>>)
    %add3A_648 = arith.constant 416 : i32
    %add3A_649 = arith.addi %multiple_of3A_45, %add3A_648 : i32
    %multiple_of3A_650 = tpu.assume_multiple %add3A_649, 8 : i32
    %dma_start3A_651 = tpu.memref_slice %arg2[%multiple_of3A_650, %multiple_of3A] : memref<100000x1024xf32, #tpu.memory_space<hbm>> -> memref<208x128xf32, #tpu.memory_space<hbm>>
    %dma_start3A_652 = tpu.memref_slice %arg2[%multiple_of3A_650, %multiple_of3A] : memref<100000x1024xf32, #tpu.memory_space<hbm>> -> memref<208x128xf32, #tpu.memory_space<hbm>>
    tpu.enqueue_dma source(%dma_start3A_652 : memref<208x128xf32, #tpu.memory_space<hbm>>) target(%arg10 : memref<208x128xf32, #tpu.memory_space<vmem>>) target_semaphore(%arg21 : memref<!tpu.dma_semaphore, #tpu.memory_space<semaphore_mem>>)
    %scan3A = arith.constant 0 : i32
    %scan3A_653 = arith.constant 20 : i32
    %scan3A_654 = arith.addi %scan3A, %scan3A_653 : i32
    %scan3A_655 = arith.constant 1 : i32
    %scan3A_656:16 = scf.for %scan3A_962 = %scan3A to %scan3A_654 step %scan3A_655 iter_args(%scan3A_963 = %broadcast_in_dim3A_624, %scan3A_964 = %broadcast_in_dim3A_624, %scan3A_965 = %broadcast_in_dim3A_624, %scan3A_966 = %broadcast_in_dim3A_624, %scan3A_967 = %broadcast_in_dim3A_624, %scan3A_968 = %broadcast_in_dim3A_624, %scan3A_969 = %broadcast_in_dim3A_624, %scan3A_970 = %broadcast_in_dim3A_624, %scan3A_971 = %broadcast_in_dim3A_624, %scan3A_972 = %broadcast_in_dim3A_624, %scan3A_973 = %broadcast_in_dim3A_624, %scan3A_974 = %broadcast_in_dim3A_624, %scan3A_975 = %broadcast_in_dim3A_624, %scan3A_976 = %broadcast_in_dim3A_624, %scan3A_977 = %broadcast_in_dim3A_624, %scan3A_978 = %broadcast_in_dim3A_624) -> (vector<16xf32>, vector<16xf32>, vector<16xf32>, vector<16xf32>, vector<16xf32>, vector<16xf32>, vector<16xf32>, vector<16xf32>, vector<16xf32>, vector<16xf32>, vector<16xf32>, vector<16xf32>, vector<16xf32>, vector<16xf32>, vector<16xf32>, vector<16xf32>)  : i32 {
      %mul3A_979 = arith.constant 3 : i32
      %mul3A_980 = arith.muli %mul3A_979, %scan3A_962 : i32
      %add3A_981 = arith.constant 0 : i32
      %add3A_982 = arith.addi %mul3A_980, %add3A_981 : i32
      %mul3A_983 = arith.constant 208 : i32
      %mul3A_984 = arith.muli %add3A_982, %mul3A_983 : i32
      %add3A_985 = arith.addi %multiple_of3A_45, %mul3A_984 : i32
      %multiple_of3A_986 = tpu.assume_multiple %add3A_985, 8 : i32
      %dma_wait3A_987 = tpu.memref_slice %arg2[%multiple_of3A_986, %multiple_of3A] : memref<100000x1024xf32, #tpu.memory_space<hbm>> -> memref<208x128xf32, #tpu.memory_space<hbm>>
      %dma_wait3A_988 = tpu.memref_slice %arg2[%multiple_of3A_986, %multiple_of3A] : memref<100000x1024xf32, #tpu.memory_space<hbm>> -> memref<208x128xf32, #tpu.memory_space<hbm>>
      tpu.wait_dma2 semaphore(%arg19 : memref<!tpu.dma_semaphore, #tpu.memory_space<semaphore_mem>>) src(%dma_wait3A_988 : memref<208x128xf32, #tpu.memory_space<hbm>>) dst(%arg8 : memref<208x128xf32, #tpu.memory_space<vmem>>)
      %scan3A_989 = arith.constant 0 : i32
      %scan3A_990 = arith.constant 208 : i32
      %scan3A_991 = arith.addi %scan3A_989, %scan3A_990 : i32
      %scan3A_992 = arith.constant 4 : i32
      %scan3A_993:16 = scf.for %scan3A_1050 = %scan3A_989 to %scan3A_991 step %scan3A_992 iter_args(%scan3A_1051 = %scan3A_963, %scan3A_1052 = %scan3A_964, %scan3A_1053 = %scan3A_965, %scan3A_1054 = %scan3A_966, %scan3A_1055 = %scan3A_967, %scan3A_1056 = %scan3A_968, %scan3A_1057 = %scan3A_969, %scan3A_1058 = %scan3A_970, %scan3A_1059 = %scan3A_971, %scan3A_1060 = %scan3A_972, %scan3A_1061 = %scan3A_973, %scan3A_1062 = %scan3A_974, %scan3A_1063 = %scan3A_975, %scan3A_1064 = %scan3A_976, %scan3A_1065 = %scan3A_977, %scan3A_1066 = %scan3A_978) -> (vector<16xf32>, vector<16xf32>, vector<16xf32>, vector<16xf32>, vector<16xf32>, vector<16xf32>, vector<16xf32>, vector<16xf32>, vector<16xf32>, vector<16xf32>, vector<16xf32>, vector<16xf32>, vector<16xf32>, vector<16xf32>, vector<16xf32>, vector<16xf32>)  : i32 {
        %get3A_1067 = arith.index_cast %scan3A_1050 : i32 to index
        %get3A_1068 = arith.constant 0 : index
        %get3A_1069 = tpu.vector_load %arg8[%get3A_1067, %get3A_1068] {strides = array<i32>} : memref<208x128xf32, #tpu.memory_space<vmem>>, vector<16xf32>,
        %min3A_1070 = arith.minimumf %scan3A_1051, %get3A_1069 : vector<16xf32>
        %max3A_1071 = arith.maximumf %scan3A_1059, %min3A_1070 : vector<16xf32>
        %max3A_1072 = arith.maximumf %scan3A_1051, %get3A_1069 : vector<16xf32>
        %get3A_1073 = arith.index_cast %scan3A_1050 : i32 to index
        %get3A_1074 = arith.constant 16 : index
        %get3A_1075 = tpu.vector_load %arg8[%get3A_1073, %get3A_1074] {strides = array<i32>} : memref<208x128xf32, #tpu.memory_space<vmem>>, vector<16xf32>,
        %min3A_1076 = arith.minimumf %scan3A_1052, %get3A_1075 : vector<16xf32>
        %max3A_1077 = arith.maximumf %scan3A_1060, %min3A_1076 : vector<16xf32>
        %max3A_1078 = arith.maximumf %scan3A_1052, %get3A_1075 : vector<16xf32>
        %get3A_1079 = arith.index_cast %scan3A_1050 : i32 to index
        %get3A_1080 = arith.constant 32 : index
        %get3A_1081 = tpu.vector_load %arg8[%get3A_1079, %get3A_1080] {strides = array<i32>} : memref<208x128xf32, #tpu.memory_space<vmem>>, vector<16xf32>,
        %min3A_1082 = arith.minimumf %scan3A_1053, %get3A_1081 : vector<16xf32>
        %max3A_1083 = arith.maximumf %scan3A_1061, %min3A_1082 : vector<16xf32>
        %max3A_1084 = arith.maximumf %scan3A_1053, %get3A_1081 : vector<16xf32>
        %get3A_1085 = arith.index_cast %scan3A_1050 : i32 to index
        %get3A_1086 = arith.constant 48 : index
        %get3A_1087 = tpu.vector_load %arg8[%get3A_1085, %get3A_1086] {strides = array<i32>} : memref<208x128xf32, #tpu.memory_space<vmem>>, vector<16xf32>,
        %min3A_1088 = arith.minimumf %scan3A_1054, %get3A_1087 : vector<16xf32>
        %max3A_1089 = arith.maximumf %scan3A_1062, %min3A_1088 : vector<16xf32>
        %max3A_1090 = arith.maximumf %scan3A_1054, %get3A_1087 : vector<16xf32>
        %get3A_1091 = arith.index_cast %scan3A_1050 : i32 to index
        %get3A_1092 = arith.constant 64 : index
        %get3A_1093 = tpu.vector_load %arg8[%get3A_1091, %get3A_1092] {strides = array<i32>} : memref<208x128xf32, #tpu.memory_space<vmem>>, vector<16xf32>,
        %min3A_1094 = arith.minimumf %scan3A_1055, %get3A_1093 : vector<16xf32>
        %max3A_1095 = arith.maximumf %scan3A_1063, %min3A_1094 : vector<16xf32>
        %max3A_1096 = arith.maximumf %scan3A_1055, %get3A_1093 : vector<16xf32>
        %get3A_1097 = arith.index_cast %scan3A_1050 : i32 to index
        %get3A_1098 = arith.constant 80 : index
        %get3A_1099 = tpu.vector_load %arg8[%get3A_1097, %get3A_1098] {strides = array<i32>} : memref<208x128xf32, #tpu.memory_space<vmem>>, vector<16xf32>,
        %min3A_1100 = arith.minimumf %scan3A_1056, %get3A_1099 : vector<16xf32>
        %max3A_1101 = arith.maximumf %scan3A_1064, %min3A_1100 : vector<16xf32>
        %max3A_1102 = arith.maximumf %scan3A_1056, %get3A_1099 : vector<16xf32>
        %get3A_1103 = arith.index_cast %scan3A_1050 : i32 to index
        %get3A_1104 = arith.constant 96 : index
        %get3A_1105 = tpu.vector_load %arg8[%get3A_1103, %get3A_1104] {strides = array<i32>} : memref<208x128xf32, #tpu.memory_space<vmem>>, vector<16xf32>,
        %min3A_1106 = arith.minimumf %scan3A_1057, %get3A_1105 : vector<16xf32>
        %max3A_1107 = arith.maximumf %scan3A_1065, %min3A_1106 : vector<16xf32>
        %max3A_1108 = arith.maximumf %scan3A_1057, %get3A_1105 : vector<16xf32>
        %get3A_1109 = arith.index_cast %scan3A_1050 : i32 to index
        %get3A_1110 = arith.constant 112 : index
        %get3A_1111 = tpu.vector_load %arg8[%get3A_1109, %get3A_1110] {strides = array<i32>} : memref<208x128xf32, #tpu.memory_space<vmem>>, vector<16xf32>,
        %min3A_1112 = arith.minimumf %scan3A_1058, %get3A_1111 : vector<16xf32>
        %max3A_1113 = arith.maximumf %scan3A_1066, %min3A_1112 : vector<16xf32>
        %max3A_1114 = arith.maximumf %scan3A_1058, %get3A_1111 : vector<16xf32>
        %scan3A_1115 = arith.constant 1 : i32
        %scan3A_1116 = arith.addi %scan3A_1050, %scan3A_1115 : i32
        %get3A_1117 = arith.index_cast %scan3A_1116 : i32 to index
        %get3A_1118 = arith.constant 0 : index
        %get3A_1119 = tpu.vector_load %arg8[%get3A_1117, %get3A_1118] {strides = array<i32>} : memref<208x128xf32, #tpu.memory_space<vmem>>, vector<16xf32>,
        %min3A_1120 = arith.minimumf %max3A_1072, %get3A_1119 : vector<16xf32>
        %max3A_1121 = arith.maximumf %max3A_1071, %min3A_1120 : vector<16xf32>
        %max3A_1122 = arith.maximumf %max3A_1072, %get3A_1119 : vector<16xf32>
        %get3A_1123 = arith.index_cast %scan3A_1116 : i32 to index
        %get3A_1124 = arith.constant 16 : index
        %get3A_1125 = tpu.vector_load %arg8[%get3A_1123, %get3A_1124] {strides = array<i32>} : memref<208x128xf32, #tpu.memory_space<vmem>>, vector<16xf32>,
        %min3A_1126 = arith.minimumf %max3A_1078, %get3A_1125 : vector<16xf32>
        %max3A_1127 = arith.maximumf %max3A_1077, %min3A_1126 : vector<16xf32>
        %max3A_1128 = arith.maximumf %max3A_1078, %get3A_1125 : vector<16xf32>
        %get3A_1129 = arith.index_cast %scan3A_1116 : i32 to index
        %get3A_1130 = arith.constant 32 : index
        %get3A_1131 = tpu.vector_load %arg8[%get3A_1129, %get3A_1130] {strides = array<i32>} : memref<208x128xf32, #tpu.memory_space<vmem>>, vector<16xf32>,
        %min3A_1132 = arith.minimumf %max3A_1084, %get3A_1131 : vector<16xf32>
        %max3A_1133 = arith.maximumf %max3A_1083, %min3A_1132 : vector<16xf32>
        %max3A_1134 = arith.maximumf %max3A_1084, %get3A_1131 : vector<16xf32>
        %get3A_1135 = arith.index_cast %scan3A_1116 : i32 to index
        %get3A_1136 = arith.constant 48 : index
        %get3A_1137 = tpu.vector_load %arg8[%get3A_1135, %get3A_1136] {strides = array<i32>} : memref<208x128xf32, #tpu.memory_space<vmem>>, vector<16xf32>,
        %min3A_1138 = arith.minimumf %max3A_1090, %get3A_1137 : vector<16xf32>
        %max3A_1139 = arith.maximumf %max3A_1089, %min3A_1138 : vector<16xf32>
        %max3A_1140 = arith.maximumf %max3A_1090, %get3A_1137 : vector<16xf32>
        %get3A_1141 = arith.index_cast %scan3A_1116 : i32 to index
        %get3A_1142 = arith.constant 64 : index
        %get3A_1143 = tpu.vector_load %arg8[%get3A_1141, %get3A_1142] {strides = array<i32>} : memref<208x128xf32, #tpu.memory_space<vmem>>, vector<16xf32>,
        %min3A_1144 = arith.minimumf %max3A_1096, %get3A_1143 : vector<16xf32>
        %max3A_1145 = arith.maximumf %max3A_1095, %min3A_1144 : vector<16xf32>
        %max3A_1146 = arith.maximumf %max3A_1096, %get3A_1143 : vector<16xf32>
        %get3A_1147 = arith.index_cast %scan3A_1116 : i32 to index
        %get3A_1148 = arith.constant 80 : index
        %get3A_1149 = tpu.vector_load %arg8[%get3A_1147, %get3A_1148] {strides = array<i32>} : memref<208x128xf32, #tpu.memory_space<vmem>>, vector<16xf32>,
        %min3A_1150 = arith.minimumf %max3A_1102, %get3A_1149 : vector<16xf32>
        %max3A_1151 = arith.maximumf %max3A_1101, %min3A_1150 : vector<16xf32>
        %max3A_1152 = arith.maximumf %max3A_1102, %get3A_1149 : vector<16xf32>
        %get3A_1153 = arith.index_cast %scan3A_1116 : i32 to index
        %get3A_1154 = arith.constant 96 : index
        %get3A_1155 = tpu.vector_load %arg8[%get3A_1153, %get3A_1154] {strides = array<i32>} : memref<208x128xf32, #tpu.memory_space<vmem>>, vector<16xf32>,
        %min3A_1156 = arith.minimumf %max3A_1108, %get3A_1155 : vector<16xf32>
        %max3A_1157 = arith.maximumf %max3A_1107, %min3A_1156 : vector<16xf32>
        %max3A_1158 = arith.maximumf %max3A_1108, %get3A_1155 : vector<16xf32>
        %get3A_1159 = arith.index_cast %scan3A_1116 : i32 to index
        %get3A_1160 = arith.constant 112 : index
        %get3A_1161 = tpu.vector_load %arg8[%get3A_1159, %get3A_1160] {strides = array<i32>} : memref<208x128xf32, #tpu.memory_space<vmem>>, vector<16xf32>,
        %min3A_1162 = arith.minimumf %max3A_1114, %get3A_1161 : vector<16xf32>
        %max3A_1163 = arith.maximumf %max3A_1113, %min3A_1162 : vector<16xf32>
        %max3A_1164 = arith.maximumf %max3A_1114, %get3A_1161 : vector<16xf32>
        %scan3A_1165 = arith.constant 2 : i32
        %scan3A_1166 = arith.addi %scan3A_1050, %scan3A_1165 : i32
        %get3A_1167 = arith.index_cast %scan3A_1166 : i32 to index
        %get3A_1168 = arith.constant 0 : index
        %get3A_1169 = tpu.vector_load %arg8[%get3A_1167, %get3A_1168] {strides = array<i32>} : memref<208x128xf32, #tpu.memory_space<vmem>>, vector<16xf32>,
        %min3A_1170 = arith.minimumf %max3A_1122, %get3A_1169 : vector<16xf32>
        %max3A_1171 = arith.maximumf %max3A_1121, %min3A_1170 : vector<16xf32>
        %max3A_1172 = arith.maximumf %max3A_1122, %get3A_1169 : vector<16xf32>
        %get3A_1173 = arith.index_cast %scan3A_1166 : i32 to index
        %get3A_1174 = arith.constant 16 : index
        %get3A_1175 = tpu.vector_load %arg8[%get3A_1173, %get3A_1174] {strides = array<i32>} : memref<208x128xf32, #tpu.memory_space<vmem>>, vector<16xf32>,
        %min3A_1176 = arith.minimumf %max3A_1128, %get3A_1175 : vector<16xf32>
        %max3A_1177 = arith.maximumf %max3A_1127, %min3A_1176 : vector<16xf32>
        %max3A_1178 = arith.maximumf %max3A_1128, %get3A_1175 : vector<16xf32>
        %get3A_1179 = arith.index_cast %scan3A_1166 : i32 to index
        %get3A_1180 = arith.constant 32 : index
        %get3A_1181 = tpu.vector_load %arg8[%get3A_1179, %get3A_1180] {strides = array<i32>} : memref<208x128xf32, #tpu.memory_space<vmem>>, vector<16xf32>,
        %min3A_1182 = arith.minimumf %max3A_1134, %get3A_1181 : vector<16xf32>
        %max3A_1183 = arith.maximumf %max3A_1133, %min3A_1182 : vector<16xf32>
        %max3A_1184 = arith.maximumf %max3A_1134, %get3A_1181 : vector<16xf32>
        %get3A_1185 = arith.index_cast %scan3A_1166 : i32 to index
        %get3A_1186 = arith.constant 48 : index
        %get3A_1187 = tpu.vector_load %arg8[%get3A_1185, %get3A_1186] {strides = array<i32>} : memref<208x128xf32, #tpu.memory_space<vmem>>, vector<16xf32>,
        %min3A_1188 = arith.minimumf %max3A_1140, %get3A_1187 : vector<16xf32>
        %max3A_1189 = arith.maximumf %max3A_1139, %min3A_1188 : vector<16xf32>
        %max3A_1190 = arith.maximumf %max3A_1140, %get3A_1187 : vector<16xf32>
        %get3A_1191 = arith.index_cast %scan3A_1166 : i32 to index
        %get3A_1192 = arith.constant 64 : index
        %get3A_1193 = tpu.vector_load %arg8[%get3A_1191, %get3A_1192] {strides = array<i32>} : memref<208x128xf32, #tpu.memory_space<vmem>>, vector<16xf32>,
        %min3A_1194 = arith.minimumf %max3A_1146, %get3A_1193 : vector<16xf32>
        %max3A_1195 = arith.maximumf %max3A_1145, %min3A_1194 : vector<16xf32>
        %max3A_1196 = arith.maximumf %max3A_1146, %get3A_1193 : vector<16xf32>
        %get3A_1197 = arith.index_cast %scan3A_1166 : i32 to index
        %get3A_1198 = arith.constant 80 : index
        %get3A_1199 = tpu.vector_load %arg8[%get3A_1197, %get3A_1198] {strides = array<i32>} : memref<208x128xf32, #tpu.memory_space<vmem>>, vector<16xf32>,
        %min3A_1200 = arith.minimumf %max3A_1152, %get3A_1199 : vector<16xf32>
        %max3A_1201 = arith.maximumf %max3A_1151, %min3A_1200 : vector<16xf32>
        %max3A_1202 = arith.maximumf %max3A_1152, %get3A_1199 : vector<16xf32>
        %get3A_1203 = arith.index_cast %scan3A_1166 : i32 to index
        %get3A_1204 = arith.constant 96 : index
        %get3A_1205 = tpu.vector_load %arg8[%get3A_1203, %get3A_1204] {strides = array<i32>} : memref<208x128xf32, #tpu.memory_space<vmem>>, vector<16xf32>,
        %min3A_1206 = arith.minimumf %max3A_1158, %get3A_1205 : vector<16xf32>
        %max3A_1207 = arith.maximumf %max3A_1157, %min3A_1206 : vector<16xf32>
        %max3A_1208 = arith.maximumf %max3A_1158, %get3A_1205 : vector<16xf32>
        %get3A_1209 = arith.index_cast %scan3A_1166 : i32 to index
        %get3A_1210 = arith.constant 112 : index
        %get3A_1211 = tpu.vector_load %arg8[%get3A_1209, %get3A_1210] {strides = array<i32>} : memref<208x128xf32, #tpu.memory_space<vmem>>, vector<16xf32>,
        %min3A_1212 = arith.minimumf %max3A_1164, %get3A_1211 : vector<16xf32>
        %max3A_1213 = arith.maximumf %max3A_1163, %min3A_1212 : vector<16xf32>
        %max3A_1214 = arith.maximumf %max3A_1164, %get3A_1211 : vector<16xf32>
        %scan3A_1215 = arith.constant 3 : i32
        %scan3A_1216 = arith.addi %scan3A_1050, %scan3A_1215 : i32
        %get3A_1217 = arith.index_cast %scan3A_1216 : i32 to index
        %get3A_1218 = arith.constant 0 : index
        %get3A_1219 = tpu.vector_load %arg8[%get3A_1217, %get3A_1218] {strides = array<i32>} : memref<208x128xf32, #tpu.memory_space<vmem>>, vector<16xf32>,
        %min3A_1220 = arith.minimumf %max3A_1172, %get3A_1219 : vector<16xf32>
        %max3A_1221 = arith.maximumf %max3A_1171, %min3A_1220 : vector<16xf32>
        %max3A_1222 = arith.maximumf %max3A_1172, %get3A_1219 : vector<16xf32>
        %get3A_1223 = arith.index_cast %scan3A_1216 : i32 to index
        %get3A_1224 = arith.constant 16 : index
        %get3A_1225 = tpu.vector_load %arg8[%get3A_1223, %get3A_1224] {strides = array<i32>} : memref<208x128xf32, #tpu.memory_space<vmem>>, vector<16xf32>,
        %min3A_1226 = arith.minimumf %max3A_1178, %get3A_1225 : vector<16xf32>
        %max3A_1227 = arith.maximumf %max3A_1177, %min3A_1226 : vector<16xf32>
        %max3A_1228 = arith.maximumf %max3A_1178, %get3A_1225 : vector<16xf32>
        %get3A_1229 = arith.index_cast %scan3A_1216 : i32 to index
        %get3A_1230 = arith.constant 32 : index
        %get3A_1231 = tpu.vector_load %arg8[%get3A_1229, %get3A_1230] {strides = array<i32>} : memref<208x128xf32, #tpu.memory_space<vmem>>, vector<16xf32>,
        %min3A_1232 = arith.minimumf %max3A_1184, %get3A_1231 : vector<16xf32>
        %max3A_1233 = arith.maximumf %max3A_1183, %min3A_1232 : vector<16xf32>
        %max3A_1234 = arith.maximumf %max3A_1184, %get3A_1231 : vector<16xf32>
        %get3A_1235 = arith.index_cast %scan3A_1216 : i32 to index
        %get3A_1236 = arith.constant 48 : index
        %get3A_1237 = tpu.vector_load %arg8[%get3A_1235, %get3A_1236] {strides = array<i32>} : memref<208x128xf32, #tpu.memory_space<vmem>>, vector<16xf32>,
        %min3A_1238 = arith.minimumf %max3A_1190, %get3A_1237 : vector<16xf32>
        %max3A_1239 = arith.maximumf %max3A_1189, %min3A_1238 : vector<16xf32>
        %max3A_1240 = arith.maximumf %max3A_1190, %get3A_1237 : vector<16xf32>
        %get3A_1241 = arith.index_cast %scan3A_1216 : i32 to index
        %get3A_1242 = arith.constant 64 : index
        %get3A_1243 = tpu.vector_load %arg8[%get3A_1241, %get3A_1242] {strides = array<i32>} : memref<208x128xf32, #tpu.memory_space<vmem>>, vector<16xf32>,
        %min3A_1244 = arith.minimumf %max3A_1196, %get3A_1243 : vector<16xf32>
        %max3A_1245 = arith.maximumf %max3A_1195, %min3A_1244 : vector<16xf32>
        %max3A_1246 = arith.maximumf %max3A_1196, %get3A_1243 : vector<16xf32>
        %get3A_1247 = arith.index_cast %scan3A_1216 : i32 to index
        %get3A_1248 = arith.constant 80 : index
        %get3A_1249 = tpu.vector_load %arg8[%get3A_1247, %get3A_1248] {strides = array<i32>} : memref<208x128xf32, #tpu.memory_space<vmem>>, vector<16xf32>,
        %min3A_1250 = arith.minimumf %max3A_1202, %get3A_1249 : vector<16xf32>
        %max3A_1251 = arith.maximumf %max3A_1201, %min3A_1250 : vector<16xf32>
        %max3A_1252 = arith.maximumf %max3A_1202, %get3A_1249 : vector<16xf32>
        %get3A_1253 = arith.index_cast %scan3A_1216 : i32 to index
        %get3A_1254 = arith.constant 96 : index
        %get3A_1255 = tpu.vector_load %arg8[%get3A_1253, %get3A_1254] {strides = array<i32>} : memref<208x128xf32, #tpu.memory_space<vmem>>, vector<16xf32>,
        %min3A_1256 = arith.minimumf %max3A_1208, %get3A_1255 : vector<16xf32>
        %max3A_1257 = arith.maximumf %max3A_1207, %min3A_1256 : vector<16xf32>
        %max3A_1258 = arith.maximumf %max3A_1208, %get3A_1255 : vector<16xf32>
        %get3A_1259 = arith.index_cast %scan3A_1216 : i32 to index
        %get3A_1260 = arith.constant 112 : index
        %get3A_1261 = tpu.vector_load %arg8[%get3A_1259, %get3A_1260] {strides = array<i32>} : memref<208x128xf32, #tpu.memory_space<vmem>>, vector<16xf32>,
        %min3A_1262 = arith.minimumf %max3A_1214, %get3A_1261 : vector<16xf32>
        %max3A_1263 = arith.maximumf %max3A_1213, %min3A_1262 : vector<16xf32>
        %max3A_1264 = arith.maximumf %max3A_1214, %get3A_1261 : vector<16xf32>
        scf.yield %max3A_1222, %max3A_1228, %max3A_1234, %max3A_1240, %max3A_1246, %max3A_1252, %max3A_1258, %max3A_1264, %max3A_1221, %max3A_1227, %max3A_1233, %max3A_1239, %max3A_1245, %max3A_1251, %max3A_1257, %max3A_1263 : vector<16xf32>, vector<16xf32>, vector<16xf32>, vector<16xf32>, vector<16xf32>, vector<16xf32>, vector<16xf32>, vector<16xf32>, vector<16xf32>, vector<16xf32>, vector<16xf32>, vector<16xf32>, vector<16xf32>, vector<16xf32>, vector<16xf32>, vector<16xf32>
      }
      %scan3A_994 = arith.constant 208 : i32
      %add3A_995 = arith.constant 0 : i32
      %add3A_996 = arith.addi %mul3A_980, %add3A_995 : i32
      %add3A_997 = arith.constant 3 : i32
      %add3A_998 = arith.addi %add3A_996, %add3A_997 : i32
      %lt3A_999 = arith.constant 60 : i32
      %lt3A_1000 = arith.cmpi slt, %add3A_998, %lt3A_999 : i32
      %convert_element_type3A_1001 = arith.extui %lt3A_1000 : i1 to i32
      %cond3A_1002 = arith.constant 0 : i32
      %cond3A_1003 = arith.cmpi ne, %convert_element_type3A_1001, %cond3A_1002 : i32
      scf.if %cond3A_1003 {
        %add3A_1050 = arith.constant 0 : i32
        %add3A_1051 = arith.addi %mul3A_980, %add3A_1050 : i32
        %add3A_1052 = arith.constant 3 : i32
        %add3A_1053 = arith.addi %add3A_1051, %add3A_1052 : i32
        %mul3A_1054 = arith.constant 208 : i32
        %mul3A_1055 = arith.muli %add3A_1053, %mul3A_1054 : i32
        %add3A_1056 = arith.addi %multiple_of3A_45, %mul3A_1055 : i32
        %multiple_of3A_1057 = tpu.assume_multiple %add3A_1056, 8 : i32
        %dma_start3A_1058 = tpu.memref_slice %arg2[%multiple_of3A_1057, %multiple_of3A] : memref<100000x1024xf32, #tpu.memory_space<hbm>> -> memref<208x128xf32, #tpu.memory_space<hbm>>
        %dma_start3A_1059 = tpu.memref_slice %arg2[%multiple_of3A_1057, %multiple_of3A] : memref<100000x1024xf32, #tpu.memory_space<hbm>> -> memref<208x128xf32, #tpu.memory_space<hbm>>
        tpu.enqueue_dma source(%dma_start3A_1059 : memref<208x128xf32, #tpu.memory_space<hbm>>) target(%arg8 : memref<208x128xf32, #tpu.memory_space<vmem>>) target_semaphore(%arg19 : memref<!tpu.dma_semaphore, #tpu.memory_space<semaphore_mem>>)
      } else {
      }
      %add3A_1004 = arith.constant 1 : i32
      %add3A_1005 = arith.addi %mul3A_980, %add3A_1004 : i32
      %mul3A_1006 = arith.constant 208 : i32
      %mul3A_1007 = arith.muli %add3A_1005, %mul3A_1006 : i32
      %add3A_1008 = arith.addi %multiple_of3A_45, %mul3A_1007 : i32
      %multiple_of3A_1009 = tpu.assume_multiple %add3A_1008, 8 : i32
      %dma_wait3A_1010 = tpu.memref_slice %arg2[%multiple_of3A_1009, %multiple_of3A] : memref<100000x1024xf32, #tpu.memory_space<hbm>> -> memref<208x128xf32, #tpu.memory_space<hbm>>
      %dma_wait3A_1011 = tpu.memref_slice %arg2[%multiple_of3A_1009, %multiple_of3A] : memref<100000x1024xf32, #tpu.memory_space<hbm>> -> memref<208x128xf32, #tpu.memory_space<hbm>>
      tpu.wait_dma2 semaphore(%arg20 : memref<!tpu.dma_semaphore, #tpu.memory_space<semaphore_mem>>) src(%dma_wait3A_1011 : memref<208x128xf32, #tpu.memory_space<hbm>>) dst(%arg9 : memref<208x128xf32, #tpu.memory_space<vmem>>)
      %scan3A_1012 = arith.constant 0 : i32
      %scan3A_1013 = arith.constant 208 : i32
      %scan3A_1014 = arith.addi %scan3A_1012, %scan3A_1013 : i32
      %scan3A_1015 = arith.constant 4 : i32
      %scan3A_1016:16 = scf.for %scan3A_1050 = %scan3A_1012 to %scan3A_1014 step %scan3A_1015 iter_args(%scan3A_1051 = %scan3A_993#0, %scan3A_1052 = %scan3A_993#1, %scan3A_1053 = %scan3A_993#2, %scan3A_1054 = %scan3A_993#3, %scan3A_1055 = %scan3A_993#4, %scan3A_1056 = %scan3A_993#5, %scan3A_1057 = %scan3A_993#6, %scan3A_1058 = %scan3A_993#7, %scan3A_1059 = %scan3A_993#8, %scan3A_1060 = %scan3A_993#9, %scan3A_1061 = %scan3A_993#10, %scan3A_1062 = %scan3A_993#11, %scan3A_1063 = %scan3A_993#12, %scan3A_1064 = %scan3A_993#13, %scan3A_1065 = %scan3A_993#14, %scan3A_1066 = %scan3A_993#15) -> (vector<16xf32>, vector<16xf32>, vector<16xf32>, vector<16xf32>, vector<16xf32>, vector<16xf32>, vector<16xf32>, vector<16xf32>, vector<16xf32>, vector<16xf32>, vector<16xf32>, vector<16xf32>, vector<16xf32>, vector<16xf32>, vector<16xf32>, vector<16xf32>)  : i32 {
        %get3A_1067 = arith.index_cast %scan3A_1050 : i32 to index
        %get3A_1068 = arith.constant 0 : index
        %get3A_1069 = tpu.vector_load %arg9[%get3A_1067, %get3A_1068] {strides = array<i32>} : memref<208x128xf32, #tpu.memory_space<vmem>>, vector<16xf32>,
        %min3A_1070 = arith.minimumf %scan3A_1051, %get3A_1069 : vector<16xf32>
        %max3A_1071 = arith.maximumf %scan3A_1059, %min3A_1070 : vector<16xf32>
        %max3A_1072 = arith.maximumf %scan3A_1051, %get3A_1069 : vector<16xf32>
        %get3A_1073 = arith.index_cast %scan3A_1050 : i32 to index
        %get3A_1074 = arith.constant 16 : index
        %get3A_1075 = tpu.vector_load %arg9[%get3A_1073, %get3A_1074] {strides = array<i32>} : memref<208x128xf32, #tpu.memory_space<vmem>>, vector<16xf32>,
        %min3A_1076 = arith.minimumf %scan3A_1052, %get3A_1075 : vector<16xf32>
        %max3A_1077 = arith.maximumf %scan3A_1060, %min3A_1076 : vector<16xf32>
        %max3A_1078 = arith.maximumf %scan3A_1052, %get3A_1075 : vector<16xf32>
        %get3A_1079 = arith.index_cast %scan3A_1050 : i32 to index
        %get3A_1080 = arith.constant 32 : index
        %get3A_1081 = tpu.vector_load %arg9[%get3A_1079, %get3A_1080] {strides = array<i32>} : memref<208x128xf32, #tpu.memory_space<vmem>>, vector<16xf32>,
        %min3A_1082 = arith.minimumf %scan3A_1053, %get3A_1081 : vector<16xf32>
        %max3A_1083 = arith.maximumf %scan3A_1061, %min3A_1082 : vector<16xf32>
        %max3A_1084 = arith.maximumf %scan3A_1053, %get3A_1081 : vector<16xf32>
        %get3A_1085 = arith.index_cast %scan3A_1050 : i32 to index
        %get3A_1086 = arith.constant 48 : index
        %get3A_1087 = tpu.vector_load %arg9[%get3A_1085, %get3A_1086] {strides = array<i32>} : memref<208x128xf32, #tpu.memory_space<vmem>>, vector<16xf32>,
        %min3A_1088 = arith.minimumf %scan3A_1054, %get3A_1087 : vector<16xf32>
        %max3A_1089 = arith.maximumf %scan3A_1062, %min3A_1088 : vector<16xf32>
        %max3A_1090 = arith.maximumf %scan3A_1054, %get3A_1087 : vector<16xf32>
        %get3A_1091 = arith.index_cast %scan3A_1050 : i32 to index
        %get3A_1092 = arith.constant 64 : index
        %get3A_1093 = tpu.vector_load %arg9[%get3A_1091, %get3A_1092] {strides = array<i32>} : memref<208x128xf32, #tpu.memory_space<vmem>>, vector<16xf32>,
        %min3A_1094 = arith.minimumf %scan3A_1055, %get3A_1093 : vector<16xf32>
        %max3A_1095 = arith.maximumf %scan3A_1063, %min3A_1094 : vector<16xf32>
        %max3A_1096 = arith.maximumf %scan3A_1055, %get3A_1093 : vector<16xf32>
        %get3A_1097 = arith.index_cast %scan3A_1050 : i32 to index
        %get3A_1098 = arith.constant 80 : index
        %get3A_1099 = tpu.vector_load %arg9[%get3A_1097, %get3A_1098] {strides = array<i32>} : memref<208x128xf32, #tpu.memory_space<vmem>>, vector<16xf32>,
        %min3A_1100 = arith.minimumf %scan3A_1056, %get3A_1099 : vector<16xf32>
        %max3A_1101 = arith.maximumf %scan3A_1064, %min3A_1100 : vector<16xf32>
        %max3A_1102 = arith.maximumf %scan3A_1056, %get3A_1099 : vector<16xf32>
        %get3A_1103 = arith.index_cast %scan3A_1050 : i32 to index
        %get3A_1104 = arith.constant 96 : index
        %get3A_1105 = tpu.vector_load %arg9[%get3A_1103, %get3A_1104] {strides = array<i32>} : memref<208x128xf32, #tpu.memory_space<vmem>>, vector<16xf32>,
        %min3A_1106 = arith.minimumf %scan3A_1057, %get3A_1105 : vector<16xf32>
        %max3A_1107 = arith.maximumf %scan3A_1065, %min3A_1106 : vector<16xf32>
        %max3A_1108 = arith.maximumf %scan3A_1057, %get3A_1105 : vector<16xf32>
        %get3A_1109 = arith.index_cast %scan3A_1050 : i32 to index
        %get3A_1110 = arith.constant 112 : index
        %get3A_1111 = tpu.vector_load %arg9[%get3A_1109, %get3A_1110] {strides = array<i32>} : memref<208x128xf32, #tpu.memory_space<vmem>>, vector<16xf32>,
        %min3A_1112 = arith.minimumf %scan3A_1058, %get3A_1111 : vector<16xf32>
        %max3A_1113 = arith.maximumf %scan3A_1066, %min3A_1112 : vector<16xf32>
        %max3A_1114 = arith.maximumf %scan3A_1058, %get3A_1111 : vector<16xf32>
        %scan3A_1115 = arith.constant 1 : i32
        %scan3A_1116 = arith.addi %scan3A_1050, %scan3A_1115 : i32
        %get3A_1117 = arith.index_cast %scan3A_1116 : i32 to index
        %get3A_1118 = arith.constant 0 : index
        %get3A_1119 = tpu.vector_load %arg9[%get3A_1117, %get3A_1118] {strides = array<i32>} : memref<208x128xf32, #tpu.memory_space<vmem>>, vector<16xf32>,
        %min3A_1120 = arith.minimumf %max3A_1072, %get3A_1119 : vector<16xf32>
        %max3A_1121 = arith.maximumf %max3A_1071, %min3A_1120 : vector<16xf32>
        %max3A_1122 = arith.maximumf %max3A_1072, %get3A_1119 : vector<16xf32>
        %get3A_1123 = arith.index_cast %scan3A_1116 : i32 to index
        %get3A_1124 = arith.constant 16 : index
        %get3A_1125 = tpu.vector_load %arg9[%get3A_1123, %get3A_1124] {strides = array<i32>} : memref<208x128xf32, #tpu.memory_space<vmem>>, vector<16xf32>,
        %min3A_1126 = arith.minimumf %max3A_1078, %get3A_1125 : vector<16xf32>
        %max3A_1127 = arith.maximumf %max3A_1077, %min3A_1126 : vector<16xf32>
        %max3A_1128 = arith.maximumf %max3A_1078, %get3A_1125 : vector<16xf32>
        %get3A_1129 = arith.index_cast %scan3A_1116 : i32 to index
        %get3A_1130 = arith.constant 32 : index
        %get3A_1131 = tpu.vector_load %arg9[%get3A_1129, %get3A_1130] {strides = array<i32>} : memref<208x128xf32, #tpu.memory_space<vmem>>, vector<16xf32>,
        %min3A_1132 = arith.minimumf %max3A_1084, %get3A_1131 : vector<16xf32>
        %max3A_1133 = arith.maximumf %max3A_1083, %min3A_1132 : vector<16xf32>
        %max3A_1134 = arith.maximumf %max3A_1084, %get3A_1131 : vector<16xf32>
        %get3A_1135 = arith.index_cast %scan3A_1116 : i32 to index
        %get3A_1136 = arith.constant 48 : index
        %get3A_1137 = tpu.vector_load %arg9[%get3A_1135, %get3A_1136] {strides = array<i32>} : memref<208x128xf32, #tpu.memory_space<vmem>>, vector<16xf32>,
        %min3A_1138 = arith.minimumf %max3A_1090, %get3A_1137 : vector<16xf32>
        %max3A_1139 = arith.maximumf %max3A_1089, %min3A_1138 : vector<16xf32>
        %max3A_1140 = arith.maximumf %max3A_1090, %get3A_1137 : vector<16xf32>
        %get3A_1141 = arith.index_cast %scan3A_1116 : i32 to index
        %get3A_1142 = arith.constant 64 : index
        %get3A_1143 = tpu.vector_load %arg9[%get3A_1141, %get3A_1142] {strides = array<i32>} : memref<208x128xf32, #tpu.memory_space<vmem>>, vector<16xf32>,
        %min3A_1144 = arith.minimumf %max3A_1096, %get3A_1143 : vector<16xf32>
        %max3A_1145 = arith.maximumf %max3A_1095, %min3A_1144 : vector<16xf32>
        %max3A_1146 = arith.maximumf %max3A_1096, %get3A_1143 : vector<16xf32>
        %get3A_1147 = arith.index_cast %scan3A_1116 : i32 to index
        %get3A_1148 = arith.constant 80 : index
        %get3A_1149 = tpu.vector_load %arg9[%get3A_1147, %get3A_1148] {strides = array<i32>} : memref<208x128xf32, #tpu.memory_space<vmem>>, vector<16xf32>,
        %min3A_1150 = arith.minimumf %max3A_1102, %get3A_1149 : vector<16xf32>
        %max3A_1151 = arith.maximumf %max3A_1101, %min3A_1150 : vector<16xf32>
        %max3A_1152 = arith.maximumf %max3A_1102, %get3A_1149 : vector<16xf32>
        %get3A_1153 = arith.index_cast %scan3A_1116 : i32 to index
        %get3A_1154 = arith.constant 96 : index
        %get3A_1155 = tpu.vector_load %arg9[%get3A_1153, %get3A_1154] {strides = array<i32>} : memref<208x128xf32, #tpu.memory_space<vmem>>, vector<16xf32>,
        %min3A_1156 = arith.minimumf %max3A_1108, %get3A_1155 : vector<16xf32>
        %max3A_1157 = arith.maximumf %max3A_1107, %min3A_1156 : vector<16xf32>
        %max3A_1158 = arith.maximumf %max3A_1108, %get3A_1155 : vector<16xf32>
        %get3A_1159 = arith.index_cast %scan3A_1116 : i32 to index
        %get3A_1160 = arith.constant 112 : index
        %get3A_1161 = tpu.vector_load %arg9[%get3A_1159, %get3A_1160] {strides = array<i32>} : memref<208x128xf32, #tpu.memory_space<vmem>>, vector<16xf32>,
        %min3A_1162 = arith.minimumf %max3A_1114, %get3A_1161 : vector<16xf32>
        %max3A_1163 = arith.maximumf %max3A_1113, %min3A_1162 : vector<16xf32>
        %max3A_1164 = arith.maximumf %max3A_1114, %get3A_1161 : vector<16xf32>
        %scan3A_1165 = arith.constant 2 : i32
        %scan3A_1166 = arith.addi %scan3A_1050, %scan3A_1165 : i32
        %get3A_1167 = arith.index_cast %scan3A_1166 : i32 to index
        %get3A_1168 = arith.constant 0 : index
        %get3A_1169 = tpu.vector_load %arg9[%get3A_1167, %get3A_1168] {strides = array<i32>} : memref<208x128xf32, #tpu.memory_space<vmem>>, vector<16xf32>,
        %min3A_1170 = arith.minimumf %max3A_1122, %get3A_1169 : vector<16xf32>
        %max3A_1171 = arith.maximumf %max3A_1121, %min3A_1170 : vector<16xf32>
        %max3A_1172 = arith.maximumf %max3A_1122, %get3A_1169 : vector<16xf32>
        %get3A_1173 = arith.index_cast %scan3A_1166 : i32 to index
        %get3A_1174 = arith.constant 16 : index
        %get3A_1175 = tpu.vector_load %arg9[%get3A_1173, %get3A_1174] {strides = array<i32>} : memref<208x128xf32, #tpu.memory_space<vmem>>, vector<16xf32>,
        %min3A_1176 = arith.minimumf %max3A_1128, %get3A_1175 : vector<16xf32>
        %max3A_1177 = arith.maximumf %max3A_1127, %min3A_1176 : vector<16xf32>
        %max3A_1178 = arith.maximumf %max3A_1128, %get3A_1175 : vector<16xf32>
        %get3A_1179 = arith.index_cast %scan3A_1166 : i32 to index
        %get3A_1180 = arith.constant 32 : index
        %get3A_1181 = tpu.vector_load %arg9[%get3A_1179, %get3A_1180] {strides = array<i32>} : memref<208x128xf32, #tpu.memory_space<vmem>>, vector<16xf32>,
        %min3A_1182 = arith.minimumf %max3A_1134, %get3A_1181 : vector<16xf32>
        %max3A_1183 = arith.maximumf %max3A_1133, %min3A_1182 : vector<16xf32>
        %max3A_1184 = arith.maximumf %max3A_1134, %get3A_1181 : vector<16xf32>
        %get3A_1185 = arith.index_cast %scan3A_1166 : i32 to index
        %get3A_1186 = arith.constant 48 : index
        %get3A_1187 = tpu.vector_load %arg9[%get3A_1185, %get3A_1186] {strides = array<i32>} : memref<208x128xf32, #tpu.memory_space<vmem>>, vector<16xf32>,
        %min3A_1188 = arith.minimumf %max3A_1140, %get3A_1187 : vector<16xf32>
        %max3A_1189 = arith.maximumf %max3A_1139, %min3A_1188 : vector<16xf32>
        %max3A_1190 = arith.maximumf %max3A_1140, %get3A_1187 : vector<16xf32>
        %get3A_1191 = arith.index_cast %scan3A_1166 : i32 to index
        %get3A_1192 = arith.constant 64 : index
        %get3A_1193 = tpu.vector_load %arg9[%get3A_1191, %get3A_1192] {strides = array<i32>} : memref<208x128xf32, #tpu.memory_space<vmem>>, vector<16xf32>,
        %min3A_1194 = arith.minimumf %max3A_1146, %get3A_1193 : vector<16xf32>
        %max3A_1195 = arith.maximumf %max3A_1145, %min3A_1194 : vector<16xf32>
        %max3A_1196 = arith.maximumf %max3A_1146, %get3A_1193 : vector<16xf32>
        %get3A_1197 = arith.index_cast %scan3A_1166 : i32 to index
        %get3A_1198 = arith.constant 80 : index
        %get3A_1199 = tpu.vector_load %arg9[%get3A_1197, %get3A_1198] {strides = array<i32>} : memref<208x128xf32, #tpu.memory_space<vmem>>, vector<16xf32>,
        %min3A_1200 = arith.minimumf %max3A_1152, %get3A_1199 : vector<16xf32>
        %max3A_1201 = arith.maximumf %max3A_1151, %min3A_1200 : vector<16xf32>
        %max3A_1202 = arith.maximumf %max3A_1152, %get3A_1199 : vector<16xf32>
        %get3A_1203 = arith.index_cast %scan3A_1166 : i32 to index
        %get3A_1204 = arith.constant 96 : index
        %get3A_1205 = tpu.vector_load %arg9[%get3A_1203, %get3A_1204] {strides = array<i32>} : memref<208x128xf32, #tpu.memory_space<vmem>>, vector<16xf32>,
        %min3A_1206 = arith.minimumf %max3A_1158, %get3A_1205 : vector<16xf32>
        %max3A_1207 = arith.maximumf %max3A_1157, %min3A_1206 : vector<16xf32>
        %max3A_1208 = arith.maximumf %max3A_1158, %get3A_1205 : vector<16xf32>
        %get3A_1209 = arith.index_cast %scan3A_1166 : i32 to index
        %get3A_1210 = arith.constant 112 : index
        %get3A_1211 = tpu.vector_load %arg9[%get3A_1209, %get3A_1210] {strides = array<i32>} : memref<208x128xf32, #tpu.memory_space<vmem>>, vector<16xf32>,
        %min3A_1212 = arith.minimumf %max3A_1164, %get3A_1211 : vector<16xf32>
        %max3A_1213 = arith.maximumf %max3A_1163, %min3A_1212 : vector<16xf32>
        %max3A_1214 = arith.maximumf %max3A_1164, %get3A_1211 : vector<16xf32>
        %scan3A_1215 = arith.constant 3 : i32
        %scan3A_1216 = arith.addi %scan3A_1050, %scan3A_1215 : i32
        %get3A_1217 = arith.index_cast %scan3A_1216 : i32 to index
        %get3A_1218 = arith.constant 0 : index
        %get3A_1219 = tpu.vector_load %arg9[%get3A_1217, %get3A_1218] {strides = array<i32>} : memref<208x128xf32, #tpu.memory_space<vmem>>, vector<16xf32>,
        %min3A_1220 = arith.minimumf %max3A_1172, %get3A_1219 : vector<16xf32>
        %max3A_1221 = arith.maximumf %max3A_1171, %min3A_1220 : vector<16xf32>
        %max3A_1222 = arith.maximumf %max3A_1172, %get3A_1219 : vector<16xf32>
        %get3A_1223 = arith.index_cast %scan3A_1216 : i32 to index
        %get3A_1224 = arith.constant 16 : index
        %get3A_1225 = tpu.vector_load %arg9[%get3A_1223, %get3A_1224] {strides = array<i32>} : memref<208x128xf32, #tpu.memory_space<vmem>>, vector<16xf32>,
        %min3A_1226 = arith.minimumf %max3A_1178, %get3A_1225 : vector<16xf32>
        %max3A_1227 = arith.maximumf %max3A_1177, %min3A_1226 : vector<16xf32>
        %max3A_1228 = arith.maximumf %max3A_1178, %get3A_1225 : vector<16xf32>
        %get3A_1229 = arith.index_cast %scan3A_1216 : i32 to index
        %get3A_1230 = arith.constant 32 : index
        %get3A_1231 = tpu.vector_load %arg9[%get3A_1229, %get3A_1230] {strides = array<i32>} : memref<208x128xf32, #tpu.memory_space<vmem>>, vector<16xf32>,
        %min3A_1232 = arith.minimumf %max3A_1184, %get3A_1231 : vector<16xf32>
        %max3A_1233 = arith.maximumf %max3A_1183, %min3A_1232 : vector<16xf32>
        %max3A_1234 = arith.maximumf %max3A_1184, %get3A_1231 : vector<16xf32>
        %get3A_1235 = arith.index_cast %scan3A_1216 : i32 to index
        %get3A_1236 = arith.constant 48 : index
        %get3A_1237 = tpu.vector_load %arg9[%get3A_1235, %get3A_1236] {strides = array<i32>} : memref<208x128xf32, #tpu.memory_space<vmem>>, vector<16xf32>,
        %min3A_1238 = arith.minimumf %max3A_1190, %get3A_1237 : vector<16xf32>
        %max3A_1239 = arith.maximumf %max3A_1189, %min3A_1238 : vector<16xf32>
        %max3A_1240 = arith.maximumf %max3A_1190, %get3A_1237 : vector<16xf32>
        %get3A_1241 = arith.index_cast %scan3A_1216 : i32 to index
        %get3A_1242 = arith.constant 64 : index
        %get3A_1243 = tpu.vector_load %arg9[%get3A_1241, %get3A_1242] {strides = array<i32>} : memref<208x128xf32, #tpu.memory_space<vmem>>, vector<16xf32>,
        %min3A_1244 = arith.minimumf %max3A_1196, %get3A_1243 : vector<16xf32>
        %max3A_1245 = arith.maximumf %max3A_1195, %min3A_1244 : vector<16xf32>
        %max3A_1246 = arith.maximumf %max3A_1196, %get3A_1243 : vector<16xf32>
        %get3A_1247 = arith.index_cast %scan3A_1216 : i32 to index
        %get3A_1248 = arith.constant 80 : index
        %get3A_1249 = tpu.vector_load %arg9[%get3A_1247, %get3A_1248] {strides = array<i32>} : memref<208x128xf32, #tpu.memory_space<vmem>>, vector<16xf32>,
        %min3A_1250 = arith.minimumf %max3A_1202, %get3A_1249 : vector<16xf32>
        %max3A_1251 = arith.maximumf %max3A_1201, %min3A_1250 : vector<16xf32>
        %max3A_1252 = arith.maximumf %max3A_1202, %get3A_1249 : vector<16xf32>
        %get3A_1253 = arith.index_cast %scan3A_1216 : i32 to index
        %get3A_1254 = arith.constant 96 : index
        %get3A_1255 = tpu.vector_load %arg9[%get3A_1253, %get3A_1254] {strides = array<i32>} : memref<208x128xf32, #tpu.memory_space<vmem>>, vector<16xf32>,
        %min3A_1256 = arith.minimumf %max3A_1208, %get3A_1255 : vector<16xf32>
        %max3A_1257 = arith.maximumf %max3A_1207, %min3A_1256 : vector<16xf32>
        %max3A_1258 = arith.maximumf %max3A_1208, %get3A_1255 : vector<16xf32>
        %get3A_1259 = arith.index_cast %scan3A_1216 : i32 to index
        %get3A_1260 = arith.constant 112 : index
        %get3A_1261 = tpu.vector_load %arg9[%get3A_1259, %get3A_1260] {strides = array<i32>} : memref<208x128xf32, #tpu.memory_space<vmem>>, vector<16xf32>,
        %min3A_1262 = arith.minimumf %max3A_1214, %get3A_1261 : vector<16xf32>
        %max3A_1263 = arith.maximumf %max3A_1213, %min3A_1262 : vector<16xf32>
        %max3A_1264 = arith.maximumf %max3A_1214, %get3A_1261 : vector<16xf32>
        scf.yield %max3A_1222, %max3A_1228, %max3A_1234, %max3A_1240, %max3A_1246, %max3A_1252, %max3A_1258, %max3A_1264, %max3A_1221, %max3A_1227, %max3A_1233, %max3A_1239, %max3A_1245, %max3A_1251, %max3A_1257, %max3A_1263 : vector<16xf32>, vector<16xf32>, vector<16xf32>, vector<16xf32>, vector<16xf32>, vector<16xf32>, vector<16xf32>, vector<16xf32>, vector<16xf32>, vector<16xf32>, vector<16xf32>, vector<16xf32>, vector<16xf32>, vector<16xf32>, vector<16xf32>, vector<16xf32>
      }
      %scan3A_1017 = arith.constant 208 : i32
      %add3A_1018 = arith.constant 1 : i32
      %add3A_1019 = arith.addi %mul3A_980, %add3A_1018 : i32
      %add3A_1020 = arith.constant 3 : i32
      %add3A_1021 = arith.addi %add3A_1019, %add3A_1020 : i32
      %lt3A_1022 = arith.constant 60 : i32
      %lt3A_1023 = arith.cmpi slt, %add3A_1021, %lt3A_1022 : i32
      %convert_element_type3A_1024 = arith.extui %lt3A_1023 : i1 to i32
      %cond3A_1025 = arith.constant 0 : i32
      %cond3A_1026 = arith.cmpi ne, %convert_element_type3A_1024, %cond3A_1025 : i32
      scf.if %cond3A_1026 {
        %add3A_1050 = arith.constant 1 : i32
        %add3A_1051 = arith.addi %mul3A_980, %add3A_1050 : i32
        %add3A_1052 = arith.constant 3 : i32
        %add3A_1053 = arith.addi %add3A_1051, %add3A_1052 : i32
        %mul3A_1054 = arith.constant 208 : i32
        %mul3A_1055 = arith.muli %add3A_1053, %mul3A_1054 : i32
        %add3A_1056 = arith.addi %multiple_of3A_45, %mul3A_1055 : i32
        %multiple_of3A_1057 = tpu.assume_multiple %add3A_1056, 8 : i32
        %dma_start3A_1058 = tpu.memref_slice %arg2[%multiple_of3A_1057, %multiple_of3A] : memref<100000x1024xf32, #tpu.memory_space<hbm>> -> memref<208x128xf32, #tpu.memory_space<hbm>>
        %dma_start3A_1059 = tpu.memref_slice %arg2[%multiple_of3A_1057, %multiple_of3A] : memref<100000x1024xf32, #tpu.memory_space<hbm>> -> memref<208x128xf32, #tpu.memory_space<hbm>>
        tpu.enqueue_dma source(%dma_start3A_1059 : memref<208x128xf32, #tpu.memory_space<hbm>>) target(%arg9 : memref<208x128xf32, #tpu.memory_space<vmem>>) target_semaphore(%arg20 : memref<!tpu.dma_semaphore, #tpu.memory_space<semaphore_mem>>)
      } else {
      }
      %add3A_1027 = arith.constant 2 : i32
      %add3A_1028 = arith.addi %mul3A_980, %add3A_1027 : i32
      %mul3A_1029 = arith.constant 208 : i32
      %mul3A_1030 = arith.muli %add3A_1028, %mul3A_1029 : i32
      %add3A_1031 = arith.addi %multiple_of3A_45, %mul3A_1030 : i32
      %multiple_of3A_1032 = tpu.assume_multiple %add3A_1031, 8 : i32
      %dma_wait3A_1033 = tpu.memref_slice %arg2[%multiple_of3A_1032, %multiple_of3A] : memref<100000x1024xf32, #tpu.memory_space<hbm>> -> memref<208x128xf32, #tpu.memory_space<hbm>>
      %dma_wait3A_1034 = tpu.memref_slice %arg2[%multiple_of3A_1032, %multiple_of3A] : memref<100000x1024xf32, #tpu.memory_space<hbm>> -> memref<208x128xf32, #tpu.memory_space<hbm>>
      tpu.wait_dma2 semaphore(%arg21 : memref<!tpu.dma_semaphore, #tpu.memory_space<semaphore_mem>>) src(%dma_wait3A_1034 : memref<208x128xf32, #tpu.memory_space<hbm>>) dst(%arg10 : memref<208x128xf32, #tpu.memory_space<vmem>>)
      %scan3A_1035 = arith.constant 0 : i32
      %scan3A_1036 = arith.constant 208 : i32
      %scan3A_1037 = arith.addi %scan3A_1035, %scan3A_1036 : i32
      %scan3A_1038 = arith.constant 4 : i32
      %scan3A_1039:16 = scf.for %scan3A_1050 = %scan3A_1035 to %scan3A_1037 step %scan3A_1038 iter_args(%scan3A_1051 = %scan3A_1016#0, %scan3A_1052 = %scan3A_1016#1, %scan3A_1053 = %scan3A_1016#2, %scan3A_1054 = %scan3A_1016#3, %scan3A_1055 = %scan3A_1016#4, %scan3A_1056 = %scan3A_1016#5, %scan3A_1057 = %scan3A_1016#6, %scan3A_1058 = %scan3A_1016#7, %scan3A_1059 = %scan3A_1016#8, %scan3A_1060 = %scan3A_1016#9, %scan3A_1061 = %scan3A_1016#10, %scan3A_1062 = %scan3A_1016#11, %scan3A_1063 = %scan3A_1016#12, %scan3A_1064 = %scan3A_1016#13, %scan3A_1065 = %scan3A_1016#14, %scan3A_1066 = %scan3A_1016#15) -> (vector<16xf32>, vector<16xf32>, vector<16xf32>, vector<16xf32>, vector<16xf32>, vector<16xf32>, vector<16xf32>, vector<16xf32>, vector<16xf32>, vector<16xf32>, vector<16xf32>, vector<16xf32>, vector<16xf32>, vector<16xf32>, vector<16xf32>, vector<16xf32>)  : i32 {
        %get3A_1067 = arith.index_cast %scan3A_1050 : i32 to index
        %get3A_1068 = arith.constant 0 : index
        %get3A_1069 = tpu.vector_load %arg10[%get3A_1067, %get3A_1068] {strides = array<i32>} : memref<208x128xf32, #tpu.memory_space<vmem>>, vector<16xf32>,
        %min3A_1070 = arith.minimumf %scan3A_1051, %get3A_1069 : vector<16xf32>
        %max3A_1071 = arith.maximumf %scan3A_1059, %min3A_1070 : vector<16xf32>
        %max3A_1072 = arith.maximumf %scan3A_1051, %get3A_1069 : vector<16xf32>
        %get3A_1073 = arith.index_cast %scan3A_1050 : i32 to index
        %get3A_1074 = arith.constant 16 : index
        %get3A_1075 = tpu.vector_load %arg10[%get3A_1073, %get3A_1074] {strides = array<i32>} : memref<208x128xf32, #tpu.memory_space<vmem>>, vector<16xf32>,
        %min3A_1076 = arith.minimumf %scan3A_1052, %get3A_1075 : vector<16xf32>
        %max3A_1077 = arith.maximumf %scan3A_1060, %min3A_1076 : vector<16xf32>
        %max3A_1078 = arith.maximumf %scan3A_1052, %get3A_1075 : vector<16xf32>
        %get3A_1079 = arith.index_cast %scan3A_1050 : i32 to index
        %get3A_1080 = arith.constant 32 : index
        %get3A_1081 = tpu.vector_load %arg10[%get3A_1079, %get3A_1080] {strides = array<i32>} : memref<208x128xf32, #tpu.memory_space<vmem>>, vector<16xf32>,
        %min3A_1082 = arith.minimumf %scan3A_1053, %get3A_1081 : vector<16xf32>
        %max3A_1083 = arith.maximumf %scan3A_1061, %min3A_1082 : vector<16xf32>
        %max3A_1084 = arith.maximumf %scan3A_1053, %get3A_1081 : vector<16xf32>
        %get3A_1085 = arith.index_cast %scan3A_1050 : i32 to index
        %get3A_1086 = arith.constant 48 : index
        %get3A_1087 = tpu.vector_load %arg10[%get3A_1085, %get3A_1086] {strides = array<i32>} : memref<208x128xf32, #tpu.memory_space<vmem>>, vector<16xf32>,
        %min3A_1088 = arith.minimumf %scan3A_1054, %get3A_1087 : vector<16xf32>
        %max3A_1089 = arith.maximumf %scan3A_1062, %min3A_1088 : vector<16xf32>
        %max3A_1090 = arith.maximumf %scan3A_1054, %get3A_1087 : vector<16xf32>
        %get3A_1091 = arith.index_cast %scan3A_1050 : i32 to index
        %get3A_1092 = arith.constant 64 : index
        %get3A_1093 = tpu.vector_load %arg10[%get3A_1091, %get3A_1092] {strides = array<i32>} : memref<208x128xf32, #tpu.memory_space<vmem>>, vector<16xf32>,
        %min3A_1094 = arith.minimumf %scan3A_1055, %get3A_1093 : vector<16xf32>
        %max3A_1095 = arith.maximumf %scan3A_1063, %min3A_1094 : vector<16xf32>
        %max3A_1096 = arith.maximumf %scan3A_1055, %get3A_1093 : vector<16xf32>
        %get3A_1097 = arith.index_cast %scan3A_1050 : i32 to index
        %get3A_1098 = arith.constant 80 : index
        %get3A_1099 = tpu.vector_load %arg10[%get3A_1097, %get3A_1098] {strides = array<i32>} : memref<208x128xf32, #tpu.memory_space<vmem>>, vector<16xf32>,
        %min3A_1100 = arith.minimumf %scan3A_1056, %get3A_1099 : vector<16xf32>
        %max3A_1101 = arith.maximumf %scan3A_1064, %min3A_1100 : vector<16xf32>
        %max3A_1102 = arith.maximumf %scan3A_1056, %get3A_1099 : vector<16xf32>
        %get3A_1103 = arith.index_cast %scan3A_1050 : i32 to index
        %get3A_1104 = arith.constant 96 : index
        %get3A_1105 = tpu.vector_load %arg10[%get3A_1103, %get3A_1104] {strides = array<i32>} : memref<208x128xf32, #tpu.memory_space<vmem>>, vector<16xf32>,
        %min3A_1106 = arith.minimumf %scan3A_1057, %get3A_1105 : vector<16xf32>
        %max3A_1107 = arith.maximumf %scan3A_1065, %min3A_1106 : vector<16xf32>
        %max3A_1108 = arith.maximumf %scan3A_1057, %get3A_1105 : vector<16xf32>
        %get3A_1109 = arith.index_cast %scan3A_1050 : i32 to index
        %get3A_1110 = arith.constant 112 : index
        %get3A_1111 = tpu.vector_load %arg10[%get3A_1109, %get3A_1110] {strides = array<i32>} : memref<208x128xf32, #tpu.memory_space<vmem>>, vector<16xf32>,
        %min3A_1112 = arith.minimumf %scan3A_1058, %get3A_1111 : vector<16xf32>
        %max3A_1113 = arith.maximumf %scan3A_1066, %min3A_1112 : vector<16xf32>
        %max3A_1114 = arith.maximumf %scan3A_1058, %get3A_1111 : vector<16xf32>
        %scan3A_1115 = arith.constant 1 : i32
        %scan3A_1116 = arith.addi %scan3A_1050, %scan3A_1115 : i32
        %get3A_1117 = arith.index_cast %scan3A_1116 : i32 to index
        %get3A_1118 = arith.constant 0 : index
        %get3A_1119 = tpu.vector_load %arg10[%get3A_1117, %get3A_1118] {strides = array<i32>} : memref<208x128xf32, #tpu.memory_space<vmem>>, vector<16xf32>,
        %min3A_1120 = arith.minimumf %max3A_1072, %get3A_1119 : vector<16xf32>
        %max3A_1121 = arith.maximumf %max3A_1071, %min3A_1120 : vector<16xf32>
        %max3A_1122 = arith.maximumf %max3A_1072, %get3A_1119 : vector<16xf32>
        %get3A_1123 = arith.index_cast %scan3A_1116 : i32 to index
        %get3A_1124 = arith.constant 16 : index
        %get3A_1125 = tpu.vector_load %arg10[%get3A_1123, %get3A_1124] {strides = array<i32>} : memref<208x128xf32, #tpu.memory_space<vmem>>, vector<16xf32>,
        %min3A_1126 = arith.minimumf %max3A_1078, %get3A_1125 : vector<16xf32>
        %max3A_1127 = arith.maximumf %max3A_1077, %min3A_1126 : vector<16xf32>
        %max3A_1128 = arith.maximumf %max3A_1078, %get3A_1125 : vector<16xf32>
        %get3A_1129 = arith.index_cast %scan3A_1116 : i32 to index
        %get3A_1130 = arith.constant 32 : index
        %get3A_1131 = tpu.vector_load %arg10[%get3A_1129, %get3A_1130] {strides = array<i32>} : memref<208x128xf32, #tpu.memory_space<vmem>>, vector<16xf32>,
        %min3A_1132 = arith.minimumf %max3A_1084, %get3A_1131 : vector<16xf32>
        %max3A_1133 = arith.maximumf %max3A_1083, %min3A_1132 : vector<16xf32>
        %max3A_1134 = arith.maximumf %max3A_1084, %get3A_1131 : vector<16xf32>
        %get3A_1135 = arith.index_cast %scan3A_1116 : i32 to index
        %get3A_1136 = arith.constant 48 : index
        %get3A_1137 = tpu.vector_load %arg10[%get3A_1135, %get3A_1136] {strides = array<i32>} : memref<208x128xf32, #tpu.memory_space<vmem>>, vector<16xf32>,
        %min3A_1138 = arith.minimumf %max3A_1090, %get3A_1137 : vector<16xf32>
        %max3A_1139 = arith.maximumf %max3A_1089, %min3A_1138 : vector<16xf32>
        %max3A_1140 = arith.maximumf %max3A_1090, %get3A_1137 : vector<16xf32>
        %get3A_1141 = arith.index_cast %scan3A_1116 : i32 to index
        %get3A_1142 = arith.constant 64 : index
        %get3A_1143 = tpu.vector_load %arg10[%get3A_1141, %get3A_1142] {strides = array<i32>} : memref<208x128xf32, #tpu.memory_space<vmem>>, vector<16xf32>,
        %min3A_1144 = arith.minimumf %max3A_1096, %get3A_1143 : vector<16xf32>
        %max3A_1145 = arith.maximumf %max3A_1095, %min3A_1144 : vector<16xf32>
        %max3A_1146 = arith.maximumf %max3A_1096, %get3A_1143 : vector<16xf32>
        %get3A_1147 = arith.index_cast %scan3A_1116 : i32 to index
        %get3A_1148 = arith.constant 80 : index
        %get3A_1149 = tpu.vector_load %arg10[%get3A_1147, %get3A_1148] {strides = array<i32>} : memref<208x128xf32, #tpu.memory_space<vmem>>, vector<16xf32>,
        %min3A_1150 = arith.minimumf %max3A_1102, %get3A_1149 : vector<16xf32>
        %max3A_1151 = arith.maximumf %max3A_1101, %min3A_1150 : vector<16xf32>
        %max3A_1152 = arith.maximumf %max3A_1102, %get3A_1149 : vector<16xf32>
        %get3A_1153 = arith.index_cast %scan3A_1116 : i32 to index
        %get3A_1154 = arith.constant 96 : index
        %get3A_1155 = tpu.vector_load %arg10[%get3A_1153, %get3A_1154] {strides = array<i32>} : memref<208x128xf32, #tpu.memory_space<vmem>>, vector<16xf32>,
        %min3A_1156 = arith.minimumf %max3A_1108, %get3A_1155 : vector<16xf32>
        %max3A_1157 = arith.maximumf %max3A_1107, %min3A_1156 : vector<16xf32>
        %max3A_1158 = arith.maximumf %max3A_1108, %get3A_1155 : vector<16xf32>
        %get3A_1159 = arith.index_cast %scan3A_1116 : i32 to index
        %get3A_1160 = arith.constant 112 : index
        %get3A_1161 = tpu.vector_load %arg10[%get3A_1159, %get3A_1160] {strides = array<i32>} : memref<208x128xf32, #tpu.memory_space<vmem>>, vector<16xf32>,
        %min3A_1162 = arith.minimumf %max3A_1114, %get3A_1161 : vector<16xf32>
        %max3A_1163 = arith.maximumf %max3A_1113, %min3A_1162 : vector<16xf32>
        %max3A_1164 = arith.maximumf %max3A_1114, %get3A_1161 : vector<16xf32>
        %scan3A_1165 = arith.constant 2 : i32
        %scan3A_1166 = arith.addi %scan3A_1050, %scan3A_1165 : i32
        %get3A_1167 = arith.index_cast %scan3A_1166 : i32 to index
        %get3A_1168 = arith.constant 0 : index
        %get3A_1169 = tpu.vector_load %arg10[%get3A_1167, %get3A_1168] {strides = array<i32>} : memref<208x128xf32, #tpu.memory_space<vmem>>, vector<16xf32>,
        %min3A_1170 = arith.minimumf %max3A_1122, %get3A_1169 : vector<16xf32>
        %max3A_1171 = arith.maximumf %max3A_1121, %min3A_1170 : vector<16xf32>
        %max3A_1172 = arith.maximumf %max3A_1122, %get3A_1169 : vector<16xf32>
        %get3A_1173 = arith.index_cast %scan3A_1166 : i32 to index
        %get3A_1174 = arith.constant 16 : index
        %get3A_1175 = tpu.vector_load %arg10[%get3A_1173, %get3A_1174] {strides = array<i32>} : memref<208x128xf32, #tpu.memory_space<vmem>>, vector<16xf32>,
        %min3A_1176 = arith.minimumf %max3A_1128, %get3A_1175 : vector<16xf32>
        %max3A_1177 = arith.maximumf %max3A_1127, %min3A_1176 : vector<16xf32>
        %max3A_1178 = arith.maximumf %max3A_1128, %get3A_1175 : vector<16xf32>
        %get3A_1179 = arith.index_cast %scan3A_1166 : i32 to index
        %get3A_1180 = arith.constant 32 : index
        %get3A_1181 = tpu.vector_load %arg10[%get3A_1179, %get3A_1180] {strides = array<i32>} : memref<208x128xf32, #tpu.memory_space<vmem>>, vector<16xf32>,
        %min3A_1182 = arith.minimumf %max3A_1134, %get3A_1181 : vector<16xf32>
        %max3A_1183 = arith.maximumf %max3A_1133, %min3A_1182 : vector<16xf32>
        %max3A_1184 = arith.maximumf %max3A_1134, %get3A_1181 : vector<16xf32>
        %get3A_1185 = arith.index_cast %scan3A_1166 : i32 to index
        %get3A_1186 = arith.constant 48 : index
        %get3A_1187 = tpu.vector_load %arg10[%get3A_1185, %get3A_1186] {strides = array<i32>} : memref<208x128xf32, #tpu.memory_space<vmem>>, vector<16xf32>,
        %min3A_1188 = arith.minimumf %max3A_1140, %get3A_1187 : vector<16xf32>
        %max3A_1189 = arith.maximumf %max3A_1139, %min3A_1188 : vector<16xf32>
        %max3A_1190 = arith.maximumf %max3A_1140, %get3A_1187 : vector<16xf32>
        %get3A_1191 = arith.index_cast %scan3A_1166 : i32 to index
        %get3A_1192 = arith.constant 64 : index
        %get3A_1193 = tpu.vector_load %arg10[%get3A_1191, %get3A_1192] {strides = array<i32>} : memref<208x128xf32, #tpu.memory_space<vmem>>, vector<16xf32>,
        %min3A_1194 = arith.minimumf %max3A_1146, %get3A_1193 : vector<16xf32>
        %max3A_1195 = arith.maximumf %max3A_1145, %min3A_1194 : vector<16xf32>
        %max3A_1196 = arith.maximumf %max3A_1146, %get3A_1193 : vector<16xf32>
        %get3A_1197 = arith.index_cast %scan3A_1166 : i32 to index
        %get3A_1198 = arith.constant 80 : index
        %get3A_1199 = tpu.vector_load %arg10[%get3A_1197, %get3A_1198] {strides = array<i32>} : memref<208x128xf32, #tpu.memory_space<vmem>>, vector<16xf32>,
        %min3A_1200 = arith.minimumf %max3A_1152, %get3A_1199 : vector<16xf32>
        %max3A_1201 = arith.maximumf %max3A_1151, %min3A_1200 : vector<16xf32>
        %max3A_1202 = arith.maximumf %max3A_1152, %get3A_1199 : vector<16xf32>
        %get3A_1203 = arith.index_cast %scan3A_1166 : i32 to index
        %get3A_1204 = arith.constant 96 : index
        %get3A_1205 = tpu.vector_load %arg10[%get3A_1203, %get3A_1204] {strides = array<i32>} : memref<208x128xf32, #tpu.memory_space<vmem>>, vector<16xf32>,
        %min3A_1206 = arith.minimumf %max3A_1158, %get3A_1205 : vector<16xf32>
        %max3A_1207 = arith.maximumf %max3A_1157, %min3A_1206 : vector<16xf32>
        %max3A_1208 = arith.maximumf %max3A_1158, %get3A_1205 : vector<16xf32>
        %get3A_1209 = arith.index_cast %scan3A_1166 : i32 to index
        %get3A_1210 = arith.constant 112 : index
        %get3A_1211 = tpu.vector_load %arg10[%get3A_1209, %get3A_1210] {strides = array<i32>} : memref<208x128xf32, #tpu.memory_space<vmem>>, vector<16xf32>,
        %min3A_1212 = arith.minimumf %max3A_1164, %get3A_1211 : vector<16xf32>
        %max3A_1213 = arith.maximumf %max3A_1163, %min3A_1212 : vector<16xf32>
        %max3A_1214 = arith.maximumf %max3A_1164, %get3A_1211 : vector<16xf32>
        %scan3A_1215 = arith.constant 3 : i32
        %scan3A_1216 = arith.addi %scan3A_1050, %scan3A_1215 : i32
        %get3A_1217 = arith.index_cast %scan3A_1216 : i32 to index
        %get3A_1218 = arith.constant 0 : index
        %get3A_1219 = tpu.vector_load %arg10[%get3A_1217, %get3A_1218] {strides = array<i32>} : memref<208x128xf32, #tpu.memory_space<vmem>>, vector<16xf32>,
        %min3A_1220 = arith.minimumf %max3A_1172, %get3A_1219 : vector<16xf32>
        %max3A_1221 = arith.maximumf %max3A_1171, %min3A_1220 : vector<16xf32>
        %max3A_1222 = arith.maximumf %max3A_1172, %get3A_1219 : vector<16xf32>
        %get3A_1223 = arith.index_cast %scan3A_1216 : i32 to index
        %get3A_1224 = arith.constant 16 : index
        %get3A_1225 = tpu.vector_load %arg10[%get3A_1223, %get3A_1224] {strides = array<i32>} : memref<208x128xf32, #tpu.memory_space<vmem>>, vector<16xf32>,
        %min3A_1226 = arith.minimumf %max3A_1178, %get3A_1225 : vector<16xf32>
        %max3A_1227 = arith.maximumf %max3A_1177, %min3A_1226 : vector<16xf32>
        %max3A_1228 = arith.maximumf %max3A_1178, %get3A_1225 : vector<16xf32>
        %get3A_1229 = arith.index_cast %scan3A_1216 : i32 to index
        %get3A_1230 = arith.constant 32 : index
        %get3A_1231 = tpu.vector_load %arg10[%get3A_1229, %get3A_1230] {strides = array<i32>} : memref<208x128xf32, #tpu.memory_space<vmem>>, vector<16xf32>,
        %min3A_1232 = arith.minimumf %max3A_1184, %get3A_1231 : vector<16xf32>
        %max3A_1233 = arith.maximumf %max3A_1183, %min3A_1232 : vector<16xf32>
        %max3A_1234 = arith.maximumf %max3A_1184, %get3A_1231 : vector<16xf32>
        %get3A_1235 = arith.index_cast %scan3A_1216 : i32 to index
        %get3A_1236 = arith.constant 48 : index
        %get3A_1237 = tpu.vector_load %arg10[%get3A_1235, %get3A_1236] {strides = array<i32>} : memref<208x128xf32, #tpu.memory_space<vmem>>, vector<16xf32>,
        %min3A_1238 = arith.minimumf %max3A_1190, %get3A_1237 : vector<16xf32>
        %max3A_1239 = arith.maximumf %max3A_1189, %min3A_1238 : vector<16xf32>
        %max3A_1240 = arith.maximumf %max3A_1190, %get3A_1237 : vector<16xf32>
        %get3A_1241 = arith.index_cast %scan3A_1216 : i32 to index
        %get3A_1242 = arith.constant 64 : index
        %get3A_1243 = tpu.vector_load %arg10[%get3A_1241, %get3A_1242] {strides = array<i32>} : memref<208x128xf32, #tpu.memory_space<vmem>>, vector<16xf32>,
        %min3A_1244 = arith.minimumf %max3A_1196, %get3A_1243 : vector<16xf32>
        %max3A_1245 = arith.maximumf %max3A_1195, %min3A_1244 : vector<16xf32>
        %max3A_1246 = arith.maximumf %max3A_1196, %get3A_1243 : vector<16xf32>
        %get3A_1247 = arith.index_cast %scan3A_1216 : i32 to index
        %get3A_1248 = arith.constant 80 : index
        %get3A_1249 = tpu.vector_load %arg10[%get3A_1247, %get3A_1248] {strides = array<i32>} : memref<208x128xf32, #tpu.memory_space<vmem>>, vector<16xf32>,
        %min3A_1250 = arith.minimumf %max3A_1202, %get3A_1249 : vector<16xf32>
        %max3A_1251 = arith.maximumf %max3A_1201, %min3A_1250 : vector<16xf32>
        %max3A_1252 = arith.maximumf %max3A_1202, %get3A_1249 : vector<16xf32>
        %get3A_1253 = arith.index_cast %scan3A_1216 : i32 to index
        %get3A_1254 = arith.constant 96 : index
        %get3A_1255 = tpu.vector_load %arg10[%get3A_1253, %get3A_1254] {strides = array<i32>} : memref<208x128xf32, #tpu.memory_space<vmem>>, vector<16xf32>,
        %min3A_1256 = arith.minimumf %max3A_1208, %get3A_1255 : vector<16xf32>
        %max3A_1257 = arith.maximumf %max3A_1207, %min3A_1256 : vector<16xf32>
        %max3A_1258 = arith.maximumf %max3A_1208, %get3A_1255 : vector<16xf32>
        %get3A_1259 = arith.index_cast %scan3A_1216 : i32 to index
        %get3A_1260 = arith.constant 112 : index
        %get3A_1261 = tpu.vector_load %arg10[%get3A_1259, %get3A_1260] {strides = array<i32>} : memref<208x128xf32, #tpu.memory_space<vmem>>, vector<16xf32>,
        %min3A_1262 = arith.minimumf %max3A_1214, %get3A_1261 : vector<16xf32>
        %max3A_1263 = arith.maximumf %max3A_1213, %min3A_1262 : vector<16xf32>
        %max3A_1264 = arith.maximumf %max3A_1214, %get3A_1261 : vector<16xf32>
        scf.yield %max3A_1222, %max3A_1228, %max3A_1234, %max3A_1240, %max3A_1246, %max3A_1252, %max3A_1258, %max3A_1264, %max3A_1221, %max3A_1227, %max3A_1233, %max3A_1239, %max3A_1245, %max3A_1251, %max3A_1257, %max3A_1263 : vector<16xf32>, vector<16xf32>, vector<16xf32>, vector<16xf32>, vector<16xf32>, vector<16xf32>, vector<16xf32>, vector<16xf32>, vector<16xf32>, vector<16xf32>, vector<16xf32>, vector<16xf32>, vector<16xf32>, vector<16xf32>, vector<16xf32>, vector<16xf32>
      }
      %scan3A_1040 = arith.constant 208 : i32
      %add3A_1041 = arith.constant 2 : i32
      %add3A_1042 = arith.addi %mul3A_980, %add3A_1041 : i32
      %add3A_1043 = arith.constant 3 : i32
      %add3A_1044 = arith.addi %add3A_1042, %add3A_1043 : i32
      %lt3A_1045 = arith.constant 60 : i32
      %lt3A_1046 = arith.cmpi slt, %add3A_1044, %lt3A_1045 : i32
      %convert_element_type3A_1047 = arith.extui %lt3A_1046 : i1 to i32
      %cond3A_1048 = arith.constant 0 : i32
      %cond3A_1049 = arith.cmpi ne, %convert_element_type3A_1047, %cond3A_1048 : i32
      scf.if %cond3A_1049 {
        %add3A_1050 = arith.constant 2 : i32
        %add3A_1051 = arith.addi %mul3A_980, %add3A_1050 : i32
        %add3A_1052 = arith.constant 3 : i32
        %add3A_1053 = arith.addi %add3A_1051, %add3A_1052 : i32
        %mul3A_1054 = arith.constant 208 : i32
        %mul3A_1055 = arith.muli %add3A_1053, %mul3A_1054 : i32
        %add3A_1056 = arith.addi %multiple_of3A_45, %mul3A_1055 : i32
        %multiple_of3A_1057 = tpu.assume_multiple %add3A_1056, 8 : i32
        %dma_start3A_1058 = tpu.memref_slice %arg2[%multiple_of3A_1057, %multiple_of3A] : memref<100000x1024xf32, #tpu.memory_space<hbm>> -> memref<208x128xf32, #tpu.memory_space<hbm>>
        %dma_start3A_1059 = tpu.memref_slice %arg2[%multiple_of3A_1057, %multiple_of3A] : memref<100000x1024xf32, #tpu.memory_space<hbm>> -> memref<208x128xf32, #tpu.memory_space<hbm>>
        tpu.enqueue_dma source(%dma_start3A_1059 : memref<208x128xf32, #tpu.memory_space<hbm>>) target(%arg10 : memref<208x128xf32, #tpu.memory_space<vmem>>) target_semaphore(%arg21 : memref<!tpu.dma_semaphore, #tpu.memory_space<semaphore_mem>>)
      } else {
      }
      scf.yield %scan3A_1039#0, %scan3A_1039#1, %scan3A_1039#2, %scan3A_1039#3, %scan3A_1039#4, %scan3A_1039#5, %scan3A_1039#6, %scan3A_1039#7, %scan3A_1039#8, %scan3A_1039#9, %scan3A_1039#10, %scan3A_1039#11, %scan3A_1039#12, %scan3A_1039#13, %scan3A_1039#14, %scan3A_1039#15 : vector<16xf32>, vector<16xf32>, vector<16xf32>, vector<16xf32>, vector<16xf32>, vector<16xf32>, vector<16xf32>, vector<16xf32>, vector<16xf32>, vector<16xf32>, vector<16xf32>, vector<16xf32>, vector<16xf32>, vector<16xf32>, vector<16xf32>, vector<16xf32>
    }
    %scan3A_657 = arith.constant 20 : i32
    %lt3A_658 = arith.constant 3 : i32
    %lt3A_659 = arith.cmpi slt, %select_n3A_30, %lt3A_658 : i32
    %convert_element_type3A_660 = arith.extui %lt3A_659 : i1 to i32
    %cond3A_661 = arith.constant 0 : i32
    %cond3A_662 = arith.cmpi ne, %convert_element_type3A_660, %cond3A_661 : i32
    scf.if %cond3A_662 {
      %dma_wait3A_962 = tpu.memref_slice %arg2[%multiple_of3A_629, %multiple_of3A] : memref<100000x1024xf32, #tpu.memory_space<hbm>> -> memref<24x128xf32, #tpu.memory_space<hbm>>
      %dma_wait3A_963 = tpu.memref_slice %arg2[%multiple_of3A_629, %multiple_of3A] : memref<100000x1024xf32, #tpu.memory_space<hbm>> -> memref<24x128xf32, #tpu.memory_space<hbm>>
      tpu.wait_dma2 semaphore(%arg22 : memref<!tpu.dma_semaphore, #tpu.memory_space<semaphore_mem>>) src(%dma_wait3A_963 : memref<24x128xf32, #tpu.memory_space<hbm>>) dst(%arg11 : memref<24x128xf32, #tpu.memory_space<vmem>>)
    } else {
    }
    %eq3A_663 = arith.constant 3 : i32
    %eq3A_664 = arith.cmpi eq, %select_n3A_30, %eq3A_663 : i32
    %convert_element_type3A_665 = arith.extui %eq3A_664 : i1 to i32
    %cond3A_666 = arith.constant 0 : i32
    %cond3A_667 = arith.cmpi ne, %convert_element_type3A_665, %cond3A_666 : i32
    scf.if %cond3A_667 {
      %dma_wait3A_962 = tpu.memref_slice %arg2[%multiple_of3A_629, %multiple_of3A] : memref<100000x1024xf32, #tpu.memory_space<hbm>> -> memref<8x128xf32, #tpu.memory_space<hbm>>
      %dma_wait3A_963 = tpu.memref_slice %arg2[%multiple_of3A_629, %multiple_of3A] : memref<100000x1024xf32, #tpu.memory_space<hbm>> -> memref<8x128xf32, #tpu.memory_space<hbm>>
      tpu.wait_dma2 semaphore(%arg22 : memref<!tpu.dma_semaphore, #tpu.memory_space<semaphore_mem>>) src(%dma_wait3A_963 : memref<8x128xf32, #tpu.memory_space<hbm>>) dst(%arg12 : memref<8x128xf32, #tpu.memory_space<vmem>>)
    } else {
    }
    %broadcast_in_dim3A_668 = vector.broadcast %select_n3A_30 : i32 to vector<16xi32>
    %eq3A_669 = arith.constant 3 : i32
    %eq3A_670 = vector.broadcast %eq3A_669 : i32 to vector<16xi32>
    %eq3A_671 = arith.cmpi eq, %broadcast_in_dim3A_668, %eq3A_670 : vector<16xi32>
    %scan3A_672 = arith.constant 0 : i32
    %scan3A_673 = arith.constant 24 : i32
    %scan3A_674 = arith.addi %scan3A_672, %scan3A_673 : i32
    %scan3A_675 = arith.constant 4 : i32
    %scan3A_676:16 = scf.for %scan3A_962 = %scan3A_672 to %scan3A_674 step %scan3A_675 iter_args(%scan3A_963 = %scan3A_656#0, %scan3A_964 = %scan3A_656#1, %scan3A_965 = %scan3A_656#2, %scan3A_966 = %scan3A_656#3, %scan3A_967 = %scan3A_656#4, %scan3A_968 = %scan3A_656#5, %scan3A_969 = %scan3A_656#6, %scan3A_970 = %scan3A_656#7, %scan3A_971 = %scan3A_656#8, %scan3A_972 = %scan3A_656#9, %scan3A_973 = %scan3A_656#10, %scan3A_974 = %scan3A_656#11, %scan3A_975 = %scan3A_656#12, %scan3A_976 = %scan3A_656#13, %scan3A_977 = %scan3A_656#14, %scan3A_978 = %scan3A_656#15) -> (vector<16xf32>, vector<16xf32>, vector<16xf32>, vector<16xf32>, vector<16xf32>, vector<16xf32>, vector<16xf32>, vector<16xf32>, vector<16xf32>, vector<16xf32>, vector<16xf32>, vector<16xf32>, vector<16xf32>, vector<16xf32>, vector<16xf32>, vector<16xf32>)  : i32 {
      %get3A_979 = arith.index_cast %scan3A_962 : i32 to index
      %get3A_980 = arith.constant 0 : index
      %get3A_981 = tpu.vector_load %arg11[%get3A_979, %get3A_980] {strides = array<i32>} : memref<24x128xf32, #tpu.memory_space<vmem>>, vector<16xf32>,
      %min3A_982 = arith.minimumf %scan3A_963, %get3A_981 : vector<16xf32>
      %max3A_983 = arith.maximumf %scan3A_971, %min3A_982 : vector<16xf32>
      %max3A_984 = arith.maximumf %scan3A_963, %get3A_981 : vector<16xf32>
      %get3A_985 = arith.index_cast %scan3A_962 : i32 to index
      %get3A_986 = arith.constant 16 : index
      %get3A_987 = tpu.vector_load %arg11[%get3A_985, %get3A_986] {strides = array<i32>} : memref<24x128xf32, #tpu.memory_space<vmem>>, vector<16xf32>,
      %min3A_988 = arith.minimumf %scan3A_964, %get3A_987 : vector<16xf32>
      %max3A_989 = arith.maximumf %scan3A_972, %min3A_988 : vector<16xf32>
      %max3A_990 = arith.maximumf %scan3A_964, %get3A_987 : vector<16xf32>
      %get3A_991 = arith.index_cast %scan3A_962 : i32 to index
      %get3A_992 = arith.constant 32 : index
      %get3A_993 = tpu.vector_load %arg11[%get3A_991, %get3A_992] {strides = array<i32>} : memref<24x128xf32, #tpu.memory_space<vmem>>, vector<16xf32>,
      %min3A_994 = arith.minimumf %scan3A_965, %get3A_993 : vector<16xf32>
      %max3A_995 = arith.maximumf %scan3A_973, %min3A_994 : vector<16xf32>
      %max3A_996 = arith.maximumf %scan3A_965, %get3A_993 : vector<16xf32>
      %get3A_997 = arith.index_cast %scan3A_962 : i32 to index
      %get3A_998 = arith.constant 48 : index
      %get3A_999 = tpu.vector_load %arg11[%get3A_997, %get3A_998] {strides = array<i32>} : memref<24x128xf32, #tpu.memory_space<vmem>>, vector<16xf32>,
      %min3A_1000 = arith.minimumf %scan3A_966, %get3A_999 : vector<16xf32>
      %max3A_1001 = arith.maximumf %scan3A_974, %min3A_1000 : vector<16xf32>
      %max3A_1002 = arith.maximumf %scan3A_966, %get3A_999 : vector<16xf32>
      %get3A_1003 = arith.index_cast %scan3A_962 : i32 to index
      %get3A_1004 = arith.constant 64 : index
      %get3A_1005 = tpu.vector_load %arg11[%get3A_1003, %get3A_1004] {strides = array<i32>} : memref<24x128xf32, #tpu.memory_space<vmem>>, vector<16xf32>,
      %min3A_1006 = arith.minimumf %scan3A_967, %get3A_1005 : vector<16xf32>
      %max3A_1007 = arith.maximumf %scan3A_975, %min3A_1006 : vector<16xf32>
      %max3A_1008 = arith.maximumf %scan3A_967, %get3A_1005 : vector<16xf32>
      %get3A_1009 = arith.index_cast %scan3A_962 : i32 to index
      %get3A_1010 = arith.constant 80 : index
      %get3A_1011 = tpu.vector_load %arg11[%get3A_1009, %get3A_1010] {strides = array<i32>} : memref<24x128xf32, #tpu.memory_space<vmem>>, vector<16xf32>,
      %min3A_1012 = arith.minimumf %scan3A_968, %get3A_1011 : vector<16xf32>
      %max3A_1013 = arith.maximumf %scan3A_976, %min3A_1012 : vector<16xf32>
      %max3A_1014 = arith.maximumf %scan3A_968, %get3A_1011 : vector<16xf32>
      %get3A_1015 = arith.index_cast %scan3A_962 : i32 to index
      %get3A_1016 = arith.constant 96 : index
      %get3A_1017 = tpu.vector_load %arg11[%get3A_1015, %get3A_1016] {strides = array<i32>} : memref<24x128xf32, #tpu.memory_space<vmem>>, vector<16xf32>,
      %min3A_1018 = arith.minimumf %scan3A_969, %get3A_1017 : vector<16xf32>
      %max3A_1019 = arith.maximumf %scan3A_977, %min3A_1018 : vector<16xf32>
      %max3A_1020 = arith.maximumf %scan3A_969, %get3A_1017 : vector<16xf32>
      %get3A_1021 = arith.index_cast %scan3A_962 : i32 to index
      %get3A_1022 = arith.constant 112 : index
      %get3A_1023 = tpu.vector_load %arg11[%get3A_1021, %get3A_1022] {strides = array<i32>} : memref<24x128xf32, #tpu.memory_space<vmem>>, vector<16xf32>,
      %min3A_1024 = arith.minimumf %scan3A_970, %get3A_1023 : vector<16xf32>
      %max3A_1025 = arith.maximumf %scan3A_978, %min3A_1024 : vector<16xf32>
      %max3A_1026 = arith.maximumf %scan3A_970, %get3A_1023 : vector<16xf32>
      %scan3A_1027 = arith.constant 1 : i32
      %scan3A_1028 = arith.addi %scan3A_962, %scan3A_1027 : i32
      %get3A_1029 = arith.index_cast %scan3A_1028 : i32 to index
      %get3A_1030 = arith.constant 0 : index
      %get3A_1031 = tpu.vector_load %arg11[%get3A_1029, %get3A_1030] {strides = array<i32>} : memref<24x128xf32, #tpu.memory_space<vmem>>, vector<16xf32>,
      %min3A_1032 = arith.minimumf %max3A_984, %get3A_1031 : vector<16xf32>
      %max3A_1033 = arith.maximumf %max3A_983, %min3A_1032 : vector<16xf32>
      %max3A_1034 = arith.maximumf %max3A_984, %get3A_1031 : vector<16xf32>
      %get3A_1035 = arith.index_cast %scan3A_1028 : i32 to index
      %get3A_1036 = arith.constant 16 : index
      %get3A_1037 = tpu.vector_load %arg11[%get3A_1035, %get3A_1036] {strides = array<i32>} : memref<24x128xf32, #tpu.memory_space<vmem>>, vector<16xf32>,
      %min3A_1038 = arith.minimumf %max3A_990, %get3A_1037 : vector<16xf32>
      %max3A_1039 = arith.maximumf %max3A_989, %min3A_1038 : vector<16xf32>
      %max3A_1040 = arith.maximumf %max3A_990, %get3A_1037 : vector<16xf32>
      %get3A_1041 = arith.index_cast %scan3A_1028 : i32 to index
      %get3A_1042 = arith.constant 32 : index
      %get3A_1043 = tpu.vector_load %arg11[%get3A_1041, %get3A_1042] {strides = array<i32>} : memref<24x128xf32, #tpu.memory_space<vmem>>, vector<16xf32>,
      %min3A_1044 = arith.minimumf %max3A_996, %get3A_1043 : vector<16xf32>
      %max3A_1045 = arith.maximumf %max3A_995, %min3A_1044 : vector<16xf32>
      %max3A_1046 = arith.maximumf %max3A_996, %get3A_1043 : vector<16xf32>
      %get3A_1047 = arith.index_cast %scan3A_1028 : i32 to index
      %get3A_1048 = arith.constant 48 : index
      %get3A_1049 = tpu.vector_load %arg11[%get3A_1047, %get3A_1048] {strides = array<i32>} : memref<24x128xf32, #tpu.memory_space<vmem>>, vector<16xf32>,
      %min3A_1050 = arith.minimumf %max3A_1002, %get3A_1049 : vector<16xf32>
      %max3A_1051 = arith.maximumf %max3A_1001, %min3A_1050 : vector<16xf32>
      %max3A_1052 = arith.maximumf %max3A_1002, %get3A_1049 : vector<16xf32>
      %get3A_1053 = arith.index_cast %scan3A_1028 : i32 to index
      %get3A_1054 = arith.constant 64 : index
      %get3A_1055 = tpu.vector_load %arg11[%get3A_1053, %get3A_1054] {strides = array<i32>} : memref<24x128xf32, #tpu.memory_space<vmem>>, vector<16xf32>,
      %min3A_1056 = arith.minimumf %max3A_1008, %get3A_1055 : vector<16xf32>
      %max3A_1057 = arith.maximumf %max3A_1007, %min3A_1056 : vector<16xf32>
      %max3A_1058 = arith.maximumf %max3A_1008, %get3A_1055 : vector<16xf32>
      %get3A_1059 = arith.index_cast %scan3A_1028 : i32 to index
      %get3A_1060 = arith.constant 80 : index
      %get3A_1061 = tpu.vector_load %arg11[%get3A_1059, %get3A_1060] {strides = array<i32>} : memref<24x128xf32, #tpu.memory_space<vmem>>, vector<16xf32>,
      %min3A_1062 = arith.minimumf %max3A_1014, %get3A_1061 : vector<16xf32>
      %max3A_1063 = arith.maximumf %max3A_1013, %min3A_1062 : vector<16xf32>
      %max3A_1064 = arith.maximumf %max3A_1014, %get3A_1061 : vector<16xf32>
      %get3A_1065 = arith.index_cast %scan3A_1028 : i32 to index
      %get3A_1066 = arith.constant 96 : index
      %get3A_1067 = tpu.vector_load %arg11[%get3A_1065, %get3A_1066] {strides = array<i32>} : memref<24x128xf32, #tpu.memory_space<vmem>>, vector<16xf32>,
      %min3A_1068 = arith.minimumf %max3A_1020, %get3A_1067 : vector<16xf32>
      %max3A_1069 = arith.maximumf %max3A_1019, %min3A_1068 : vector<16xf32>
      %max3A_1070 = arith.maximumf %max3A_1020, %get3A_1067 : vector<16xf32>
      %get3A_1071 = arith.index_cast %scan3A_1028 : i32 to index
      %get3A_1072 = arith.constant 112 : index
      %get3A_1073 = tpu.vector_load %arg11[%get3A_1071, %get3A_1072] {strides = array<i32>} : memref<24x128xf32, #tpu.memory_space<vmem>>, vector<16xf32>,
      %min3A_1074 = arith.minimumf %max3A_1026, %get3A_1073 : vector<16xf32>
      %max3A_1075 = arith.maximumf %max3A_1025, %min3A_1074 : vector<16xf32>
      %max3A_1076 = arith.maximumf %max3A_1026, %get3A_1073 : vector<16xf32>
      %scan3A_1077 = arith.constant 2 : i32
      %scan3A_1078 = arith.addi %scan3A_962, %scan3A_1077 : i32
      %get3A_1079 = arith.index_cast %scan3A_1078 : i32 to index
      %get3A_1080 = arith.constant 0 : index
      %get3A_1081 = tpu.vector_load %arg11[%get3A_1079, %get3A_1080] {strides = array<i32>} : memref<24x128xf32, #tpu.memory_space<vmem>>, vector<16xf32>,
      %min3A_1082 = arith.minimumf %max3A_1034, %get3A_1081 : vector<16xf32>
      %max3A_1083 = arith.maximumf %max3A_1033, %min3A_1082 : vector<16xf32>
      %max3A_1084 = arith.maximumf %max3A_1034, %get3A_1081 : vector<16xf32>
      %get3A_1085 = arith.index_cast %scan3A_1078 : i32 to index
      %get3A_1086 = arith.constant 16 : index
      %get3A_1087 = tpu.vector_load %arg11[%get3A_1085, %get3A_1086] {strides = array<i32>} : memref<24x128xf32, #tpu.memory_space<vmem>>, vector<16xf32>,
      %min3A_1088 = arith.minimumf %max3A_1040, %get3A_1087 : vector<16xf32>
      %max3A_1089 = arith.maximumf %max3A_1039, %min3A_1088 : vector<16xf32>
      %max3A_1090 = arith.maximumf %max3A_1040, %get3A_1087 : vector<16xf32>
      %get3A_1091 = arith.index_cast %scan3A_1078 : i32 to index
      %get3A_1092 = arith.constant 32 : index
      %get3A_1093 = tpu.vector_load %arg11[%get3A_1091, %get3A_1092] {strides = array<i32>} : memref<24x128xf32, #tpu.memory_space<vmem>>, vector<16xf32>,
      %min3A_1094 = arith.minimumf %max3A_1046, %get3A_1093 : vector<16xf32>
      %max3A_1095 = arith.maximumf %max3A_1045, %min3A_1094 : vector<16xf32>
      %max3A_1096 = arith.maximumf %max3A_1046, %get3A_1093 : vector<16xf32>
      %get3A_1097 = arith.index_cast %scan3A_1078 : i32 to index
      %get3A_1098 = arith.constant 48 : index
      %get3A_1099 = tpu.vector_load %arg11[%get3A_1097, %get3A_1098] {strides = array<i32>} : memref<24x128xf32, #tpu.memory_space<vmem>>, vector<16xf32>,
      %min3A_1100 = arith.minimumf %max3A_1052, %get3A_1099 : vector<16xf32>
      %max3A_1101 = arith.maximumf %max3A_1051, %min3A_1100 : vector<16xf32>
      %max3A_1102 = arith.maximumf %max3A_1052, %get3A_1099 : vector<16xf32>
      %get3A_1103 = arith.index_cast %scan3A_1078 : i32 to index
      %get3A_1104 = arith.constant 64 : index
      %get3A_1105 = tpu.vector_load %arg11[%get3A_1103, %get3A_1104] {strides = array<i32>} : memref<24x128xf32, #tpu.memory_space<vmem>>, vector<16xf32>,
      %min3A_1106 = arith.minimumf %max3A_1058, %get3A_1105 : vector<16xf32>
      %max3A_1107 = arith.maximumf %max3A_1057, %min3A_1106 : vector<16xf32>
      %max3A_1108 = arith.maximumf %max3A_1058, %get3A_1105 : vector<16xf32>
      %get3A_1109 = arith.index_cast %scan3A_1078 : i32 to index
      %get3A_1110 = arith.constant 80 : index
      %get3A_1111 = tpu.vector_load %arg11[%get3A_1109, %get3A_1110] {strides = array<i32>} : memref<24x128xf32, #tpu.memory_space<vmem>>, vector<16xf32>,
      %min3A_1112 = arith.minimumf %max3A_1064, %get3A_1111 : vector<16xf32>
      %max3A_1113 = arith.maximumf %max3A_1063, %min3A_1112 : vector<16xf32>
      %max3A_1114 = arith.maximumf %max3A_1064, %get3A_1111 : vector<16xf32>
      %get3A_1115 = arith.index_cast %scan3A_1078 : i32 to index
      %get3A_1116 = arith.constant 96 : index
      %get3A_1117 = tpu.vector_load %arg11[%get3A_1115, %get3A_1116] {strides = array<i32>} : memref<24x128xf32, #tpu.memory_space<vmem>>, vector<16xf32>,
      %min3A_1118 = arith.minimumf %max3A_1070, %get3A_1117 : vector<16xf32>
      %max3A_1119 = arith.maximumf %max3A_1069, %min3A_1118 : vector<16xf32>
      %max3A_1120 = arith.maximumf %max3A_1070, %get3A_1117 : vector<16xf32>
      %get3A_1121 = arith.index_cast %scan3A_1078 : i32 to index
      %get3A_1122 = arith.constant 112 : index
      %get3A_1123 = tpu.vector_load %arg11[%get3A_1121, %get3A_1122] {strides = array<i32>} : memref<24x128xf32, #tpu.memory_space<vmem>>, vector<16xf32>,
      %min3A_1124 = arith.minimumf %max3A_1076, %get3A_1123 : vector<16xf32>
      %max3A_1125 = arith.maximumf %max3A_1075, %min3A_1124 : vector<16xf32>
      %max3A_1126 = arith.maximumf %max3A_1076, %get3A_1123 : vector<16xf32>
      %scan3A_1127 = arith.constant 3 : i32
      %scan3A_1128 = arith.addi %scan3A_962, %scan3A_1127 : i32
      %get3A_1129 = arith.index_cast %scan3A_1128 : i32 to index
      %get3A_1130 = arith.constant 0 : index
      %get3A_1131 = tpu.vector_load %arg11[%get3A_1129, %get3A_1130] {strides = array<i32>} : memref<24x128xf32, #tpu.memory_space<vmem>>, vector<16xf32>,
      %min3A_1132 = arith.minimumf %max3A_1084, %get3A_1131 : vector<16xf32>
      %max3A_1133 = arith.maximumf %max3A_1083, %min3A_1132 : vector<16xf32>
      %max3A_1134 = arith.maximumf %max3A_1084, %get3A_1131 : vector<16xf32>
      %get3A_1135 = arith.index_cast %scan3A_1128 : i32 to index
      %get3A_1136 = arith.constant 16 : index
      %get3A_1137 = tpu.vector_load %arg11[%get3A_1135, %get3A_1136] {strides = array<i32>} : memref<24x128xf32, #tpu.memory_space<vmem>>, vector<16xf32>,
      %min3A_1138 = arith.minimumf %max3A_1090, %get3A_1137 : vector<16xf32>
      %max3A_1139 = arith.maximumf %max3A_1089, %min3A_1138 : vector<16xf32>
      %max3A_1140 = arith.maximumf %max3A_1090, %get3A_1137 : vector<16xf32>
      %get3A_1141 = arith.index_cast %scan3A_1128 : i32 to index
      %get3A_1142 = arith.constant 32 : index
      %get3A_1143 = tpu.vector_load %arg11[%get3A_1141, %get3A_1142] {strides = array<i32>} : memref<24x128xf32, #tpu.memory_space<vmem>>, vector<16xf32>,
      %min3A_1144 = arith.minimumf %max3A_1096, %get3A_1143 : vector<16xf32>
      %max3A_1145 = arith.maximumf %max3A_1095, %min3A_1144 : vector<16xf32>
      %max3A_1146 = arith.maximumf %max3A_1096, %get3A_1143 : vector<16xf32>
      %get3A_1147 = arith.index_cast %scan3A_1128 : i32 to index
      %get3A_1148 = arith.constant 48 : index
      %get3A_1149 = tpu.vector_load %arg11[%get3A_1147, %get3A_1148] {strides = array<i32>} : memref<24x128xf32, #tpu.memory_space<vmem>>, vector<16xf32>,
      %min3A_1150 = arith.minimumf %max3A_1102, %get3A_1149 : vector<16xf32>
      %max3A_1151 = arith.maximumf %max3A_1101, %min3A_1150 : vector<16xf32>
      %max3A_1152 = arith.maximumf %max3A_1102, %get3A_1149 : vector<16xf32>
      %get3A_1153 = arith.index_cast %scan3A_1128 : i32 to index
      %get3A_1154 = arith.constant 64 : index
      %get3A_1155 = tpu.vector_load %arg11[%get3A_1153, %get3A_1154] {strides = array<i32>} : memref<24x128xf32, #tpu.memory_space<vmem>>, vector<16xf32>,
      %min3A_1156 = arith.minimumf %max3A_1108, %get3A_1155 : vector<16xf32>
      %max3A_1157 = arith.maximumf %max3A_1107, %min3A_1156 : vector<16xf32>
      %max3A_1158 = arith.maximumf %max3A_1108, %get3A_1155 : vector<16xf32>
      %get3A_1159 = arith.index_cast %scan3A_1128 : i32 to index
      %get3A_1160 = arith.constant 80 : index
      %get3A_1161 = tpu.vector_load %arg11[%get3A_1159, %get3A_1160] {strides = array<i32>} : memref<24x128xf32, #tpu.memory_space<vmem>>, vector<16xf32>,
      %min3A_1162 = arith.minimumf %max3A_1114, %get3A_1161 : vector<16xf32>
      %max3A_1163 = arith.maximumf %max3A_1113, %min3A_1162 : vector<16xf32>
      %max3A_1164 = arith.maximumf %max3A_1114, %get3A_1161 : vector<16xf32>
      %get3A_1165 = arith.index_cast %scan3A_1128 : i32 to index
      %get3A_1166 = arith.constant 96 : index
      %get3A_1167 = tpu.vector_load %arg11[%get3A_1165, %get3A_1166] {strides = array<i32>} : memref<24x128xf32, #tpu.memory_space<vmem>>, vector<16xf32>,
      %min3A_1168 = arith.minimumf %max3A_1120, %get3A_1167 : vector<16xf32>
      %max3A_1169 = arith.maximumf %max3A_1119, %min3A_1168 : vector<16xf32>
      %max3A_1170 = arith.maximumf %max3A_1120, %get3A_1167 : vector<16xf32>
      %get3A_1171 = arith.index_cast %scan3A_1128 : i32 to index
      %get3A_1172 = arith.constant 112 : index
      %get3A_1173 = tpu.vector_load %arg11[%get3A_1171, %get3A_1172] {strides = array<i32>} : memref<24x128xf32, #tpu.memory_space<vmem>>, vector<16xf32>,
      %min3A_1174 = arith.minimumf %max3A_1126, %get3A_1173 : vector<16xf32>
      %max3A_1175 = arith.maximumf %max3A_1125, %min3A_1174 : vector<16xf32>
      %max3A_1176 = arith.maximumf %max3A_1126, %get3A_1173 : vector<16xf32>
      scf.yield %max3A_1134, %max3A_1140, %max3A_1146, %max3A_1152, %max3A_1158, %max3A_1164, %max3A_1170, %max3A_1176, %max3A_1133, %max3A_1139, %max3A_1145, %max3A_1151, %max3A_1157, %max3A_1163, %max3A_1169, %max3A_1175 : vector<16xf32>, vector<16xf32>, vector<16xf32>, vector<16xf32>, vector<16xf32>, vector<16xf32>, vector<16xf32>, vector<16xf32>, vector<16xf32>, vector<16xf32>, vector<16xf32>, vector<16xf32>, vector<16xf32>, vector<16xf32>, vector<16xf32>, vector<16xf32>
    }
    %scan3A_677 = arith.constant 24 : i32
    %scan3A_678 = arith.constant 0 : i32
    %scan3A_679 = arith.constant 8 : i32
    %scan3A_680 = arith.addi %scan3A_678, %scan3A_679 : i32
    %scan3A_681 = arith.constant 4 : i32
    %scan3A_682:16 = scf.for %scan3A_962 = %scan3A_678 to %scan3A_680 step %scan3A_681 iter_args(%scan3A_963 = %scan3A_656#0, %scan3A_964 = %scan3A_656#1, %scan3A_965 = %scan3A_656#2, %scan3A_966 = %scan3A_656#3, %scan3A_967 = %scan3A_656#4, %scan3A_968 = %scan3A_656#5, %scan3A_969 = %scan3A_656#6, %scan3A_970 = %scan3A_656#7, %scan3A_971 = %scan3A_656#8, %scan3A_972 = %scan3A_656#9, %scan3A_973 = %scan3A_656#10, %scan3A_974 = %scan3A_656#11, %scan3A_975 = %scan3A_656#12, %scan3A_976 = %scan3A_656#13, %scan3A_977 = %scan3A_656#14, %scan3A_978 = %scan3A_656#15) -> (vector<16xf32>, vector<16xf32>, vector<16xf32>, vector<16xf32>, vector<16xf32>, vector<16xf32>, vector<16xf32>, vector<16xf32>, vector<16xf32>, vector<16xf32>, vector<16xf32>, vector<16xf32>, vector<16xf32>, vector<16xf32>, vector<16xf32>, vector<16xf32>)  : i32 {
      %get3A_979 = arith.index_cast %scan3A_962 : i32 to index
      %get3A_980 = arith.constant 0 : index
      %get3A_981 = tpu.vector_load %arg12[%get3A_979, %get3A_980] {strides = array<i32>} : memref<8x128xf32, #tpu.memory_space<vmem>>, vector<16xf32>,
      %min3A_982 = arith.minimumf %scan3A_963, %get3A_981 : vector<16xf32>
      %max3A_983 = arith.maximumf %scan3A_971, %min3A_982 : vector<16xf32>
      %max3A_984 = arith.maximumf %scan3A_963, %get3A_981 : vector<16xf32>
      %get3A_985 = arith.index_cast %scan3A_962 : i32 to index
      %get3A_986 = arith.constant 16 : index
      %get3A_987 = tpu.vector_load %arg12[%get3A_985, %get3A_986] {strides = array<i32>} : memref<8x128xf32, #tpu.memory_space<vmem>>, vector<16xf32>,
      %min3A_988 = arith.minimumf %scan3A_964, %get3A_987 : vector<16xf32>
      %max3A_989 = arith.maximumf %scan3A_972, %min3A_988 : vector<16xf32>
      %max3A_990 = arith.maximumf %scan3A_964, %get3A_987 : vector<16xf32>
      %get3A_991 = arith.index_cast %scan3A_962 : i32 to index
      %get3A_992 = arith.constant 32 : index
      %get3A_993 = tpu.vector_load %arg12[%get3A_991, %get3A_992] {strides = array<i32>} : memref<8x128xf32, #tpu.memory_space<vmem>>, vector<16xf32>,
      %min3A_994 = arith.minimumf %scan3A_965, %get3A_993 : vector<16xf32>
      %max3A_995 = arith.maximumf %scan3A_973, %min3A_994 : vector<16xf32>
      %max3A_996 = arith.maximumf %scan3A_965, %get3A_993 : vector<16xf32>
      %get3A_997 = arith.index_cast %scan3A_962 : i32 to index
      %get3A_998 = arith.constant 48 : index
      %get3A_999 = tpu.vector_load %arg12[%get3A_997, %get3A_998] {strides = array<i32>} : memref<8x128xf32, #tpu.memory_space<vmem>>, vector<16xf32>,
      %min3A_1000 = arith.minimumf %scan3A_966, %get3A_999 : vector<16xf32>
      %max3A_1001 = arith.maximumf %scan3A_974, %min3A_1000 : vector<16xf32>
      %max3A_1002 = arith.maximumf %scan3A_966, %get3A_999 : vector<16xf32>
      %get3A_1003 = arith.index_cast %scan3A_962 : i32 to index
      %get3A_1004 = arith.constant 64 : index
      %get3A_1005 = tpu.vector_load %arg12[%get3A_1003, %get3A_1004] {strides = array<i32>} : memref<8x128xf32, #tpu.memory_space<vmem>>, vector<16xf32>,
      %min3A_1006 = arith.minimumf %scan3A_967, %get3A_1005 : vector<16xf32>
      %max3A_1007 = arith.maximumf %scan3A_975, %min3A_1006 : vector<16xf32>
      %max3A_1008 = arith.maximumf %scan3A_967, %get3A_1005 : vector<16xf32>
      %get3A_1009 = arith.index_cast %scan3A_962 : i32 to index
      %get3A_1010 = arith.constant 80 : index
      %get3A_1011 = tpu.vector_load %arg12[%get3A_1009, %get3A_1010] {strides = array<i32>} : memref<8x128xf32, #tpu.memory_space<vmem>>, vector<16xf32>,
      %min3A_1012 = arith.minimumf %scan3A_968, %get3A_1011 : vector<16xf32>
      %max3A_1013 = arith.maximumf %scan3A_976, %min3A_1012 : vector<16xf32>
      %max3A_1014 = arith.maximumf %scan3A_968, %get3A_1011 : vector<16xf32>
      %get3A_1015 = arith.index_cast %scan3A_962 : i32 to index
      %get3A_1016 = arith.constant 96 : index
      %get3A_1017 = tpu.vector_load %arg12[%get3A_1015, %get3A_1016] {strides = array<i32>} : memref<8x128xf32, #tpu.memory_space<vmem>>, vector<16xf32>,
      %min3A_1018 = arith.minimumf %scan3A_969, %get3A_1017 : vector<16xf32>
      %max3A_1019 = arith.maximumf %scan3A_977, %min3A_1018 : vector<16xf32>
      %max3A_1020 = arith.maximumf %scan3A_969, %get3A_1017 : vector<16xf32>
      %get3A_1021 = arith.index_cast %scan3A_962 : i32 to index
      %get3A_1022 = arith.constant 112 : index
      %get3A_1023 = tpu.vector_load %arg12[%get3A_1021, %get3A_1022] {strides = array<i32>} : memref<8x128xf32, #tpu.memory_space<vmem>>, vector<16xf32>,
      %min3A_1024 = arith.minimumf %scan3A_970, %get3A_1023 : vector<16xf32>
      %max3A_1025 = arith.maximumf %scan3A_978, %min3A_1024 : vector<16xf32>
      %max3A_1026 = arith.maximumf %scan3A_970, %get3A_1023 : vector<16xf32>
      %scan3A_1027 = arith.constant 1 : i32
      %scan3A_1028 = arith.addi %scan3A_962, %scan3A_1027 : i32
      %get3A_1029 = arith.index_cast %scan3A_1028 : i32 to index
      %get3A_1030 = arith.constant 0 : index
      %get3A_1031 = tpu.vector_load %arg12[%get3A_1029, %get3A_1030] {strides = array<i32>} : memref<8x128xf32, #tpu.memory_space<vmem>>, vector<16xf32>,
      %min3A_1032 = arith.minimumf %max3A_984, %get3A_1031 : vector<16xf32>
      %max3A_1033 = arith.maximumf %max3A_983, %min3A_1032 : vector<16xf32>
      %max3A_1034 = arith.maximumf %max3A_984, %get3A_1031 : vector<16xf32>
      %get3A_1035 = arith.index_cast %scan3A_1028 : i32 to index
      %get3A_1036 = arith.constant 16 : index
      %get3A_1037 = tpu.vector_load %arg12[%get3A_1035, %get3A_1036] {strides = array<i32>} : memref<8x128xf32, #tpu.memory_space<vmem>>, vector<16xf32>,
      %min3A_1038 = arith.minimumf %max3A_990, %get3A_1037 : vector<16xf32>
      %max3A_1039 = arith.maximumf %max3A_989, %min3A_1038 : vector<16xf32>
      %max3A_1040 = arith.maximumf %max3A_990, %get3A_1037 : vector<16xf32>
      %get3A_1041 = arith.index_cast %scan3A_1028 : i32 to index
      %get3A_1042 = arith.constant 32 : index
      %get3A_1043 = tpu.vector_load %arg12[%get3A_1041, %get3A_1042] {strides = array<i32>} : memref<8x128xf32, #tpu.memory_space<vmem>>, vector<16xf32>,
      %min3A_1044 = arith.minimumf %max3A_996, %get3A_1043 : vector<16xf32>
      %max3A_1045 = arith.maximumf %max3A_995, %min3A_1044 : vector<16xf32>
      %max3A_1046 = arith.maximumf %max3A_996, %get3A_1043 : vector<16xf32>
      %get3A_1047 = arith.index_cast %scan3A_1028 : i32 to index
      %get3A_1048 = arith.constant 48 : index
      %get3A_1049 = tpu.vector_load %arg12[%get3A_1047, %get3A_1048] {strides = array<i32>} : memref<8x128xf32, #tpu.memory_space<vmem>>, vector<16xf32>,
      %min3A_1050 = arith.minimumf %max3A_1002, %get3A_1049 : vector<16xf32>
      %max3A_1051 = arith.maximumf %max3A_1001, %min3A_1050 : vector<16xf32>
      %max3A_1052 = arith.maximumf %max3A_1002, %get3A_1049 : vector<16xf32>
      %get3A_1053 = arith.index_cast %scan3A_1028 : i32 to index
      %get3A_1054 = arith.constant 64 : index
      %get3A_1055 = tpu.vector_load %arg12[%get3A_1053, %get3A_1054] {strides = array<i32>} : memref<8x128xf32, #tpu.memory_space<vmem>>, vector<16xf32>,
      %min3A_1056 = arith.minimumf %max3A_1008, %get3A_1055 : vector<16xf32>
      %max3A_1057 = arith.maximumf %max3A_1007, %min3A_1056 : vector<16xf32>
      %max3A_1058 = arith.maximumf %max3A_1008, %get3A_1055 : vector<16xf32>
      %get3A_1059 = arith.index_cast %scan3A_1028 : i32 to index
      %get3A_1060 = arith.constant 80 : index
      %get3A_1061 = tpu.vector_load %arg12[%get3A_1059, %get3A_1060] {strides = array<i32>} : memref<8x128xf32, #tpu.memory_space<vmem>>, vector<16xf32>,
      %min3A_1062 = arith.minimumf %max3A_1014, %get3A_1061 : vector<16xf32>
      %max3A_1063 = arith.maximumf %max3A_1013, %min3A_1062 : vector<16xf32>
      %max3A_1064 = arith.maximumf %max3A_1014, %get3A_1061 : vector<16xf32>
      %get3A_1065 = arith.index_cast %scan3A_1028 : i32 to index
      %get3A_1066 = arith.constant 96 : index
      %get3A_1067 = tpu.vector_load %arg12[%get3A_1065, %get3A_1066] {strides = array<i32>} : memref<8x128xf32, #tpu.memory_space<vmem>>, vector<16xf32>,
      %min3A_1068 = arith.minimumf %max3A_1020, %get3A_1067 : vector<16xf32>
      %max3A_1069 = arith.maximumf %max3A_1019, %min3A_1068 : vector<16xf32>
      %max3A_1070 = arith.maximumf %max3A_1020, %get3A_1067 : vector<16xf32>
      %get3A_1071 = arith.index_cast %scan3A_1028 : i32 to index
      %get3A_1072 = arith.constant 112 : index
      %get3A_1073 = tpu.vector_load %arg12[%get3A_1071, %get3A_1072] {strides = array<i32>} : memref<8x128xf32, #tpu.memory_space<vmem>>, vector<16xf32>,
      %min3A_1074 = arith.minimumf %max3A_1026, %get3A_1073 : vector<16xf32>
      %max3A_1075 = arith.maximumf %max3A_1025, %min3A_1074 : vector<16xf32>
      %max3A_1076 = arith.maximumf %max3A_1026, %get3A_1073 : vector<16xf32>
      %scan3A_1077 = arith.constant 2 : i32
      %scan3A_1078 = arith.addi %scan3A_962, %scan3A_1077 : i32
      %get3A_1079 = arith.index_cast %scan3A_1078 : i32 to index
      %get3A_1080 = arith.constant 0 : index
      %get3A_1081 = tpu.vector_load %arg12[%get3A_1079, %get3A_1080] {strides = array<i32>} : memref<8x128xf32, #tpu.memory_space<vmem>>, vector<16xf32>,
      %min3A_1082 = arith.minimumf %max3A_1034, %get3A_1081 : vector<16xf32>
      %max3A_1083 = arith.maximumf %max3A_1033, %min3A_1082 : vector<16xf32>
      %max3A_1084 = arith.maximumf %max3A_1034, %get3A_1081 : vector<16xf32>
      %get3A_1085 = arith.index_cast %scan3A_1078 : i32 to index
      %get3A_1086 = arith.constant 16 : index
      %get3A_1087 = tpu.vector_load %arg12[%get3A_1085, %get3A_1086] {strides = array<i32>} : memref<8x128xf32, #tpu.memory_space<vmem>>, vector<16xf32>,
      %min3A_1088 = arith.minimumf %max3A_1040, %get3A_1087 : vector<16xf32>
      %max3A_1089 = arith.maximumf %max3A_1039, %min3A_1088 : vector<16xf32>
      %max3A_1090 = arith.maximumf %max3A_1040, %get3A_1087 : vector<16xf32>
      %get3A_1091 = arith.index_cast %scan3A_1078 : i32 to index
      %get3A_1092 = arith.constant 32 : index
      %get3A_1093 = tpu.vector_load %arg12[%get3A_1091, %get3A_1092] {strides = array<i32>} : memref<8x128xf32, #tpu.memory_space<vmem>>, vector<16xf32>,
      %min3A_1094 = arith.minimumf %max3A_1046, %get3A_1093 : vector<16xf32>
      %max3A_1095 = arith.maximumf %max3A_1045, %min3A_1094 : vector<16xf32>
      %max3A_1096 = arith.maximumf %max3A_1046, %get3A_1093 : vector<16xf32>
      %get3A_1097 = arith.index_cast %scan3A_1078 : i32 to index
      %get3A_1098 = arith.constant 48 : index
      %get3A_1099 = tpu.vector_load %arg12[%get3A_1097, %get3A_1098] {strides = array<i32>} : memref<8x128xf32, #tpu.memory_space<vmem>>, vector<16xf32>,
      %min3A_1100 = arith.minimumf %max3A_1052, %get3A_1099 : vector<16xf32>
      %max3A_1101 = arith.maximumf %max3A_1051, %min3A_1100 : vector<16xf32>
      %max3A_1102 = arith.maximumf %max3A_1052, %get3A_1099 : vector<16xf32>
      %get3A_1103 = arith.index_cast %scan3A_1078 : i32 to index
      %get3A_1104 = arith.constant 64 : index
      %get3A_1105 = tpu.vector_load %arg12[%get3A_1103, %get3A_1104] {strides = array<i32>} : memref<8x128xf32, #tpu.memory_space<vmem>>, vector<16xf32>,
      %min3A_1106 = arith.minimumf %max3A_1058, %get3A_1105 : vector<16xf32>
      %max3A_1107 = arith.maximumf %max3A_1057, %min3A_1106 : vector<16xf32>
      %max3A_1108 = arith.maximumf %max3A_1058, %get3A_1105 : vector<16xf32>
      %get3A_1109 = arith.index_cast %scan3A_1078 : i32 to index
      %get3A_1110 = arith.constant 80 : index
      %get3A_1111 = tpu.vector_load %arg12[%get3A_1109, %get3A_1110] {strides = array<i32>} : memref<8x128xf32, #tpu.memory_space<vmem>>, vector<16xf32>,
      %min3A_1112 = arith.minimumf %max3A_1064, %get3A_1111 : vector<16xf32>
      %max3A_1113 = arith.maximumf %max3A_1063, %min3A_1112 : vector<16xf32>
      %max3A_1114 = arith.maximumf %max3A_1064, %get3A_1111 : vector<16xf32>
      %get3A_1115 = arith.index_cast %scan3A_1078 : i32 to index
      %get3A_1116 = arith.constant 96 : index
      %get3A_1117 = tpu.vector_load %arg12[%get3A_1115, %get3A_1116] {strides = array<i32>} : memref<8x128xf32, #tpu.memory_space<vmem>>, vector<16xf32>,
      %min3A_1118 = arith.minimumf %max3A_1070, %get3A_1117 : vector<16xf32>
      %max3A_1119 = arith.maximumf %max3A_1069, %min3A_1118 : vector<16xf32>
      %max3A_1120 = arith.maximumf %max3A_1070, %get3A_1117 : vector<16xf32>
      %get3A_1121 = arith.index_cast %scan3A_1078 : i32 to index
      %get3A_1122 = arith.constant 112 : index
      %get3A_1123 = tpu.vector_load %arg12[%get3A_1121, %get3A_1122] {strides = array<i32>} : memref<8x128xf32, #tpu.memory_space<vmem>>, vector<16xf32>,
      %min3A_1124 = arith.minimumf %max3A_1076, %get3A_1123 : vector<16xf32>
      %max3A_1125 = arith.maximumf %max3A_1075, %min3A_1124 : vector<16xf32>
      %max3A_1126 = arith.maximumf %max3A_1076, %get3A_1123 : vector<16xf32>
      %scan3A_1127 = arith.constant 3 : i32
      %scan3A_1128 = arith.addi %scan3A_962, %scan3A_1127 : i32
      %get3A_1129 = arith.index_cast %scan3A_1128 : i32 to index
      %get3A_1130 = arith.constant 0 : index
      %get3A_1131 = tpu.vector_load %arg12[%get3A_1129, %get3A_1130] {strides = array<i32>} : memref<8x128xf32, #tpu.memory_space<vmem>>, vector<16xf32>,
      %min3A_1132 = arith.minimumf %max3A_1084, %get3A_1131 : vector<16xf32>
      %max3A_1133 = arith.maximumf %max3A_1083, %min3A_1132 : vector<16xf32>
      %max3A_1134 = arith.maximumf %max3A_1084, %get3A_1131 : vector<16xf32>
      %get3A_1135 = arith.index_cast %scan3A_1128 : i32 to index
      %get3A_1136 = arith.constant 16 : index
      %get3A_1137 = tpu.vector_load %arg12[%get3A_1135, %get3A_1136] {strides = array<i32>} : memref<8x128xf32, #tpu.memory_space<vmem>>, vector<16xf32>,
      %min3A_1138 = arith.minimumf %max3A_1090, %get3A_1137 : vector<16xf32>
      %max3A_1139 = arith.maximumf %max3A_1089, %min3A_1138 : vector<16xf32>
      %max3A_1140 = arith.maximumf %max3A_1090, %get3A_1137 : vector<16xf32>
      %get3A_1141 = arith.index_cast %scan3A_1128 : i32 to index
      %get3A_1142 = arith.constant 32 : index
      %get3A_1143 = tpu.vector_load %arg12[%get3A_1141, %get3A_1142] {strides = array<i32>} : memref<8x128xf32, #tpu.memory_space<vmem>>, vector<16xf32>,
      %min3A_1144 = arith.minimumf %max3A_1096, %get3A_1143 : vector<16xf32>
      %max3A_1145 = arith.maximumf %max3A_1095, %min3A_1144 : vector<16xf32>
      %max3A_1146 = arith.maximumf %max3A_1096, %get3A_1143 : vector<16xf32>
      %get3A_1147 = arith.index_cast %scan3A_1128 : i32 to index
      %get3A_1148 = arith.constant 48 : index
      %get3A_1149 = tpu.vector_load %arg12[%get3A_1147, %get3A_1148] {strides = array<i32>} : memref<8x128xf32, #tpu.memory_space<vmem>>, vector<16xf32>,
      %min3A_1150 = arith.minimumf %max3A_1102, %get3A_1149 : vector<16xf32>
      %max3A_1151 = arith.maximumf %max3A_1101, %min3A_1150 : vector<16xf32>
      %max3A_1152 = arith.maximumf %max3A_1102, %get3A_1149 : vector<16xf32>
      %get3A_1153 = arith.index_cast %scan3A_1128 : i32 to index
      %get3A_1154 = arith.constant 64 : index
      %get3A_1155 = tpu.vector_load %arg12[%get3A_1153, %get3A_1154] {strides = array<i32>} : memref<8x128xf32, #tpu.memory_space<vmem>>, vector<16xf32>,
      %min3A_1156 = arith.minimumf %max3A_1108, %get3A_1155 : vector<16xf32>
      %max3A_1157 = arith.maximumf %max3A_1107, %min3A_1156 : vector<16xf32>
      %max3A_1158 = arith.maximumf %max3A_1108, %get3A_1155 : vector<16xf32>
      %get3A_1159 = arith.index_cast %scan3A_1128 : i32 to index
      %get3A_1160 = arith.constant 80 : index
      %get3A_1161 = tpu.vector_load %arg12[%get3A_1159, %get3A_1160] {strides = array<i32>} : memref<8x128xf32, #tpu.memory_space<vmem>>, vector<16xf32>,
      %min3A_1162 = arith.minimumf %max3A_1114, %get3A_1161 : vector<16xf32>
      %max3A_1163 = arith.maximumf %max3A_1113, %min3A_1162 : vector<16xf32>
      %max3A_1164 = arith.maximumf %max3A_1114, %get3A_1161 : vector<16xf32>
      %get3A_1165 = arith.index_cast %scan3A_1128 : i32 to index
      %get3A_1166 = arith.constant 96 : index
      %get3A_1167 = tpu.vector_load %arg12[%get3A_1165, %get3A_1166] {strides = array<i32>} : memref<8x128xf32, #tpu.memory_space<vmem>>, vector<16xf32>,
      %min3A_1168 = arith.minimumf %max3A_1120, %get3A_1167 : vector<16xf32>
      %max3A_1169 = arith.maximumf %max3A_1119, %min3A_1168 : vector<16xf32>
      %max3A_1170 = arith.maximumf %max3A_1120, %get3A_1167 : vector<16xf32>
      %get3A_1171 = arith.index_cast %scan3A_1128 : i32 to index
      %get3A_1172 = arith.constant 112 : index
      %get3A_1173 = tpu.vector_load %arg12[%get3A_1171, %get3A_1172] {strides = array<i32>} : memref<8x128xf32, #tpu.memory_space<vmem>>, vector<16xf32>,
      %min3A_1174 = arith.minimumf %max3A_1126, %get3A_1173 : vector<16xf32>
      %max3A_1175 = arith.maximumf %max3A_1125, %min3A_1174 : vector<16xf32>
      %max3A_1176 = arith.maximumf %max3A_1126, %get3A_1173 : vector<16xf32>
      scf.yield %max3A_1134, %max3A_1140, %max3A_1146, %max3A_1152, %max3A_1158, %max3A_1164, %max3A_1170, %max3A_1176, %max3A_1133, %max3A_1139, %max3A_1145, %max3A_1151, %max3A_1157, %max3A_1163, %max3A_1169, %max3A_1175 : vector<16xf32>, vector<16xf32>, vector<16xf32>, vector<16xf32>, vector<16xf32>, vector<16xf32>, vector<16xf32>, vector<16xf32>, vector<16xf32>, vector<16xf32>, vector<16xf32>, vector<16xf32>, vector<16xf32>, vector<16xf32>, vector<16xf32>, vector<16xf32>
    }
    %scan3A_683 = arith.constant 8 : i32
    %select_n3A_684 = arith.select %eq3A_671, %scan3A_682#0, %scan3A_676#0 : vector<16xi1>, vector<16xf32>
    %select_n3A_685 = arith.select %eq3A_671, %scan3A_682#1, %scan3A_676#1 : vector<16xi1>, vector<16xf32>
    %select_n3A_686 = arith.select %eq3A_671, %scan3A_682#2, %scan3A_676#2 : vector<16xi1>, vector<16xf32>
    %select_n3A_687 = arith.select %eq3A_671, %scan3A_682#3, %scan3A_676#3 : vector<16xi1>, vector<16xf32>
    %select_n3A_688 = arith.select %eq3A_671, %scan3A_682#4, %scan3A_676#4 : vector<16xi1>, vector<16xf32>
    %select_n3A_689 = arith.select %eq3A_671, %scan3A_682#5, %scan3A_676#5 : vector<16xi1>, vector<16xf32>
    %select_n3A_690 = arith.select %eq3A_671, %scan3A_682#6, %scan3A_676#6 : vector<16xi1>, vector<16xf32>
    %select_n3A_691 = arith.select %eq3A_671, %scan3A_682#7, %scan3A_676#7 : vector<16xi1>, vector<16xf32>
    %select_n3A_692 = arith.select %eq3A_671, %scan3A_682#8, %scan3A_676#8 : vector<16xi1>, vector<16xf32>
    %select_n3A_693 = arith.select %eq3A_671, %scan3A_682#9, %scan3A_676#9 : vector<16xi1>, vector<16xf32>
    %select_n3A_694 = arith.select %eq3A_671, %scan3A_682#10, %scan3A_676#10 : vector<16xi1>, vector<16xf32>
    %select_n3A_695 = arith.select %eq3A_671, %scan3A_682#11, %scan3A_676#11 : vector<16xi1>, vector<16xf32>
    %select_n3A_696 = arith.select %eq3A_671, %scan3A_682#12, %scan3A_676#12 : vector<16xi1>, vector<16xf32>
    %select_n3A_697 = arith.select %eq3A_671, %scan3A_682#13, %scan3A_676#13 : vector<16xi1>, vector<16xf32>
    %select_n3A_698 = arith.select %eq3A_671, %scan3A_682#14, %scan3A_676#14 : vector<16xi1>, vector<16xf32>
    %select_n3A_699 = arith.select %eq3A_671, %scan3A_682#15, %scan3A_676#15 : vector<16xi1>, vector<16xf32>
    %scan3A_700 = arith.constant 0 : i32
    %scan3A_701 = arith.constant 0 : i32
    %scan3A_702 = arith.constant 32 : i32
    %scan3A_703 = arith.addi %scan3A_701, %scan3A_702 : i32
    %scan3A_704 = arith.constant 1 : i32
    scf.for %scan3A_962 = %scan3A_701 to %scan3A_703 step %scan3A_704  : i32 {
      %dma_wait3A_963 = arith.constant 0 : i32
      %dma_wait3A_964 = arith.constant 0 : i32
      %dma_wait3A_965 = tpu.memref_slice %arg13[%scan3A_962, %dma_wait3A_963, %dma_wait3A_964] : memref<32x8x128xf32, #tpu.memory_space<vmem>> -> memref<1x8x128xf32, #tpu.memory_space<vmem>>
      %dma_wait3A_966 = tpu.memref_squeeze %dma_wait3A_965 : memref<1x8x128xf32, #tpu.memory_space<vmem>> -> memref<8x128xf32, #tpu.memory_space<vmem>>
      %dma_wait3A_967 = arith.constant 0 : i32
      %dma_wait3A_968 = arith.constant 0 : i32
      %dma_wait3A_969 = tpu.memref_slice %arg2[%dma_wait3A_967, %dma_wait3A_968] : memref<100000x1024xf32, #tpu.memory_space<hbm>> -> memref<8x128xf32, #tpu.memory_space<hbm>>
      %dma_wait3A_970 = arith.constant 0 : i32
      %dma_wait3A_971 = arith.constant 0 : i32
      %dma_wait3A_972 = tpu.memref_slice %arg13[%scan3A_962, %dma_wait3A_970, %dma_wait3A_971] : memref<32x8x128xf32, #tpu.memory_space<vmem>> -> memref<1x8x128xf32, #tpu.memory_space<vmem>>
      %dma_wait3A_973 = tpu.memref_squeeze %dma_wait3A_972 : memref<1x8x128xf32, #tpu.memory_space<vmem>> -> memref<8x128xf32, #tpu.memory_space<vmem>>
      %dma_wait3A_974 = arith.constant 0 : i32
      %dma_wait3A_975 = arith.constant 0 : i32
      %dma_wait3A_976 = tpu.memref_slice %arg2[%dma_wait3A_974, %dma_wait3A_975] : memref<100000x1024xf32, #tpu.memory_space<hbm>> -> memref<8x128xf32, #tpu.memory_space<hbm>>
      tpu.wait_dma2 semaphore(%arg23 : memref<!tpu.dma_semaphore, #tpu.memory_space<semaphore_mem>>) src(%dma_wait3A_976 : memref<8x128xf32, #tpu.memory_space<hbm>>) dst(%dma_wait3A_973 : memref<8x128xf32, #tpu.memory_space<vmem>>)
    }
    %scan3A_705 = arith.constant 32 : i32
    %swap3A = arith.constant 0 : index
    %swap3A_706 = tpu.vector_load %arg14[%swap3A] {strides = array<i32>} : memref<256xf32, #tpu.memory_space<vmem>>, vector<16xf32>,
    tpu.vector_store %arg14[%swap3A], %select_n3A_684 {strides = array<i32>} : memref<256xf32, #tpu.memory_space<vmem>>, vector<16xf32>,
    %swap3A_707 = arith.constant 128 : index
    %swap3A_708 = tpu.vector_load %arg14[%swap3A_707] {strides = array<i32>} : memref<256xf32, #tpu.memory_space<vmem>>, vector<16xf32>,
    tpu.vector_store %arg14[%swap3A_707], %select_n3A_692 {strides = array<i32>} : memref<256xf32, #tpu.memory_space<vmem>>, vector<16xf32>,
    %swap3A_709 = arith.constant 16 : index
    %swap3A_710 = tpu.vector_load %arg14[%swap3A_709] {strides = array<i32>} : memref<256xf32, #tpu.memory_space<vmem>>, vector<16xf32>,
    tpu.vector_store %arg14[%swap3A_709], %select_n3A_685 {strides = array<i32>} : memref<256xf32, #tpu.memory_space<vmem>>, vector<16xf32>,
    %swap3A_711 = arith.constant 144 : index
    %swap3A_712 = tpu.vector_load %arg14[%swap3A_711] {strides = array<i32>} : memref<256xf32, #tpu.memory_space<vmem>>, vector<16xf32>,
    tpu.vector_store %arg14[%swap3A_711], %select_n3A_693 {strides = array<i32>} : memref<256xf32, #tpu.memory_space<vmem>>, vector<16xf32>,
    %swap3A_713 = arith.constant 32 : index
    %swap3A_714 = tpu.vector_load %arg14[%swap3A_713] {strides = array<i32>} : memref<256xf32, #tpu.memory_space<vmem>>, vector<16xf32>,
    tpu.vector_store %arg14[%swap3A_713], %select_n3A_686 {strides = array<i32>} : memref<256xf32, #tpu.memory_space<vmem>>, vector<16xf32>,
    %swap3A_715 = arith.constant 160 : index
    %swap3A_716 = tpu.vector_load %arg14[%swap3A_715] {strides = array<i32>} : memref<256xf32, #tpu.memory_space<vmem>>, vector<16xf32>,
    tpu.vector_store %arg14[%swap3A_715], %select_n3A_694 {strides = array<i32>} : memref<256xf32, #tpu.memory_space<vmem>>, vector<16xf32>,
    %swap3A_717 = arith.constant 48 : index
    %swap3A_718 = tpu.vector_load %arg14[%swap3A_717] {strides = array<i32>} : memref<256xf32, #tpu.memory_space<vmem>>, vector<16xf32>,
    tpu.vector_store %arg14[%swap3A_717], %select_n3A_687 {strides = array<i32>} : memref<256xf32, #tpu.memory_space<vmem>>, vector<16xf32>,
    %swap3A_719 = arith.constant 176 : index
    %swap3A_720 = tpu.vector_load %arg14[%swap3A_719] {strides = array<i32>} : memref<256xf32, #tpu.memory_space<vmem>>, vector<16xf32>,
    tpu.vector_store %arg14[%swap3A_719], %select_n3A_695 {strides = array<i32>} : memref<256xf32, #tpu.memory_space<vmem>>, vector<16xf32>,
    %swap3A_721 = arith.constant 64 : index
    %swap3A_722 = tpu.vector_load %arg14[%swap3A_721] {strides = array<i32>} : memref<256xf32, #tpu.memory_space<vmem>>, vector<16xf32>,
    tpu.vector_store %arg14[%swap3A_721], %select_n3A_688 {strides = array<i32>} : memref<256xf32, #tpu.memory_space<vmem>>, vector<16xf32>,
    %swap3A_723 = arith.constant 192 : index
    %swap3A_724 = tpu.vector_load %arg14[%swap3A_723] {strides = array<i32>} : memref<256xf32, #tpu.memory_space<vmem>>, vector<16xf32>,
    tpu.vector_store %arg14[%swap3A_723], %select_n3A_696 {strides = array<i32>} : memref<256xf32, #tpu.memory_space<vmem>>, vector<16xf32>,
    %swap3A_725 = arith.constant 80 : index
    %swap3A_726 = tpu.vector_load %arg14[%swap3A_725] {strides = array<i32>} : memref<256xf32, #tpu.memory_space<vmem>>, vector<16xf32>,
    tpu.vector_store %arg14[%swap3A_725], %select_n3A_689 {strides = array<i32>} : memref<256xf32, #tpu.memory_space<vmem>>, vector<16xf32>,
    %swap3A_727 = arith.constant 208 : index
    %swap3A_728 = tpu.vector_load %arg14[%swap3A_727] {strides = array<i32>} : memref<256xf32, #tpu.memory_space<vmem>>, vector<16xf32>,
    tpu.vector_store %arg14[%swap3A_727], %select_n3A_697 {strides = array<i32>} : memref<256xf32, #tpu.memory_space<vmem>>, vector<16xf32>,
    %swap3A_729 = arith.constant 96 : index
    %swap3A_730 = tpu.vector_load %arg14[%swap3A_729] {strides = array<i32>} : memref<256xf32, #tpu.memory_space<vmem>>, vector<16xf32>,
    tpu.vector_store %arg14[%swap3A_729], %select_n3A_690 {strides = array<i32>} : memref<256xf32, #tpu.memory_space<vmem>>, vector<16xf32>,
    %swap3A_731 = arith.constant 224 : index
    %swap3A_732 = tpu.vector_load %arg14[%swap3A_731] {strides = array<i32>} : memref<256xf32, #tpu.memory_space<vmem>>, vector<16xf32>,
    tpu.vector_store %arg14[%swap3A_731], %select_n3A_698 {strides = array<i32>} : memref<256xf32, #tpu.memory_space<vmem>>, vector<16xf32>,
    %swap3A_733 = arith.constant 112 : index
    %swap3A_734 = tpu.vector_load %arg14[%swap3A_733] {strides = array<i32>} : memref<256xf32, #tpu.memory_space<vmem>>, vector<16xf32>,
    tpu.vector_store %arg14[%swap3A_733], %select_n3A_691 {strides = array<i32>} : memref<256xf32, #tpu.memory_space<vmem>>, vector<16xf32>,
    %swap3A_735 = arith.constant 240 : index
    %swap3A_736 = tpu.vector_load %arg14[%swap3A_735] {strides = array<i32>} : memref<256xf32, #tpu.memory_space<vmem>>, vector<16xf32>,
    tpu.vector_store %arg14[%swap3A_735], %select_n3A_699 {strides = array<i32>} : memref<256xf32, #tpu.memory_space<vmem>>, vector<16xf32>,
    "tpu.region"() ({
      %run_scoped3A = tpu.sem_alloc : memref<!tpu.dma_semaphore, #tpu.memory_space<semaphore_mem>>
      %dma_start3A_962 = arith.constant 0 : i32
      %dma_start3A_963 = tpu.memref_slice %arg17[%arg1, %dma_start3A_962] : memref<16x256xf32, #tpu.memory_space<vmem_shared>> -> memref<1x256xf32, #tpu.memory_space<vmem_shared>>
      %dma_start3A_964 = tpu.memref_squeeze %dma_start3A_963 : memref<1x256xf32, #tpu.memory_space<vmem_shared>> -> memref<256xf32, #tpu.memory_space<vmem_shared>>
      %dma_start3A_965 = arith.constant 0 : i32
      %dma_start3A_966 = tpu.memref_slice %arg17[%arg1, %dma_start3A_965] : memref<16x256xf32, #tpu.memory_space<vmem_shared>> -> memref<1x256xf32, #tpu.memory_space<vmem_shared>>
      %dma_start3A_967 = tpu.memref_squeeze %dma_start3A_966 : memref<1x256xf32, #tpu.memory_space<vmem_shared>> -> memref<256xf32, #tpu.memory_space<vmem_shared>>
      tpu.enqueue_dma source(%arg14 : memref<256xf32, #tpu.memory_space<vmem>>) target(%dma_start3A_967 : memref<256xf32, #tpu.memory_space<vmem_shared>>) target_semaphore(%run_scoped3A : memref<!tpu.dma_semaphore, #tpu.memory_space<semaphore_mem>>)
      %dma_wait3A_968 = arith.constant 0 : i32
      %dma_wait3A_969 = tpu.memref_slice %arg17[%arg1, %dma_wait3A_968] : memref<16x256xf32, #tpu.memory_space<vmem_shared>> -> memref<1x256xf32, #tpu.memory_space<vmem_shared>>
      %dma_wait3A_970 = tpu.memref_squeeze %dma_wait3A_969 : memref<1x256xf32, #tpu.memory_space<vmem_shared>> -> memref<256xf32, #tpu.memory_space<vmem_shared>>
      %dma_wait3A_971 = arith.constant 0 : i32
      %dma_wait3A_972 = tpu.memref_slice %arg17[%arg1, %dma_wait3A_971] : memref<16x256xf32, #tpu.memory_space<vmem_shared>> -> memref<1x256xf32, #tpu.memory_space<vmem_shared>>
      %dma_wait3A_973 = tpu.memref_squeeze %dma_wait3A_972 : memref<1x256xf32, #tpu.memory_space<vmem_shared>> -> memref<256xf32, #tpu.memory_space<vmem_shared>>
      tpu.wait_dma2 semaphore(%run_scoped3A : memref<!tpu.dma_semaphore, #tpu.memory_space<semaphore_mem>>) src(%arg14 : memref<256xf32, #tpu.memory_space<vmem>>) dst(%dma_wait3A_973 : memref<256xf32, #tpu.memory_space<vmem_shared>>)
      tpu.yield
    }) : () -> ()
    %barrier3A = arith.constant 0 : index
    tpu.barrier barrier_id(%barrier3A)
    %jit3A_737 = arith.constant 4 : i32
    %div3A_738 = arith.divsi %arg1, %jit3A_737 : i32
    %sign3A_739 = arith.constant 0 : i32
    %sign3A_740 = arith.cmpi sgt, %arg1, %sign3A_739 : i32
    %sign3A_741 = arith.extui %sign3A_740 : i1 to i32
    %sign3A_742 = arith.constant 0 : i32
    %sign3A_743 = arith.cmpi slt, %arg1, %sign3A_742 : i32
    %sign3A_744 = arith.extui %sign3A_743 : i1 to i32
    %sign3A_745 = arith.subi %sign3A_741, %sign3A_744 : i32
    %sign3A_746 = arith.constant 0 : i32
    %sign3A_747 = arith.cmpi sgt, %jit3A_737, %sign3A_746 : i32
    %sign3A_748 = arith.extui %sign3A_747 : i1 to i32
    %sign3A_749 = arith.constant 0 : i32
    %sign3A_750 = arith.cmpi slt, %jit3A_737, %sign3A_749 : i32
    %sign3A_751 = arith.extui %sign3A_750 : i1 to i32
    %sign3A_752 = arith.subi %sign3A_748, %sign3A_751 : i32
    %ne3A_753 = arith.cmpi ne, %sign3A_745, %sign3A_752 : i32
    %rem3A_754 = arith.remsi %arg1, %jit3A_737 : i32
    %ne3A_755 = arith.constant 0 : i32
    %ne3A_756 = arith.cmpi ne, %rem3A_754, %ne3A_755 : i32
    %and3A_757 = arith.andi %ne3A_753, %ne3A_756 : i1
    %sub3A_758 = arith.constant 1 : i32
    %sub3A_759 = arith.subi %div3A_738, %sub3A_758 : i32
    %select_n3A_760 = arith.select %and3A_757, %sub3A_759, %div3A_738 : i32
    %mul3A_761 = arith.constant 4 : i32
    %mul3A_762 = arith.muli %select_n3A_760, %mul3A_761 : i32
    %add3A_763 = arith.constant 0 : i32
    %add3A_764 = arith.addi %mul3A_762, %add3A_763 : i32
    "tpu.region"() ({
      %run_scoped3A = tpu.sem_alloc : memref<!tpu.dma_semaphore, #tpu.memory_space<semaphore_mem>>
      %dma_start3A_962 = arith.constant 0 : i32
      %dma_start3A_963 = tpu.memref_slice %arg15[%dma_start3A_962] : memref<1024xf32, #tpu.memory_space<vmem>> -> memref<256xf32, #tpu.memory_space<vmem>>
      %dma_start3A_964 = arith.constant 0 : i32
      %dma_start3A_965 = tpu.memref_slice %arg17[%add3A_764, %dma_start3A_964] : memref<16x256xf32, #tpu.memory_space<vmem_shared>> -> memref<1x256xf32, #tpu.memory_space<vmem_shared>>
      %dma_start3A_966 = tpu.memref_squeeze %dma_start3A_965 : memref<1x256xf32, #tpu.memory_space<vmem_shared>> -> memref<256xf32, #tpu.memory_space<vmem_shared>>
      %dma_start3A_967 = arith.constant 0 : i32
      %dma_start3A_968 = tpu.memref_slice %arg15[%dma_start3A_967] : memref<1024xf32, #tpu.memory_space<vmem>> -> memref<256xf32, #tpu.memory_space<vmem>>
      %dma_start3A_969 = arith.constant 0 : i32
      %dma_start3A_970 = tpu.memref_slice %arg17[%add3A_764, %dma_start3A_969] : memref<16x256xf32, #tpu.memory_space<vmem_shared>> -> memref<1x256xf32, #tpu.memory_space<vmem_shared>>
      %dma_start3A_971 = tpu.memref_squeeze %dma_start3A_970 : memref<1x256xf32, #tpu.memory_space<vmem_shared>> -> memref<256xf32, #tpu.memory_space<vmem_shared>>
      tpu.enqueue_dma source(%dma_start3A_971 : memref<256xf32, #tpu.memory_space<vmem_shared>>) target(%dma_start3A_968 : memref<256xf32, #tpu.memory_space<vmem>>) target_semaphore(%run_scoped3A : memref<!tpu.dma_semaphore, #tpu.memory_space<semaphore_mem>>)
      %dma_wait3A_972 = arith.constant 0 : i32
      %dma_wait3A_973 = tpu.memref_slice %arg15[%dma_wait3A_972] : memref<1024xf32, #tpu.memory_space<vmem>> -> memref<256xf32, #tpu.memory_space<vmem>>
      %dma_wait3A_974 = arith.constant 0 : i32
      %dma_wait3A_975 = tpu.memref_slice %arg17[%add3A_764, %dma_wait3A_974] : memref<16x256xf32, #tpu.memory_space<vmem_shared>> -> memref<1x256xf32, #tpu.memory_space<vmem_shared>>
      %dma_wait3A_976 = tpu.memref_squeeze %dma_wait3A_975 : memref<1x256xf32, #tpu.memory_space<vmem_shared>> -> memref<256xf32, #tpu.memory_space<vmem_shared>>
      %dma_wait3A_977 = arith.constant 0 : i32
      %dma_wait3A_978 = tpu.memref_slice %arg15[%dma_wait3A_977] : memref<1024xf32, #tpu.memory_space<vmem>> -> memref<256xf32, #tpu.memory_space<vmem>>
      %dma_wait3A_979 = arith.constant 0 : i32
      %dma_wait3A_980 = tpu.memref_slice %arg17[%add3A_764, %dma_wait3A_979] : memref<16x256xf32, #tpu.memory_space<vmem_shared>> -> memref<1x256xf32, #tpu.memory_space<vmem_shared>>
      %dma_wait3A_981 = tpu.memref_squeeze %dma_wait3A_980 : memref<1x256xf32, #tpu.memory_space<vmem_shared>> -> memref<256xf32, #tpu.memory_space<vmem_shared>>
      tpu.wait_dma2 semaphore(%run_scoped3A : memref<!tpu.dma_semaphore, #tpu.memory_space<semaphore_mem>>) src(%dma_wait3A_981 : memref<256xf32, #tpu.memory_space<vmem_shared>>) dst(%dma_wait3A_978 : memref<256xf32, #tpu.memory_space<vmem>>)
      tpu.yield
    }) : () -> ()
    %add3A_765 = arith.constant 1 : i32
    %add3A_766 = arith.addi %mul3A_762, %add3A_765 : i32
    "tpu.region"() ({
      %run_scoped3A = tpu.sem_alloc : memref<!tpu.dma_semaphore, #tpu.memory_space<semaphore_mem>>
      %dma_start3A_962 = arith.constant 256 : i32
      %dma_start3A_963 = tpu.memref_slice %arg15[%dma_start3A_962] : memref<1024xf32, #tpu.memory_space<vmem>> -> memref<256xf32, #tpu.memory_space<vmem>>
      %dma_start3A_964 = arith.constant 0 : i32
      %dma_start3A_965 = tpu.memref_slice %arg17[%add3A_766, %dma_start3A_964] : memref<16x256xf32, #tpu.memory_space<vmem_shared>> -> memref<1x256xf32, #tpu.memory_space<vmem_shared>>
      %dma_start3A_966 = tpu.memref_squeeze %dma_start3A_965 : memref<1x256xf32, #tpu.memory_space<vmem_shared>> -> memref<256xf32, #tpu.memory_space<vmem_shared>>
      %dma_start3A_967 = arith.constant 256 : i32
      %dma_start3A_968 = tpu.memref_slice %arg15[%dma_start3A_967] : memref<1024xf32, #tpu.memory_space<vmem>> -> memref<256xf32, #tpu.memory_space<vmem>>
      %dma_start3A_969 = arith.constant 0 : i32
      %dma_start3A_970 = tpu.memref_slice %arg17[%add3A_766, %dma_start3A_969] : memref<16x256xf32, #tpu.memory_space<vmem_shared>> -> memref<1x256xf32, #tpu.memory_space<vmem_shared>>
      %dma_start3A_971 = tpu.memref_squeeze %dma_start3A_970 : memref<1x256xf32, #tpu.memory_space<vmem_shared>> -> memref<256xf32, #tpu.memory_space<vmem_shared>>
      tpu.enqueue_dma source(%dma_start3A_971 : memref<256xf32, #tpu.memory_space<vmem_shared>>) target(%dma_start3A_968 : memref<256xf32, #tpu.memory_space<vmem>>) target_semaphore(%run_scoped3A : memref<!tpu.dma_semaphore, #tpu.memory_space<semaphore_mem>>)
      %dma_wait3A_972 = arith.constant 256 : i32
      %dma_wait3A_973 = tpu.memref_slice %arg15[%dma_wait3A_972] : memref<1024xf32, #tpu.memory_space<vmem>> -> memref<256xf32, #tpu.memory_space<vmem>>
      %dma_wait3A_974 = arith.constant 0 : i32
      %dma_wait3A_975 = tpu.memref_slice %arg17[%add3A_766, %dma_wait3A_974] : memref<16x256xf32, #tpu.memory_space<vmem_shared>> -> memref<1x256xf32, #tpu.memory_space<vmem_shared>>
      %dma_wait3A_976 = tpu.memref_squeeze %dma_wait3A_975 : memref<1x256xf32, #tpu.memory_space<vmem_shared>> -> memref<256xf32, #tpu.memory_space<vmem_shared>>
      %dma_wait3A_977 = arith.constant 256 : i32
      %dma_wait3A_978 = tpu.memref_slice %arg15[%dma_wait3A_977] : memref<1024xf32, #tpu.memory_space<vmem>> -> memref<256xf32, #tpu.memory_space<vmem>>
      %dma_wait3A_979 = arith.constant 0 : i32
      %dma_wait3A_980 = tpu.memref_slice %arg17[%add3A_766, %dma_wait3A_979] : memref<16x256xf32, #tpu.memory_space<vmem_shared>> -> memref<1x256xf32, #tpu.memory_space<vmem_shared>>
      %dma_wait3A_981 = tpu.memref_squeeze %dma_wait3A_980 : memref<1x256xf32, #tpu.memory_space<vmem_shared>> -> memref<256xf32, #tpu.memory_space<vmem_shared>>
      tpu.wait_dma2 semaphore(%run_scoped3A : memref<!tpu.dma_semaphore, #tpu.memory_space<semaphore_mem>>) src(%dma_wait3A_981 : memref<256xf32, #tpu.memory_space<vmem_shared>>) dst(%dma_wait3A_978 : memref<256xf32, #tpu.memory_space<vmem>>)
      tpu.yield
    }) : () -> ()
    %add3A_767 = arith.constant 2 : i32
    %add3A_768 = arith.addi %mul3A_762, %add3A_767 : i32
    "tpu.region"() ({
      %run_scoped3A = tpu.sem_alloc : memref<!tpu.dma_semaphore, #tpu.memory_space<semaphore_mem>>
      %dma_start3A_962 = arith.constant 512 : i32
      %dma_start3A_963 = tpu.memref_slice %arg15[%dma_start3A_962] : memref<1024xf32, #tpu.memory_space<vmem>> -> memref<256xf32, #tpu.memory_space<vmem>>
      %dma_start3A_964 = arith.constant 0 : i32
      %dma_start3A_965 = tpu.memref_slice %arg17[%add3A_768, %dma_start3A_964] : memref<16x256xf32, #tpu.memory_space<vmem_shared>> -> memref<1x256xf32, #tpu.memory_space<vmem_shared>>
      %dma_start3A_966 = tpu.memref_squeeze %dma_start3A_965 : memref<1x256xf32, #tpu.memory_space<vmem_shared>> -> memref<256xf32, #tpu.memory_space<vmem_shared>>
      %dma_start3A_967 = arith.constant 512 : i32
      %dma_start3A_968 = tpu.memref_slice %arg15[%dma_start3A_967] : memref<1024xf32, #tpu.memory_space<vmem>> -> memref<256xf32, #tpu.memory_space<vmem>>
      %dma_start3A_969 = arith.constant 0 : i32
      %dma_start3A_970 = tpu.memref_slice %arg17[%add3A_768, %dma_start3A_969] : memref<16x256xf32, #tpu.memory_space<vmem_shared>> -> memref<1x256xf32, #tpu.memory_space<vmem_shared>>
      %dma_start3A_971 = tpu.memref_squeeze %dma_start3A_970 : memref<1x256xf32, #tpu.memory_space<vmem_shared>> -> memref<256xf32, #tpu.memory_space<vmem_shared>>
      tpu.enqueue_dma source(%dma_start3A_971 : memref<256xf32, #tpu.memory_space<vmem_shared>>) target(%dma_start3A_968 : memref<256xf32, #tpu.memory_space<vmem>>) target_semaphore(%run_scoped3A : memref<!tpu.dma_semaphore, #tpu.memory_space<semaphore_mem>>)
      %dma_wait3A_972 = arith.constant 512 : i32
      %dma_wait3A_973 = tpu.memref_slice %arg15[%dma_wait3A_972] : memref<1024xf32, #tpu.memory_space<vmem>> -> memref<256xf32, #tpu.memory_space<vmem>>
      %dma_wait3A_974 = arith.constant 0 : i32
      %dma_wait3A_975 = tpu.memref_slice %arg17[%add3A_768, %dma_wait3A_974] : memref<16x256xf32, #tpu.memory_space<vmem_shared>> -> memref<1x256xf32, #tpu.memory_space<vmem_shared>>
      %dma_wait3A_976 = tpu.memref_squeeze %dma_wait3A_975 : memref<1x256xf32, #tpu.memory_space<vmem_shared>> -> memref<256xf32, #tpu.memory_space<vmem_shared>>
      %dma_wait3A_977 = arith.constant 512 : i32
      %dma_wait3A_978 = tpu.memref_slice %arg15[%dma_wait3A_977] : memref<1024xf32, #tpu.memory_space<vmem>> -> memref<256xf32, #tpu.memory_space<vmem>>
      %dma_wait3A_979 = arith.constant 0 : i32
      %dma_wait3A_980 = tpu.memref_slice %arg17[%add3A_768, %dma_wait3A_979] : memref<16x256xf32, #tpu.memory_space<vmem_shared>> -> memref<1x256xf32, #tpu.memory_space<vmem_shared>>
      %dma_wait3A_981 = tpu.memref_squeeze %dma_wait3A_980 : memref<1x256xf32, #tpu.memory_space<vmem_shared>> -> memref<256xf32, #tpu.memory_space<vmem_shared>>
      tpu.wait_dma2 semaphore(%run_scoped3A : memref<!tpu.dma_semaphore, #tpu.memory_space<semaphore_mem>>) src(%dma_wait3A_981 : memref<256xf32, #tpu.memory_space<vmem_shared>>) dst(%dma_wait3A_978 : memref<256xf32, #tpu.memory_space<vmem>>)
      tpu.yield
    }) : () -> ()
    %add3A_769 = arith.constant 3 : i32
    %add3A_770 = arith.addi %mul3A_762, %add3A_769 : i32
    "tpu.region"() ({
      %run_scoped3A = tpu.sem_alloc : memref<!tpu.dma_semaphore, #tpu.memory_space<semaphore_mem>>
      %dma_start3A_962 = arith.constant 768 : i32
      %dma_start3A_963 = tpu.memref_slice %arg15[%dma_start3A_962] : memref<1024xf32, #tpu.memory_space<vmem>> -> memref<256xf32, #tpu.memory_space<vmem>>
      %dma_start3A_964 = arith.constant 0 : i32
      %dma_start3A_965 = tpu.memref_slice %arg17[%add3A_770, %dma_start3A_964] : memref<16x256xf32, #tpu.memory_space<vmem_shared>> -> memref<1x256xf32, #tpu.memory_space<vmem_shared>>
      %dma_start3A_966 = tpu.memref_squeeze %dma_start3A_965 : memref<1x256xf32, #tpu.memory_space<vmem_shared>> -> memref<256xf32, #tpu.memory_space<vmem_shared>>
      %dma_start3A_967 = arith.constant 768 : i32
      %dma_start3A_968 = tpu.memref_slice %arg15[%dma_start3A_967] : memref<1024xf32, #tpu.memory_space<vmem>> -> memref<256xf32, #tpu.memory_space<vmem>>
      %dma_start3A_969 = arith.constant 0 : i32
      %dma_start3A_970 = tpu.memref_slice %arg17[%add3A_770, %dma_start3A_969] : memref<16x256xf32, #tpu.memory_space<vmem_shared>> -> memref<1x256xf32, #tpu.memory_space<vmem_shared>>
      %dma_start3A_971 = tpu.memref_squeeze %dma_start3A_970 : memref<1x256xf32, #tpu.memory_space<vmem_shared>> -> memref<256xf32, #tpu.memory_space<vmem_shared>>
      tpu.enqueue_dma source(%dma_start3A_971 : memref<256xf32, #tpu.memory_space<vmem_shared>>) target(%dma_start3A_968 : memref<256xf32, #tpu.memory_space<vmem>>) target_semaphore(%run_scoped3A : memref<!tpu.dma_semaphore, #tpu.memory_space<semaphore_mem>>)
      %dma_wait3A_972 = arith.constant 768 : i32
      %dma_wait3A_973 = tpu.memref_slice %arg15[%dma_wait3A_972] : memref<1024xf32, #tpu.memory_space<vmem>> -> memref<256xf32, #tpu.memory_space<vmem>>
      %dma_wait3A_974 = arith.constant 0 : i32
      %dma_wait3A_975 = tpu.memref_slice %arg17[%add3A_770, %dma_wait3A_974] : memref<16x256xf32, #tpu.memory_space<vmem_shared>> -> memref<1x256xf32, #tpu.memory_space<vmem_shared>>
      %dma_wait3A_976 = tpu.memref_squeeze %dma_wait3A_975 : memref<1x256xf32, #tpu.memory_space<vmem_shared>> -> memref<256xf32, #tpu.memory_space<vmem_shared>>
      %dma_wait3A_977 = arith.constant 768 : i32
      %dma_wait3A_978 = tpu.memref_slice %arg15[%dma_wait3A_977] : memref<1024xf32, #tpu.memory_space<vmem>> -> memref<256xf32, #tpu.memory_space<vmem>>
      %dma_wait3A_979 = arith.constant 0 : i32
      %dma_wait3A_980 = tpu.memref_slice %arg17[%add3A_770, %dma_wait3A_979] : memref<16x256xf32, #tpu.memory_space<vmem_shared>> -> memref<1x256xf32, #tpu.memory_space<vmem_shared>>
      %dma_wait3A_981 = tpu.memref_squeeze %dma_wait3A_980 : memref<1x256xf32, #tpu.memory_space<vmem_shared>> -> memref<256xf32, #tpu.memory_space<vmem_shared>>
      tpu.wait_dma2 semaphore(%run_scoped3A : memref<!tpu.dma_semaphore, #tpu.memory_space<semaphore_mem>>) src(%dma_wait3A_981 : memref<256xf32, #tpu.memory_space<vmem_shared>>) dst(%dma_wait3A_978 : memref<256xf32, #tpu.memory_space<vmem>>)
      tpu.yield
    }) : () -> ()
    %iota3A = tpu.iota {dimensions = array<i32: 0>} : vector<16xi32>
    %mul3A_771 = arith.constant 2 : i32
    %mul3A_772 = arith.muli %mul3A_771, %select_n3A_30 : i32
    %add3A_773 = arith.constant 0 : i32
    %add3A_774 = arith.addi %mul3A_772, %add3A_773 : i32
    %mul3A_775 = arith.constant 16 : i32
    %mul3A_776 = arith.muli %add3A_774, %mul3A_775 : i32
    %add3A_777 = arith.constant 0 : i32
    %add3A_778 = arith.addi %add3A_777, %mul3A_776 : i32
    %add3A_779 = arith.constant 128 : i32
    %add3A_780 = arith.addi %add3A_778, %add3A_779 : i32
    %add3A_781 = vector.broadcast %add3A_778 : i32 to vector<16xi32>
    %add3A_782 = arith.addi %add3A_781, %iota3A : vector<16xi32>
    %gather3A = tpu.vector_load_idx %arg15[%add3A_782] : memref<1024xf32, #tpu.memory_space<vmem>>[vector<16xi32>], vector<16xf32>,
    %add3A_783 = vector.broadcast %add3A_780 : i32 to vector<16xi32>
    %add3A_784 = arith.addi %add3A_783, %iota3A : vector<16xi32>
    %gather3A_785 = tpu.vector_load_idx %arg15[%add3A_784] : memref<1024xf32, #tpu.memory_space<vmem>>[vector<16xi32>], vector<16xf32>,
    %mul3A_786 = arith.constant 16 : i32
    %mul3A_787 = arith.muli %add3A_774, %mul3A_786 : i32
    %add3A_788 = arith.constant 256 : i32
    %add3A_789 = arith.addi %add3A_788, %mul3A_787 : i32
    %add3A_790 = arith.constant 128 : i32
    %add3A_791 = arith.addi %add3A_789, %add3A_790 : i32
    %add3A_792 = vector.broadcast %add3A_789 : i32 to vector<16xi32>
    %add3A_793 = arith.addi %add3A_792, %iota3A : vector<16xi32>
    %gather3A_794 = tpu.vector_load_idx %arg15[%add3A_793] : memref<1024xf32, #tpu.memory_space<vmem>>[vector<16xi32>], vector<16xf32>,
    %add3A_795 = vector.broadcast %add3A_791 : i32 to vector<16xi32>
    %add3A_796 = arith.addi %add3A_795, %iota3A : vector<16xi32>
    %gather3A_797 = tpu.vector_load_idx %arg15[%add3A_796] : memref<1024xf32, #tpu.memory_space<vmem>>[vector<16xi32>], vector<16xf32>,
    %max3A = arith.maximumf %gather3A, %gather3A_794 : vector<16xf32>
    %min3A = arith.minimumf %gather3A, %gather3A_794 : vector<16xf32>
    %max3A_798 = arith.maximumf %gather3A_785, %gather3A_797 : vector<16xf32>
    %max3A_799 = arith.maximumf %min3A, %max3A_798 : vector<16xf32>
    %mul3A_800 = arith.constant 16 : i32
    %mul3A_801 = arith.muli %add3A_774, %mul3A_800 : i32
    %add3A_802 = arith.constant 512 : i32
    %add3A_803 = arith.addi %add3A_802, %mul3A_801 : i32
    %add3A_804 = arith.constant 128 : i32
    %add3A_805 = arith.addi %add3A_803, %add3A_804 : i32
    %add3A_806 = vector.broadcast %add3A_803 : i32 to vector<16xi32>
    %add3A_807 = arith.addi %add3A_806, %iota3A : vector<16xi32>
    %gather3A_808 = tpu.vector_load_idx %arg15[%add3A_807] : memref<1024xf32, #tpu.memory_space<vmem>>[vector<16xi32>], vector<16xf32>,
    %add3A_809 = vector.broadcast %add3A_805 : i32 to vector<16xi32>
    %add3A_810 = arith.addi %add3A_809, %iota3A : vector<16xi32>
    %gather3A_811 = tpu.vector_load_idx %arg15[%add3A_810] : memref<1024xf32, #tpu.memory_space<vmem>>[vector<16xi32>], vector<16xf32>,
    %max3A_812 = arith.maximumf %max3A, %gather3A_808 : vector<16xf32>
    %min3A_813 = arith.minimumf %max3A, %gather3A_808 : vector<16xf32>
    %max3A_814 = arith.maximumf %max3A_799, %gather3A_811 : vector<16xf32>
    %max3A_815 = arith.maximumf %min3A_813, %max3A_814 : vector<16xf32>
    %mul3A_816 = arith.constant 16 : i32
    %mul3A_817 = arith.muli %add3A_774, %mul3A_816 : i32
    %add3A_818 = arith.constant 768 : i32
    %add3A_819 = arith.addi %add3A_818, %mul3A_817 : i32
    %add3A_820 = arith.constant 128 : i32
    %add3A_821 = arith.addi %add3A_819, %add3A_820 : i32
    %add3A_822 = vector.broadcast %add3A_819 : i32 to vector<16xi32>
    %add3A_823 = arith.addi %add3A_822, %iota3A : vector<16xi32>
    %gather3A_824 = tpu.vector_load_idx %arg15[%add3A_823] : memref<1024xf32, #tpu.memory_space<vmem>>[vector<16xi32>], vector<16xf32>,
    %add3A_825 = vector.broadcast %add3A_821 : i32 to vector<16xi32>
    %add3A_826 = arith.addi %add3A_825, %iota3A : vector<16xi32>
    %gather3A_827 = tpu.vector_load_idx %arg15[%add3A_826] : memref<1024xf32, #tpu.memory_space<vmem>>[vector<16xi32>], vector<16xf32>,
    %max3A_828 = arith.maximumf %max3A_812, %gather3A_824 : vector<16xf32>
    %min3A_829 = arith.minimumf %max3A_812, %gather3A_824 : vector<16xf32>
    %max3A_830 = arith.maximumf %max3A_815, %gather3A_827 : vector<16xf32>
    %max3A_831 = arith.maximumf %min3A_829, %max3A_830 : vector<16xf32>
    %get3A_832 = arith.constant 0 : index
    %get3A_833 = tpu.vector_load %arg6[%get3A_832] {strides = array<i32>} : memref<32xi32, #tpu.memory_space<vmem>>, vector<16xi32>,
    %get3A_834 = arith.constant 0 : index
    %get3A_835 = tpu.vector_load %arg7[%get3A_834] {strides = array<i32>} : memref<32xf32, #tpu.memory_space<vmem>>, vector<16xf32>,
    %broadcast_in_dim3A_836 = arith.constant 0 : i32
    %broadcast_in_dim3A_837 = vector.broadcast %broadcast_in_dim3A_836 : i32 to vector<16xi32>
    %add3A_838 = arith.addi %broadcast_in_dim3A_837, %iota3A : vector<16xi32>
    %and3A_839 = arith.constant 7 : i32
    %and3A_840 = vector.broadcast %and3A_839 : i32 to vector<16xi32>
    %and3A_841 = arith.andi %get3A_833, %and3A_840 : vector<16xi32>
    %mul3A_842 = arith.constant 32 : i32
    %mul3A_843 = arith.muli %select_n3A_30, %mul3A_842 : i32
    %add3A_844 = arith.constant 0 : i32
    %add3A_845 = arith.addi %mul3A_843, %add3A_844 : i32
    %broadcast_in_dim3A_846 = vector.broadcast %add3A_845 : i32 to vector<16xi32>
    %add3A_847 = arith.addi %broadcast_in_dim3A_846, %iota3A : vector<16xi32>
    %gather3A_848 = tpu.vector_load_idx %arg13[%add3A_838, %and3A_841, %add3A_847] : memref<32x8x128xf32, #tpu.memory_space<vmem>>[vector<16xi32>, vector<16xi32>, vector<16xi32>], vector<16xf32>,
    %sub3A_849 = arith.subf %max3A_828, %gather3A_848 : vector<16xf32>
    %add3A_850 = arith.constant 5.000000e-01 : f32
    %add3A_851 = vector.broadcast %add3A_850 : f32 to vector<16xf32>
    %add3A_852 = arith.addf %sub3A_849, %add3A_851 : vector<16xf32>
    %max3A_853 = arith.maximumf %add3A_852, %broadcast_in_dim3A_626 : vector<16xf32>
    %sub3A_854 = arith.subf %max3A_831, %gather3A_848 : vector<16xf32>
    %add3A_855 = arith.constant 5.000000e-01 : f32
    %add3A_856 = vector.broadcast %add3A_855 : f32 to vector<16xf32>
    %add3A_857 = arith.addf %sub3A_854, %add3A_856 : vector<16xf32>
    %max3A_858 = arith.maximumf %add3A_857, %broadcast_in_dim3A_626 : vector<16xf32>
    %add3A_859 = arith.addf %max3A_853, %max3A_858 : vector<16xf32>
    %mul3A_860 = arith.mulf %get3A_835, %add3A_859 : vector<16xf32>
    %add3A_861 = arith.addf %broadcast_in_dim3A_626, %mul3A_860 : vector<16xf32>
    %add3A_862 = arith.addf %broadcast_in_dim3A_626, %get3A_835 : vector<16xf32>
    %mul3A_863 = arith.constant 2 : i32
    %mul3A_864 = arith.muli %mul3A_863, %select_n3A_30 : i32
    %add3A_865 = arith.constant 1 : i32
    %add3A_866 = arith.addi %mul3A_864, %add3A_865 : i32
    %mul3A_867 = arith.constant 16 : i32
    %mul3A_868 = arith.muli %add3A_866, %mul3A_867 : i32
    %add3A_869 = arith.constant 0 : i32
    %add3A_870 = arith.addi %add3A_869, %mul3A_868 : i32
    %add3A_871 = arith.constant 128 : i32
    %add3A_872 = arith.addi %add3A_870, %add3A_871 : i32
    %add3A_873 = vector.broadcast %add3A_870 : i32 to vector<16xi32>
    %add3A_874 = arith.addi %add3A_873, %iota3A : vector<16xi32>
    %gather3A_875 = tpu.vector_load_idx %arg15[%add3A_874] : memref<1024xf32, #tpu.memory_space<vmem>>[vector<16xi32>], vector<16xf32>,
    %add3A_876 = vector.broadcast %add3A_872 : i32 to vector<16xi32>
    %add3A_877 = arith.addi %add3A_876, %iota3A : vector<16xi32>
    %gather3A_878 = tpu.vector_load_idx %arg15[%add3A_877] : memref<1024xf32, #tpu.memory_space<vmem>>[vector<16xi32>], vector<16xf32>,
    %mul3A_879 = arith.constant 16 : i32
    %mul3A_880 = arith.muli %add3A_866, %mul3A_879 : i32
    %add3A_881 = arith.constant 256 : i32
    %add3A_882 = arith.addi %add3A_881, %mul3A_880 : i32
    %add3A_883 = arith.constant 128 : i32
    %add3A_884 = arith.addi %add3A_882, %add3A_883 : i32
    %add3A_885 = vector.broadcast %add3A_882 : i32 to vector<16xi32>
    %add3A_886 = arith.addi %add3A_885, %iota3A : vector<16xi32>
    %gather3A_887 = tpu.vector_load_idx %arg15[%add3A_886] : memref<1024xf32, #tpu.memory_space<vmem>>[vector<16xi32>], vector<16xf32>,
    %add3A_888 = vector.broadcast %add3A_884 : i32 to vector<16xi32>
    %add3A_889 = arith.addi %add3A_888, %iota3A : vector<16xi32>
    %gather3A_890 = tpu.vector_load_idx %arg15[%add3A_889] : memref<1024xf32, #tpu.memory_space<vmem>>[vector<16xi32>], vector<16xf32>,
    %max3A_891 = arith.maximumf %gather3A_875, %gather3A_887 : vector<16xf32>
    %min3A_892 = arith.minimumf %gather3A_875, %gather3A_887 : vector<16xf32>
    %max3A_893 = arith.maximumf %gather3A_878, %gather3A_890 : vector<16xf32>
    %max3A_894 = arith.maximumf %min3A_892, %max3A_893 : vector<16xf32>
    %mul3A_895 = arith.constant 16 : i32
    %mul3A_896 = arith.muli %add3A_866, %mul3A_895 : i32
    %add3A_897 = arith.constant 512 : i32
    %add3A_898 = arith.addi %add3A_897, %mul3A_896 : i32
    %add3A_899 = arith.constant 128 : i32
    %add3A_900 = arith.addi %add3A_898, %add3A_899 : i32
    %add3A_901 = vector.broadcast %add3A_898 : i32 to vector<16xi32>
    %add3A_902 = arith.addi %add3A_901, %iota3A : vector<16xi32>
    %gather3A_903 = tpu.vector_load_idx %arg15[%add3A_902] : memref<1024xf32, #tpu.memory_space<vmem>>[vector<16xi32>], vector<16xf32>,
    %add3A_904 = vector.broadcast %add3A_900 : i32 to vector<16xi32>
    %add3A_905 = arith.addi %add3A_904, %iota3A : vector<16xi32>
    %gather3A_906 = tpu.vector_load_idx %arg15[%add3A_905] : memref<1024xf32, #tpu.memory_space<vmem>>[vector<16xi32>], vector<16xf32>,
    %max3A_907 = arith.maximumf %max3A_891, %gather3A_903 : vector<16xf32>
    %min3A_908 = arith.minimumf %max3A_891, %gather3A_903 : vector<16xf32>
    %max3A_909 = arith.maximumf %max3A_894, %gather3A_906 : vector<16xf32>
    %max3A_910 = arith.maximumf %min3A_908, %max3A_909 : vector<16xf32>
    %mul3A_911 = arith.constant 16 : i32
    %mul3A_912 = arith.muli %add3A_866, %mul3A_911 : i32
    %add3A_913 = arith.constant 768 : i32
    %add3A_914 = arith.addi %add3A_913, %mul3A_912 : i32
    %add3A_915 = arith.constant 128 : i32
    %add3A_916 = arith.addi %add3A_914, %add3A_915 : i32
    %add3A_917 = vector.broadcast %add3A_914 : i32 to vector<16xi32>
    %add3A_918 = arith.addi %add3A_917, %iota3A : vector<16xi32>
    %gather3A_919 = tpu.vector_load_idx %arg15[%add3A_918] : memref<1024xf32, #tpu.memory_space<vmem>>[vector<16xi32>], vector<16xf32>,
    %add3A_920 = vector.broadcast %add3A_916 : i32 to vector<16xi32>
    %add3A_921 = arith.addi %add3A_920, %iota3A : vector<16xi32>
    %gather3A_922 = tpu.vector_load_idx %arg15[%add3A_921] : memref<1024xf32, #tpu.memory_space<vmem>>[vector<16xi32>], vector<16xf32>,
    %max3A_923 = arith.maximumf %max3A_907, %gather3A_919 : vector<16xf32>
    %min3A_924 = arith.minimumf %max3A_907, %gather3A_919 : vector<16xf32>
    %max3A_925 = arith.maximumf %max3A_910, %gather3A_922 : vector<16xf32>
    %max3A_926 = arith.maximumf %min3A_924, %max3A_925 : vector<16xf32>
    %get3A_927 = arith.constant 16 : index
    %get3A_928 = tpu.vector_load %arg6[%get3A_927] {strides = array<i32>} : memref<32xi32, #tpu.memory_space<vmem>>, vector<16xi32>,
    %get3A_929 = arith.constant 16 : index
    %get3A_930 = tpu.vector_load %arg7[%get3A_929] {strides = array<i32>} : memref<32xf32, #tpu.memory_space<vmem>>, vector<16xf32>,
    %broadcast_in_dim3A_931 = arith.constant 16 : i32
    %broadcast_in_dim3A_932 = vector.broadcast %broadcast_in_dim3A_931 : i32 to vector<16xi32>
    %add3A_933 = arith.addi %broadcast_in_dim3A_932, %iota3A : vector<16xi32>
    %and3A_934 = arith.constant 7 : i32
    %and3A_935 = vector.broadcast %and3A_934 : i32 to vector<16xi32>
    %and3A_936 = arith.andi %get3A_928, %and3A_935 : vector<16xi32>
    %mul3A_937 = arith.constant 32 : i32
    %mul3A_938 = arith.muli %select_n3A_30, %mul3A_937 : i32
    %add3A_939 = arith.constant 16 : i32
    %add3A_940 = arith.addi %mul3A_938, %add3A_939 : i32
    %broadcast_in_dim3A_941 = vector.broadcast %add3A_940 : i32 to vector<16xi32>
    %add3A_942 = arith.addi %broadcast_in_dim3A_941, %iota3A : vector<16xi32>
    %gather3A_943 = tpu.vector_load_idx %arg13[%add3A_933, %and3A_936, %add3A_942] : memref<32x8x128xf32, #tpu.memory_space<vmem>>[vector<16xi32>, vector<16xi32>, vector<16xi32>], vector<16xf32>,
    %sub3A_944 = arith.subf %max3A_923, %gather3A_943 : vector<16xf32>
    %add3A_945 = arith.constant 5.000000e-01 : f32
    %add3A_946 = vector.broadcast %add3A_945 : f32 to vector<16xf32>
    %add3A_947 = arith.addf %sub3A_944, %add3A_946 : vector<16xf32>
    %max3A_948 = arith.maximumf %add3A_947, %broadcast_in_dim3A_626 : vector<16xf32>
    %sub3A_949 = arith.subf %max3A_926, %gather3A_943 : vector<16xf32>
    %add3A_950 = arith.constant 5.000000e-01 : f32
    %add3A_951 = vector.broadcast %add3A_950 : f32 to vector<16xf32>
    %add3A_952 = arith.addf %sub3A_949, %add3A_951 : vector<16xf32>
    %max3A_953 = arith.maximumf %add3A_952, %broadcast_in_dim3A_626 : vector<16xf32>
    %add3A_954 = arith.addf %max3A_948, %max3A_953 : vector<16xf32>
    %mul3A_955 = arith.mulf %get3A_930, %add3A_954 : vector<16xf32>
    %add3A_956 = arith.addf %add3A_861, %mul3A_955 : vector<16xf32>
    %add3A_957 = arith.addf %add3A_862, %get3A_930 : vector<16xf32>
    %swap3A_958 = arith.constant 0 : index
    %swap3A_959 = tpu.vector_load %arg16[%swap3A_958] {strides = array<i32>} : memref<32xf32, #tpu.memory_space<vmem>>, vector<16xf32>,
    tpu.vector_store %arg16[%swap3A_958], %add3A_956 {strides = array<i32>} : memref<32xf32, #tpu.memory_space<vmem>>, vector<16xf32>,
    %swap3A_960 = arith.constant 16 : index
    %swap3A_961 = tpu.vector_load %arg16[%swap3A_960] {strides = array<i32>} : memref<32xf32, #tpu.memory_space<vmem>>, vector<16xf32>,
    tpu.vector_store %arg16[%swap3A_960], %add3A_957 {strides = array<i32>} : memref<32xf32, #tpu.memory_space<vmem>>, vector<16xf32>,
    "tpu.region"() ({
      %run_scoped3A = tpu.sem_alloc : memref<!tpu.dma_semaphore, #tpu.memory_space<semaphore_mem>>
      %dma_start3A_962 = arith.constant 0 : i32
      %dma_start3A_963 = tpu.memref_slice %arg5[%add3A_33, %dma_start3A_962] : memref<32x32xf32, #tpu.memory_space<hbm>> -> memref<1x32xf32, #tpu.memory_space<hbm>>
      %dma_start3A_964 = tpu.memref_squeeze %dma_start3A_963 : memref<1x32xf32, #tpu.memory_space<hbm>> -> memref<32xf32, #tpu.memory_space<hbm>>
      %dma_start3A_965 = arith.constant 0 : i32
      %dma_start3A_966 = tpu.memref_slice %arg5[%add3A_33, %dma_start3A_965] : memref<32x32xf32, #tpu.memory_space<hbm>> -> memref<1x32xf32, #tpu.memory_space<hbm>>
      %dma_start3A_967 = tpu.memref_squeeze %dma_start3A_966 : memref<1x32xf32, #tpu.memory_space<hbm>> -> memref<32xf32, #tpu.memory_space<hbm>>
      tpu.enqueue_dma source(%arg16 : memref<32xf32, #tpu.memory_space<vmem>>) target(%dma_start3A_967 : memref<32xf32, #tpu.memory_space<hbm>>) target_semaphore(%run_scoped3A : memref<!tpu.dma_semaphore, #tpu.memory_space<semaphore_mem>>)
      %dma_wait3A_968 = arith.constant 0 : i32
      %dma_wait3A_969 = tpu.memref_slice %arg5[%add3A_33, %dma_wait3A_968] : memref<32x32xf32, #tpu.memory_space<hbm>> -> memref<1x32xf32, #tpu.memory_space<hbm>>
      %dma_wait3A_970 = tpu.memref_squeeze %dma_wait3A_969 : memref<1x32xf32, #tpu.memory_space<hbm>> -> memref<32xf32, #tpu.memory_space<hbm>>
      %dma_wait3A_971 = arith.constant 0 : i32
      %dma_wait3A_972 = tpu.memref_slice %arg5[%add3A_33, %dma_wait3A_971] : memref<32x32xf32, #tpu.memory_space<hbm>> -> memref<1x32xf32, #tpu.memory_space<hbm>>
      %dma_wait3A_973 = tpu.memref_squeeze %dma_wait3A_972 : memref<1x32xf32, #tpu.memory_space<hbm>> -> memref<32xf32, #tpu.memory_space<hbm>>
      tpu.wait_dma2 semaphore(%run_scoped3A : memref<!tpu.dma_semaphore, #tpu.memory_space<semaphore_mem>>) src(%arg16 : memref<32xf32, #tpu.memory_space<vmem>>) dst(%dma_wait3A_973 : memref<32xf32, #tpu.memory_space<hbm>>)
      tpu.yield
    }) : () -> ()
    return
  }
}

</mosaic_0001>

<sc_bundles>
// kernel: kernel.3.cloned.1.call-start
scs
__scs_entry_jumppad:
0x0: {  	(pc) =	sbr.rel $0x88, $3  }
0x1: {  	(tag) =	ssettag $0x0;
	lr =	simm.s32 $0x1  }
0x2: {  	[smem:$0x3F9E] =	sst lr;
	_ =	strace $0xD0000000  }
0x3: {  	_ = 	snop  }
0x4: {  	_ = 	snop  }
0x5: {  	_ = 	snop  }
0x6: {  	_ = 	snop  }
0x7: {  	_ = 	snop  }
__scs_overlays_trampoline_lowered:
0x8: {  	[smem:$0x3FAD] =	sst s0  }
0x9: {  	[smem:$0x3FAE] =	sst s1  }
0xa: {  	[smem:$0x3FAF] =	sst s2  }
0xb: {  	[smem:$0x3FB0] =	sst s3  }
0xc: {  	[smem:$0x3FB1] =	sst s4  }
0xd: {  	[smem:$0x3FB2] =	sst s5  }
0xe: {  	[smem:$0x3FB3] =	sst s6  }
0xf: {  	[smem:$0x3FB4] =	sst s7  }
0x10: {  	[smem:$0x3FB5] =	sst s8  }
0x11: {  	[smem:$0x3FB6] =	sst s9;
	s0 =	simm.s32 @!p0 $0x0  }
0x12: {  	s1 =	sld [smem:$0x3F9C];
	s0 =	simm.s32 @p0 $0x1  }
0x13: {  	[smem:$0x3FB7] =	sst s0;
	s0 =	simm.s32 @!p1 $0x0  }
0x14: {  	s2 =	sld [smem:$0x3F9B];
	s0 =	simm.s32 @p1 $0x1  }
0x15: {  	[smem:$0x3FB8] =	sst s0;
	s0 =	simm.s32 @!p2 $0x0  }
0x16: {  	s3 =	sld [smem:$0x3FDB];
	s0 =	simm.s32 @p2 $0x1  }
0x17: {  	s4 =	simm.s32 $0x1BF5;
	[smem:$0x3FBA] =	sst s0  }
0x18: {  	s0 =	sld [smem:$0x3F9D];
	_ =	swait.ge [sflag:s4], $0x0  }
0x19: {  	s7 =	sld [smem:$0x3F9E]  }
0x1a: {  	s8 =	sadd.s32 $0xFFFFE003, lr  }
0x1b: {  	s9 =	sadd.s32 $0xFFFFFEF7, lr;
	s5 =	simm.s32 $0xFFFFFFFF;
	p2 =	slt.u32 s8, $0xFFFFF086  }
0x1c: {  	p1 =	slt.u32 s9, $0xF7A;
	s5 =	simm.s32 @!p2 $0x0  }
0x1d: {  	s5 =	simm.s32 @p1 $0x1;
	p0 =	seq.s32 s7, s2  }
0x1e: {  	s7 =	smul.u32 @!p0 $0xF7A, s2;
	p2 =	seq.s32 @!p0 s5, $0x0  }
0x1f: {  	s9 =	smul.u32 $0xF7A, s1;
	s8 =	simm.s32 @!p0 $0x1BF5;
	p2 =	por !p2, p0  }
0x20: {  	[sflag:s8] =	ssyncset.s32 @!p0 $0xFFFFF086;
	s6 =	sadd.s32 @!p0 s3, s7;
	s7 =	simm.s32 @!p0 $0x108  }
0x21: {  	s3 =	sadd.s32 s3, s9;
	s6 =	sadd.s32 @!p0 $0x88, s6;
	s7 =	simm.s32 @p2 $0x1082  }
0x22: {  	[simem:s7], [sflag:s8] =	dma.local @!p0 [hbm:s6], $0xF7A  }
0x23: {  	s9 =	sor.u32 $0xD0000000, s2;
	s6 =	simm.s32 $0x108;
	_ =	swait.ge @!p0 [sflag:s8], $0x0  }
0x24: {  	s3 =	sadd.s32 $0x88, s3;
	s6 =	simm.s32 @!p1 $0x1082;
	[sflag:s4] =	ssyncset.s32 $0xFFFFF086  }
0x25: {  	[simem:s6], [sflag:s4] =	dma.local [hbm:s3], $0xF7A  }
0x26: {  	[smem:$0x3F9E] =	sst s1;
	(tag) =	ssettag s2;
	_ =	strace s9  }
0x27: {  	s1 =	sld [smem:$0x3FAE]  }
0x28: {  	s2 =	sld [smem:$0x3FAF]  }
0x29: {  	s4 =	sld [smem:$0x3FB1]  }
0x2a: {  	p0 =	seq.s32 s5, $0x0;
	s5 =	sld [smem:$0x3FB2]  }
0x2b: {  	s6 =	sld [smem:$0x3FB3]  }
0x2c: {  	s7 =	sld [smem:$0x3FB4]  }
0x2d: {  	s3 =	simm.s32 $0x108;
	s8 =	sld [smem:$0x3FB5]  }
0x2e: {  	s3 =	simm.s32 @!p0 $0x1082;
	s9 =	sld [smem:$0x3FB6]  }
0x2f: {  	lr =	sadd.s32 s0, s3;
	s0 =	sld [smem:$0x3FAD]  }
0x30: {  	s3 =	sld [smem:$0x3FB0]  }
0x31: {  	[smem:$0x3FB9] =	sst s10  }
0x32: {  	s10 =	sld [smem:$0x3FB7];
	_ =	sdelay $0x3  }
0x33: {  	p0 =	seq.s32 s10, $0x1;
	s10 =	sld [smem:$0x3FB9];
	_ =	sdelay $0x3  }
0x34: {  	[smem:$0x3FB9] =	sst s10  }
0x35: {  	s10 =	sld [smem:$0x3FB8];
	_ =	sdelay $0x3  }
0x36: {  	p1 =	seq.s32 s10, $0x1;
	s10 =	sld [smem:$0x3FB9];
	_ =	sdelay $0x3  }
0x37: {  	[smem:$0x3FB9] =	sst s10  }
0x38: {  	s10 =	sld [smem:$0x3FBA]  }
0x39: {  	_ = 	snop;
	(pc) =	sbr.ind lr, $3  }
0x3a: {  	_ = 	snop  }
0x3b: {  	_ = 	snop  }
0x3c: {  	p2 =	seq.s32 s10, $0x1;
	s10 =	sld [smem:$0x3FB9]  }
0x3d: {  	_ =	shalt  }
0x3e: {  	_ =	shalt  }
0x3f: {  	_ =	shalt  }
0x40: {  	_ =	shalt  }
0x41: {  	_ =	shalt  }
0x42: {  	_ =	shalt  }
0x43: {  	_ =	shalt  }
0x44: {  	_ =	shalt  }
0x45: {  	_ =	shalt  }
0x46: {  	_ =	shalt  }
0x47: {  	_ =	shalt  }
0x48: {  	_ =	shalt  }
0x49: {  	_ =	shalt  }
0x4a: {  	_ =	shalt  }
0x4b: {  	_ =	shalt  }
0x4c: {  	_ =	shalt  }
0x4d: {  	_ =	shalt  }
0x4e: {  	_ =	shalt  }
0x4f: {  	_ =	shalt  }
0x50: {  	_ =	shalt  }
0x51: {  	_ =	shalt  }
0x52: {  	_ =	shalt  }
0x53: {  	_ =	shalt  }
0x54: {  	_ =	shalt  }
0x55: {  	_ =	shalt  }
0x56: {  	_ =	shalt  }
0x57: {  	_ =	shalt  }
0x58: {  	_ =	shalt  }
0x59: {  	_ =	shalt  }
0x5a: {  	_ =	shalt  }
0x5b: {  	_ =	shalt  }
0x5c: {  	_ =	shalt  }
0x5d: {  	_ =	shalt  }
0x5e: {  	_ =	shalt  }
0x5f: {  	_ =	shalt  }
0x60: {  	_ =	shalt  }
0x61: {  	_ =	shalt  }
0x62: {  	_ =	shalt  }
0x63: {  	_ =	shalt  }
0x64: {  	_ =	shalt  }
0x65: {  	_ =	shalt  }
0x66: {  	_ =	shalt  }
0x67: {  	_ =	shalt  }
0x68: {  	_ =	shalt  }
0x69: {  	_ =	shalt  }
0x6a: {  	_ =	shalt  }
0x6b: {  	_ =	shalt  }
0x6c: {  	_ =	shalt  }
0x6d: {  	_ =	shalt  }
0x6e: {  	_ =	shalt  }
0x6f: {  	_ =	shalt  }
0x70: {  	_ =	shalt  }
0x71: {  	_ =	shalt  }
0x72: {  	_ =	shalt  }
0x73: {  	_ =	shalt  }
0x74: {  	_ =	shalt  }
0x75: {  	_ =	shalt  }
0x76: {  	_ =	shalt  }
0x77: {  	_ =	shalt  }
0x78: {  	_ =	shalt  }
0x79: {  	_ =	shalt  }
0x7a: {  	_ =	shalt  }
0x7b: {  	_ =	shalt  }
0x7c: {  	_ =	shalt  }
0x7d: {  	_ =	shalt  }
0x7e: {  	_ =	shalt  }
0x7f: {  	_ =	shalt  }
0x80: {  	_ =	shalt  }
0x81: {  	_ =	shalt  }
0x82: {  	_ =	shalt  }
0x83: {  	_ =	shalt  }
0x84: {  	_ =	shalt  }
0x85: {  	_ =	shalt  }
0x86: {  	_ =	shalt  }
0x87: {  	_ =	shalt  }
.Lfunc_end0:
.L_simem_size_0:
called_computation_lowered:
.L_overlay_start_0:
0x88: {  	s2 =	sld [smem:$0x3FD9]  }
0x89: {  	s3 =	sld [smem:$0x3FFE];
	_ =	sdelay $0x1  }
0x8a: {  	s1 =	srdreg.scid  }
0x8b: {  	s0 =	sand.u32 $0x1, s1  }
0x8c: {  	s17 =	sshll.u32 s0, $0xA;
	s2 =	sadd.s32 s3, s2  }
0x8d: {  	s2 =	sadd.s32 s2, s17  }
0x8e: {  	[smem:$0x3FC5] =	sst s2  }
0x8f: {  	_ = 	snop  }
0x90: {  	s2 =	sld [smem:$0x3FC9]  }
0x91: {  	s18 =	sld [smem:$0x3FC8];
	(tm) =	ssettm $0x1  }
0x92: {  	s4 =	sld [smem:$0x3FFB];
	_ =	sdelay $0x3  }
0x93: {  	_ =	strace s4  }
0x94: {  	s4 =	sld [smem:$0x3FFC];
	_ =	sdelay $0x3  }
0x95: {  	_ =	strace s4  }
0x96: {  	s4 =	sld [smem:$0x3FFD];
	_ =	sdelay $0x3  }
0x97: {  	_ =	strace s4  }
0x98: {  	_ =	strace $0x8FFFFFFF  }
0x99: {  	s19 =	sld [smem:$0x3FDB];
	_ =	sdelay $0x1  }
0x9a: {  	s5 =	simm.s32 $_scs_section_size  }
0x9b: {  	s6 =	simm.s32 $_size__tile_overlayer_lowered;
	s7 =	simm.s32 $_tile_overlayer_lowered  }
0x9c: {  	s22 =	simm.s32 $0x1BFF;
	s21 =	sshll.u32 s7, $0x1;
	s4 =	sadd.s32 s5, s19  }
0x9d: {  	s8 =	simm.s32 $0x0;
	s20 =	sshll.u32 s6, $0x1;
	s6 =	sadd.s32 s21, s4  }
0x9e: {  	[timem:s8], [sflag:s22] =	dma.local [hbm:s6], s20  }
0x9f: {  	_ =	swait.ge [sflag:s22], s20  }
0xa0: {  	s5 =	ssub.s32 $0x0, s20;
	[sflag:s22] =	ssyncset.done $0x0  }
0xa1: {  	[sflag:s22] =	ssyncadd.s32 s5;
	_ =	sdelay $0x1  }
0xa2: {  	s23 =	simm.s32 $0x1B8B  }
0xa3: {  	_ =	swait.ge [sflag:s23], $0x1  }
0xa4: {  	[sflag:s23] =	ssyncset.done $0x0  }
0xa5: {  	s25 =	simm.s32 $0x1B8E;
	s24 =	sld [smem:$0x3FFE];
	[sflag:s23] =	ssyncadd.s32 $0xFFFFFFFF  }
0xa6: {  	s26 =	simm.s32 $execute0_lowered;
	[smem:$0x3FD2] =	sst s25  }
0xa7: {  	s6 =	sshll.u32 s26, $0x1;
	_ =	strace $0x80000046;
	[dreg:$0x1] =	wrdreg $0xFFFFFFFF  }
0xa8: {  	s28 =	simm.s32 $_size_execute0_lowered;
	s4 =	sadd.s32 s4, s6;
	[dreg:$0x0] =	wrdreg $0x0  }
0xa9: {  	s6 =	sshll.u32 s28, $0x1;
	[dreg:$0x2] =	wrdreg s4  }
0xaa: {  	[dreg:$0x3] =	wrdreg s6  }
0xab: {  	[dreg:$0x4] =	wrdreg $0xC0  }
0xac: {  	_ =	task [dreg:s8], $0x5FFFF  }
0xad: {  	[dreg:$0x1] =	wrdreg $0xFFFFFFFF  }
0xae: {  	[dreg:$0x0] =	wrdreg $0x60  }
0xaf: {  	[dreg:$0x2] =	wrdreg s2  }
0xb0: {  	[dreg:$0x3] =	wrdreg s18  }
0xb1: {  	[dreg:$0x4] =	wrdreg s24  }
0xb2: {  	[dreg:$0x5] =	wrdreg $0x1CE800  }
0xb3: {  	[dreg:$0x6] =	wrdreg $0x9  }
0xb4: {  	_ =	task.clear_ibuf [dreg:s8], $0x7FFFF;
	_ =	strace $0x90000046  }
0xb5: {  	s29 =	simm.s32 $0x9;
	_ =	strace $0x80000048  }
0xb6: {  	_ =	swait.ge [sflag:s29], $0x1  }
0xb7: {  	[sflag:s29] =	ssyncadd.s32 $0xFFFFFFFF  }
0xb8: {  	_ =	strace $0x90000048  }
0xb9: {  	_ =	sfence  }
0xba: {  	s30 =	sld [smem:$0x0];
	_ =	sdelay $0x2  }
0xbb: {  	s31 =	sshll.u32 s1, $0xD;
	s1 =	sshrl.u32 s1, $0x2  }
0xbc: {  	s3 =	sand.u32 $0x4000, s31;
	s1 =	sadd.s32 s1, s30  }
0xbd: {  	s0 =	sor.u32 s3, s0;
	s1 =	sshll.u32 s1, $0x11  }
0xbe: {  	s0 =	sor.u32 s1, s0  }
0xbf: {  	s0 =	sadd.s32 $0x8F2B, s0  }
0xc0: {  	[sflag:s0] =	ssyncadd.remote.s32 $0x1  }
0xc1: {  	_ =	sfence.sel $0xFFFF  }
0xc2: {  	[dreg:$0x0] =	wrdreg $0xFFFFFFFF;
	(pc) =	sbr.abs _section_cstart, $3  }
0xc3: {  	[dreg:$0x1] =	wrdreg $0xFFFFFFFF  }
0xc4: {  	_ =	task.clear_ibuf [dreg:s8], $0x2FFFF;
	_ =	strace $0x9FFFFFFF  }
0xc5: {  	(tm) =	ssettm $0x7FFFFFFF  }
tec
execute0_lowered:
.L_overlay_start_1:
0x0: {  	(tag) =	ssettag $0x1  }
0x1: {  	s0 =	rddreg [dreg:$0x0]  }
0x2: {  	s3 =	rddreg [dreg:$0x1]  }
0x3: {  	s4 =	rddreg [dreg:$0x2];
	s1 =	srdreg.scid  }
0x4: {  	s16 =	stileid.u32;
	s6 =	rddreg [dreg:$0x3]  }
0x5: {  	s2 =	simm.s32 $0x0;
	s31 =	simm.s32 $0x3;
	s1 =	sand.u32 $0x1, s1  }
0x6: {  	s7 =	sshll.u32 s16, $0x7;
	[smem:$0x7FF] =	sst s2;
	s10 =	sshll.u32 s16, $0x5  }
0x7: {  	s14 =	sand.u32 $0x3, s16;
	s23 =	sshll.u32 s16, $0x8;
	s5 =	sshll.u32 s1, $0xB  }
0x8: {  	s8 =	sand.u32 $0x400, s7;
	s9 =	sand.u32 $0x380, s7;
	s11 =	smul.u32 $0x186C00, s14  }
0x9: {  	_ =	strace $0x80000047;
	s24 =	ssub.s32 $0x2, s1;
	s13 =	smul.u32 $0x30D8, s14  }
0xa: {  	s1 =	sshll.u32 s1, $0x9;
	s10 =	sand.u32 $0x180, s10;
	s15 =	smul.u32 $0xC36000, s14  }
0xb: {  	p0 =	seq.s32 s14, $0x3;
	s5 =	sor.u32 s5, s8;
	s25 =	sshrl.u32 s24, $0x1  }
0xc: {  	s10 =	sor.u32 s1, s10;
	s1 =	sshll.u32 s14, $0x5;
	s5 =	sor.u32 s9, s5  }
0xd: {  	s8 =	ssub.s32 s24, s25;
	s26 =	sor.u32 s1, s10;
	s12 =	sadd.s32 s11, s0  }
0xe: {  	s18 =	sshrl.u32 s15, $0x3;
	s24 =	sand.u32 $0x800, s23;
	s25 =	sand.u32 $0x200, s7  }
0xf: {  	s28 =	sor.u32 $0x300, s1;
	s29 =	sor.u32 $0x380, s1;
	s30 =	sor.u32 $0x90, s1  }
0x10: {  	s15 =	sor.u32 $0x190, s1;
	s16 =	sor.u32 $0x210, s1;
	s7 =	sor.u32 $0x310, s1  }
0x11: {  	v0 =	vlaneseq.u32;
	s23 =	simm.s32 $0x7;
	s5 =	sshrl.u32 s5, $0x3;
	s12 =	sadd.s32 s10, s12  }
0x12: {  	v58 =	vor.u32 s28, v0;
	v59 =	vor.u32 s29, v0;
	v62 =	vor.u32 s30, v0;
	s29 =	simm.s32 $0xD100;
	s30 =	simm.s32 $0x2;
	s28 =	simm.s32 $0x1CA00  }
0x13: {  	s19 =	sadd.s32 s5, s4;
	s5 =	sshrl.u32 s26, $0x3;
	s17 =	sadd.s32 $0x7A0800, s12  }
0x14: {  	s12 =	sadd.s32 $0xC690, s13;
	s3 =	sadd.s32 s3, s5;
	[dreg:$0x5] =	wrdreg s17  }
0x15: {  	s5 =	sadd.s32 s4, s5;
	s19 =	sadd.s32 $0x200, s19;
	[dreg:$0xc] =	wrdreg s3  }
0x16: {  	s4 =	sor.u32 $0x390, s1;
	[dreg:$0xd] =	wrdreg s5;
	s5 =	sadd.s32 s0, s10  }
0x17: {  	v57 =	vmul.u32 $0x401, v0;
	v11 =	vor.u32 s15, v0;
	s10 =	sor.u32 $0x110, s1;
	s20 =	sadd.s32 $0xC34C00, s5;
	s15 =	rddreg [dreg:$0xc]  }
0x18: {  	v60 =	vor.u32 s1, v0;
	v12 =	vor.u32 s16, v0;
	s21 =	sadd.s32 s5, s11;
	s0 =	sadd.s32 s5, s18;
	s16 =	rddreg [dreg:$0xd]  }
0x19: {  	v61 =	vor.u32 s1, v57;
	[tilespmem:$0x1FFC0] =	vst v60;
	s11 =	sadd.s32 $0xC5C0, s13;
	[dreg:$0x6] =	wrdreg s20;
	s3 =	sadd.s32 $0x61A800, s21  }
0x1a: {  	[tilespmem:$0x1FFD0] =	vst v61;
	s13 =	sadd.s32 $0xC760, s13;
	s22 =	sadd.s32 $0x621000, s0;
	[dreg:$0x7] =	wrdreg s3  }
0x1b: {  	[tilespmem:$0x1FFA0] =	vst v58;
	s0 =	sadd.s32 $0x627800, s0;
	s20 =	smax.u32 s8, $0x1;
	[dreg:$0x8] =	wrdreg s22  }
0x1c: {  	[tilespmem:$0x1FFB0] =	vst v59;
	s8 =	sor.u32 $0x280, s1;
	s21 =	simm.s32 $0x1;
	[dreg:$0x9] =	wrdreg s0  }
0x1d: {  	[tilespmem:$0x1FFE0] =	vst v62;
	v63 =	vor.u32 s10, v0;
	s0 =	sadd.s32 s24, s6;
	s3 =	sor.u32 $0x10, s1;
	s6 =	sor.u32 $0x290, s1  }
0x1e: {  	[tilespmem:$0x1FFF0] =	vst v63;
	v2 =	vor.u32 s8, v0;
	s14 =	sadd.s32 s25, s0;
	s0 =	sadd.s32 s9, s0;
	s9 =	sor.u32 $0x100, s1  }
0x1f: {  	s22 =	simm.s32 $0x80;
	s24 =	simm.s32 $0x14900;
	s25 =	sor.u32 $0x180, s1;
	[tilespmem:$0x1FF90] =	vst v2;
	v54 =	vor.u32 s9, v0  }
0x20: {  	[dreg:$0xa] =	wrdreg s0;
	s26 =	sadd.s32 $0x80, s14;
	s0 =	sor.u32 $0x80, s1;
	v55 =	vor.u32 s25, v0;
	[tilespmem:$0x1FF60] =	vst v54  }
0x21: {  	v14 =	vor.u32 s7, v0;
	s17 =	sadd.s32 $0x100, s14;
	[dreg:$0xb] =	wrdreg s26;
	s26 =	sor.u32 $0x200, s1;
	v1 =	vor.u32 s0, v0;
	[tilespmem:$0x1FF70] =	vst v55  }
0x22: {  	v15 =	vor.u32 s4, v0;
	s18 =	sadd.s32 $0x180, s14;
	s25 =	simm.s32 $0x2000;
	s0 =	simm.s32 $0x400;
	[tilespmem:$0x1FF50] =	vst v1;
	v56 =	vor.u32 s26, v0;
	v1 =	vor.u32 $0x4000, v57  }
0x23: {  	v13 =	vor.u32 s6, v0;
	v16 =	vor.u32 s3, v0;
	s1 =	simm.s32 $0x4;
	s26 =	simm.s32 $0x6;
	[tilespmem:$0x1FF80] =	vst v56;
	v17 =	vor.u32 s3, v1;
	s3 =	simm.s32 $0x0  }
.LBB2_1:
0x24: {  	[tilespmem:s2], [sflag:$0x1] =	stream.linear.gather [hbm4b:s15+s2], $0x20, $0x38;
	[tilespmem:$0x1CF80] =	vst v63  }
0x25: {  	_ =	swait.ge [sflag:s21], $0x20  }
0x26: {  	[sflag:s21] =	ssyncset.done $0x0  }
0x27: {  	[sflag:s21] =	ssyncadd.s32 $0xFFFFFFE0  }
0x28: {  	[tilespmem:s22], [sflag:$0x7] =	stream.linear.gather [hbm4b:s16+s2], $0x20, $0x38;
	[tilespmem:$0x1CF80] =	vst v63  }
0x29: {  	_ =	swait.ge [sflag:s23], $0x20  }
0x2a: {  	[sflag:s23] =	ssyncset.done $0x0  }
0x2b: {  	[sflag:s23] =	ssyncadd.s32 $0xFFFFFFE0  }
0x2c: {  	v0 =	vld [tilespmem:$0x0];
	_ =	sdelay $0x4  }
0x2d: {  	v0 =	vshll.u32 v0, $0x7  }
0x2e: {  	(v2sf) =	vpush v0, $0x0;
	_ =	sdelay $0x1  }
0x2f: {  	(v2sf) =	vpush v0, $0x1;
	_ =	sdelay $0x1  }
0x30: {  	(v2sf) =	vpush v0, $0x2;
	_ =	sdelay $0x8  }
0x31: {  	(v2sf) =	vpush v0, $0x3;
	_ =	sdelay $0x1  }
0x32: {  	s4 =	spop (v2sf);
	(v2sf) =	vpush v0, $0x4;
	_ =	sdelay $0x1  }
0x33: {  	s8 =	spop (v2sf);
	(v2sf) =	vpush v0, $0x5;
	_ =	sdelay $0x1  }
0x34: {  	s9 =	spop (v2sf);
	(v2sf) =	vpush v0, $0x6;
	_ =	sdelay $0x1  }
0x35: {  	s4 =	sand.u32 $0xFFFFC00, s4  }
0x36: {  	s4 =	sadd.s32 s4, s5;
	(v2sf) =	vpush v0, $0x7  }
0x37: {  	[tilespmem:s24], [sflag:$0x6] =	stream.linear.gather [hbm4b:s4+s2], $0x400, $0x38;
	[tilespmem:$0x1CF80] =	vst v63  }
0x38: {  	s4 =	sand.u32 $0xFFFFC00, s8  }
0x39: {  	s6 =	simm.s32 $0x14D00;
	s4 =	sadd.s32 s4, s5  }
0x3a: {  	[tilespmem:s6], [sflag:$0x6] =	stream.linear.gather [hbm4b:s4+s2], $0x400, $0x38;
	[tilespmem:$0x1CF80] =	vst v63  }
0x3b: {  	s4 =	sand.u32 $0xFFFFC00, s9  }
0x3c: {  	s10 =	simm.s32 $0x15100;
	s7 =	spop (v2sf);
	s4 =	sadd.s32 s4, s5  }
0x3d: {  	[tilespmem:s10], [sflag:$0x6] =	stream.linear.gather [hbm4b:s4+s2], $0x400, $0x38;
	[tilespmem:$0x1CF80] =	vst v63  }
0x3e: {  	s9 =	spop (v2sf);
	(v2sf) =	vpush v0, $0x8  }
0x3f: {  	s4 =	sand.u32 $0xFFFFC00, s7  }
0x40: {  	s8 =	simm.s32 $0x15500;
	s4 =	sadd.s32 s4, s5;
	s7 =	spop (v2sf);
	(v2sf) =	vpush v0, $0x9  }
0x41: {  	[tilespmem:s8], [sflag:$0x6] =	stream.linear.gather [hbm4b:s4+s2], $0x400, $0x38;
	[tilespmem:$0x1CF80] =	vst v63  }
0x42: {  	s4 =	sand.u32 $0xFFFFC00, s9;
	s9 =	spop (v2sf);
	(v2sf) =	vpush v0, $0xA  }
0x43: {  	s10 =	simm.s32 $0x15900;
	s4 =	sadd.s32 s4, s5  }
0x44: {  	[tilespmem:s10], [sflag:$0x6] =	stream.linear.gather [hbm4b:s4+s2], $0x400, $0x38;
	[tilespmem:$0x1CF80] =	vst v63  }
0x45: {  	s4 =	sand.u32 $0xFFFFC00, s7;
	s7 =	spop (v2sf);
	(v2sf) =	vpush v0, $0xB;
	_ =	sdelay $0x1  }
0x46: {  	s8 =	simm.s32 $0x15D00;
	s4 =	sadd.s32 s4, s5  }
0x47: {  	[tilespmem:s8], [sflag:$0x6] =	stream.linear.gather [hbm4b:s4+s2], $0x400, $0x38;
	[tilespmem:$0x1CF80] =	vst v63  }
0x48: {  	s4 =	sand.u32 $0xFFFFC00, s9  }
0x49: {  	s10 =	simm.s32 $0x16100;
	s4 =	sadd.s32 s4, s5  }
0x4a: {  	[tilespmem:s10], [sflag:$0x6] =	stream.linear.gather [hbm4b:s4+s2], $0x400, $0x38;
	[tilespmem:$0x1CF80] =	vst v63  }
0x4b: {  	s4 =	sand.u32 $0xFFFFC00, s7  }
0x4c: {  	s8 =	simm.s32 $0x16500;
	s4 =	sadd.s32 s4, s5;
	s9 =	spop (v2sf);
	(v2sf) =	vpush v0, $0xC  }
0x4d: {  	[tilespmem:s8], [sflag:$0x6] =	stream.linear.gather [hbm4b:s4+s2], $0x400, $0x38;
	[tilespmem:$0x1CF80] =	vst v63  }
0x4e: {  	s7 =	spop (v2sf);
	(v2sf) =	vpush v0, $0xD  }
0x4f: {  	s4 =	sand.u32 $0xFFFFC00, s9  }
0x50: {  	s10 =	simm.s32 $0x16900;
	s4 =	sadd.s32 s4, s5;
	s9 =	spop (v2sf)  }
0x51: {  	(v2sf) =	vpush v0, $0xE;
	[tilespmem:s10], [sflag:$0x6] =	stream.linear.gather [hbm4b:s4+s2], $0x400, $0x38;
	[tilespmem:$0x1CF80] =	vst v63  }
0x52: {  	s4 =	sand.u32 $0xFFFFC00, s7  }
0x53: {  	s8 =	simm.s32 $0x16D00;
	s7 =	spop (v2sf);
	s4 =	sadd.s32 s4, s5  }
0x54: {  	(v2sf) =	vpush v0, $0xF;
	[tilespmem:s8], [sflag:$0x6] =	stream.linear.gather [hbm4b:s4+s2], $0x400, $0x38;
	[tilespmem:$0x1CF80] =	vst v63  }
0x55: {  	s4 =	sand.u32 $0xFFFFC00, s9  }
0x56: {  	s10 =	simm.s32 $0x17100;
	s4 =	sadd.s32 s4, s5  }
0x57: {  	[tilespmem:s10], [sflag:$0x6] =	stream.linear.gather [hbm4b:s4+s2], $0x400, $0x38;
	[tilespmem:$0x1CF80] =	vst v63  }
0x58: {  	s4 =	sand.u32 $0xFFFFC00, s7  }
0x59: {  	s8 =	simm.s32 $0x17500;
	s4 =	sadd.s32 s4, s5  }
0x5a: {  	[tilespmem:s8], [sflag:$0x6] =	stream.linear.gather [hbm4b:s4+s2], $0x400, $0x38;
	[tilespmem:$0x1CF80] =	vst v63  }
0x5b: {  	s9 =	spop (v2sf)  }
0x5c: {  	s4 =	sand.u32 $0xFFFFC00, s9  }
0x5d: {  	s10 =	simm.s32 $0x17900;
	s7 =	spop (v2sf);
	s4 =	sadd.s32 s4, s5  }
0x5e: {  	[tilespmem:s10], [sflag:$0x6] =	stream.linear.gather [hbm4b:s4+s2], $0x400, $0x38;
	[tilespmem:$0x1CF80] =	vst v63  }
0x5f: {  	s4 =	sand.u32 $0xFFFFC00, s7  }
0x60: {  	s8 =	simm.s32 $0x17D00;
	s9 =	spop (v2sf);
	s4 =	sadd.s32 s4, s5  }
0x61: {  	[tilespmem:s8], [sflag:$0x6] =	stream.linear.gather [hbm4b:s4+s2], $0x400, $0x38;
	[tilespmem:$0x1CF80] =	vst v63  }
0x62: {  	s4 =	sand.u32 $0xFFFFC00, s9  }
0x63: {  	s10 =	simm.s32 $0x18100;
	s7 =	spop (v2sf);
	s4 =	sadd.s32 s4, s5  }
0x64: {  	[tilespmem:s10], [sflag:$0x6] =	stream.linear.gather [hbm4b:s4+s2], $0x400, $0x38;
	[tilespmem:$0x1CF80] =	vst v63  }
0x65: {  	s4 =	sand.u32 $0xFFFFC00, s7  }
0x66: {  	s8 =	simm.s32 $0x18500;
	s4 =	sadd.s32 s4, s5  }
0x67: {  	[tilespmem:s8], [sflag:$0x6] =	stream.linear.gather [hbm4b:s4+s2], $0x400, $0x38;
	[tilespmem:$0x1CF80] =	vst v63  }
0x68: {  	v63 =	vld [tilespmem:$0x10];
	_ =	sdelay $0x4  }
0x69: {  	v0 =	vshll.u32 v63, $0x7  }
0x6a: {  	(v2sf) =	vpush v0, $0x0;
	_ =	sdelay $0x2  }
0x6b: {  	(v2sf) =	vpush v0, $0x1  }
0x6c: {  	(v2sf) =	vpush v0, $0x2;
	_ =	sdelay $0x2  }
0x6d: {  	(v2sf) =	vpush v0, $0x3;
	_ =	sdelay $0x1  }
0x6e: {  	(v2sf) =	vpush v0, $0x4;
	_ =	sdelay $0x5  }
0x6f: {  	s9 =	spop (v2sf);
	(v2sf) =	vpush v0, $0x5;
	_ =	sdelay $0x2  }
0x70: {  	s4 =	sand.u32 $0xFFFFC00, s9;
	s7 =	spop (v2sf)  }
0x71: {  	s10 =	simm.s32 $0x18900;
	s4 =	sadd.s32 s4, s5;
	s9 =	spop (v2sf);
	(v2sf) =	vpush v0, $0x6  }
0x72: {  	[tilespmem:s10], [sflag:$0x6] =	stream.linear.gather [hbm4b:s4+s2], $0x400, $0x38;
	[tilespmem:$0x1CF80] =	vst v63  }
0x73: {  	s4 =	sand.u32 $0xFFFFC00, s7  }
0x74: {  	s8 =	simm.s32 $0x18D00;
	s7 =	spop (v2sf);
	(v2sf) =	vpush v0, $0x7;
	s4 =	sadd.s32 s4, s5  }
0x75: {  	[tilespmem:s8], [sflag:$0x6] =	stream.linear.gather [hbm4b:s4+s2], $0x400, $0x38;
	[tilespmem:$0x1CF80] =	vst v63  }
0x76: {  	s4 =	sand.u32 $0xFFFFC00, s9;
	s9 =	spop (v2sf);
	(v2sf) =	vpush v0, $0x8  }
0x77: {  	s10 =	simm.s32 $0x19100;
	s4 =	sadd.s32 s4, s5  }
0x78: {  	[tilespmem:s10], [sflag:$0x6] =	stream.linear.gather [hbm4b:s4+s2], $0x400, $0x38;
	[tilespmem:$0x1CF80] =	vst v63  }
0x79: {  	s4 =	sand.u32 $0xFFFFC00, s7  }
0x7a: {  	s8 =	simm.s32 $0x19500;
	s4 =	sadd.s32 s4, s5  }
0x7b: {  	[tilespmem:s8], [sflag:$0x6] =	stream.linear.gather [hbm4b:s4+s2], $0x400, $0x38;
	[tilespmem:$0x1CF80] =	vst v63  }
0x7c: {  	s7 =	spop (v2sf);
	(v2sf) =	vpush v0, $0x9  }
0x7d: {  	s4 =	sand.u32 $0xFFFFC00, s9  }
0x7e: {  	s10 =	simm.s32 $0x19900;
	s4 =	sadd.s32 s4, s5;
	(v2sf) =	vpush v0, $0xA  }
0x7f: {  	[tilespmem:s10], [sflag:$0x6] =	stream.linear.gather [hbm4b:s4+s2], $0x400, $0x38;
	[tilespmem:$0x1CF80] =	vst v63  }
0x80: {  	s4 =	sand.u32 $0xFFFFC00, s7;
	s9 =	spop (v2sf);
	(v2sf) =	vpush v0, $0xB  }
0x81: {  	s8 =	simm.s32 $0x19D00;
	s4 =	sadd.s32 s4, s5  }
0x82: {  	[tilespmem:s8], [sflag:$0x6] =	stream.linear.gather [hbm4b:s4+s2], $0x400, $0x38;
	[tilespmem:$0x1CF80] =	vst v63  }
0x83: {  	s7 =	spop (v2sf);
	(v2sf) =	vpush v0, $0xC  }
0x84: {  	s4 =	sand.u32 $0xFFFFC00, s9  }
0x85: {  	s10 =	simm.s32 $0x1A100;
	s4 =	sadd.s32 s4, s5;
	s9 =	spop (v2sf);
	(v2sf) =	vpush v0, $0xD  }
0x86: {  	[tilespmem:s10], [sflag:$0x6] =	stream.linear.gather [hbm4b:s4+s2], $0x400, $0x38;
	[tilespmem:$0x1CF80] =	vst v63  }
0x87: {  	s4 =	sand.u32 $0xFFFFC00, s7  }
0x88: {  	s8 =	simm.s32 $0x1A500;
	s4 =	sadd.s32 s4, s5  }
0x89: {  	[tilespmem:s8], [sflag:$0x6] =	stream.linear.gather [hbm4b:s4+s2], $0x400, $0x38;
	[tilespmem:$0x1CF80] =	vst v63  }
0x8a: {  	s4 =	sand.u32 $0xFFFFC00, s9  }
0x8b: {  	s10 =	simm.s32 $0x1A900;
	s4 =	sadd.s32 s4, s5;
	s7 =	spop (v2sf);
	(v2sf) =	vpush v0, $0xE  }
0x8c: {  	[tilespmem:s10], [sflag:$0x6] =	stream.linear.gather [hbm4b:s4+s2], $0x400, $0x38;
	[tilespmem:$0x1CF80] =	vst v63  }
0x8d: {  	s9 =	spop (v2sf);
	(v2sf) =	vpush v0, $0xF  }
0x8e: {  	s4 =	sand.u32 $0xFFFFC00, s7  }
0x8f: {  	s8 =	simm.s32 $0x1AD00;
	s4 =	sadd.s32 s4, s5;
	s10 =	spop (v2sf)  }
0x90: {  	[tilespmem:s8], [sflag:$0x6] =	stream.linear.gather [hbm4b:s4+s2], $0x400, $0x38;
	[tilespmem:$0x1CF80] =	vst v63  }
0x91: {  	s7 =	simm.s32 $0x1B100;
	s4 =	sand.u32 $0xFFFFC00, s9;
	s8 =	sand.u32 $0xFFFFC00, s10  }
0x92: {  	s9 =	spop (v2sf);
	s10 =	simm.s32 $0x1B500;
	s4 =	sadd.s32 s4, s5  }
0x93: {  	[tilespmem:s7], [sflag:$0x6] =	stream.linear.gather [hbm4b:s4+s2], $0x400, $0x38;
	[tilespmem:$0x1CF80] =	vst v63  }
0x94: {  	s4 =	sadd.s32 s8, s5;
	s8 =	sand.u32 $0xFFFFC00, s9;
	s9 =	spop (v2sf)  }
0x95: {  	[tilespmem:s10], [sflag:$0x6] =	stream.linear.gather [hbm4b:s4+s2], $0x400, $0x38;
	[tilespmem:$0x1CF80] =	vst v63  }
0x96: {  	s4 =	sadd.s32 s8, s5;
	s10 =	simm.s32 $0x1B900;
	s8 =	sand.u32 $0xFFFFC00, s9  }
0x97: {  	[tilespmem:s10], [sflag:$0x6] =	stream.linear.gather [hbm4b:s4+s2], $0x400, $0x38;
	[tilespmem:$0x1CF80] =	vst v63  }
0x98: {  	s4 =	sadd.s32 s8, s5;
	s10 =	simm.s32 $0x1BD00  }
0x99: {  	[tilespmem:s10], [sflag:$0x6] =	stream.linear.gather [hbm4b:s4+s2], $0x400, $0x38;
	[tilespmem:$0x1CF80] =	vst v63  }
0x9a: {  	s9 =	spop (v2sf)  }
0x9b: {  	s7 =	sand.u32 $0xFFFFC00, s9  }
0x9c: {  	s8 =	simm.s32 $0x1C100;
	s9 =	spop (v2sf);
	s4 =	sadd.s32 s7, s5  }
0x9d: {  	[tilespmem:s8], [sflag:$0x6] =	stream.linear.gather [hbm4b:s4+s2], $0x400, $0x38;
	[tilespmem:$0x1CF80] =	vst v63  }
0x9e: {  	s4 =	sand.u32 $0xFFFFC00, s9  }
0x9f: {  	s10 =	simm.s32 $0x1C500;
	s7 =	rddreg [dreg:$0x6];
	s4 =	sadd.s32 s4, s5  }
0xa0: {  	[tilespmem:s10], [sflag:$0x6] =	stream.linear.gather [hbm4b:s4+s2], $0x400, $0x38;
	[tilespmem:$0x1CF80] =	vst v63  }
0xa1: {  	s6 =	simm.s32 @p0 $0x14500;
	s8 =	rddreg [dreg:$0x5];
	s4 =	simm.s32 @p0 $0x0  }
0xa2: {  	[tilespmem:s6], [sflag:$0x5] =	stream.linear.gather @p0 [hbm4b:s7+s4], $0x400, $0x38;
	[tilespmem:$0x1CF80] =	vst v63  }
0xa3: {  	s4 =	simm.s32 @!p0 $0x400;
	s6 =	simm.s32 @!p0 $0x2000;
	s7 =	simm.s32 @!p0 $0x13900  }
0xa4: {  	[tilespmem:s7], [sflag:$0x5] =	stream.strided.gather @!p0 [hbm4b:s8+s4], $0xC00, s6, s4, $0x38;
	[tilespmem:$0x1CF80] =	vst v63  }
0xa5: {  	v18 =	vimm.f32 $-Inf;
	s6 =	rddreg [dreg:$0x7];
	s7 =	simm.s32 $0x100  }
0xa6: {  	v32 =	vimm.f32 $-Inf;
	v30 =	vimm.f32 $-Inf;
	v22 =	vimm.f32 $-Inf;
	[tilespmem:s7], [sflag:$0x2] =	stream.strided.gather [hbm4b:s6+s0], $0x6800, s25, s0, $0x38;
	[tilespmem:$0x1CF80] =	vst v63  }
0xa7: {  	v25 =	vimm.f32 $-Inf;
	v20 =	vimm.f32 $-Inf;
	v31 =	vimm.f32 $-Inf;
	s9 =	simm.s32 $0x6900;
	s8 =	rddreg [dreg:$0x8]  }
0xa8: {  	v23 =	vimm.f32 $-Inf;
	v19 =	vimm.f32 $-Inf;
	v21 =	vimm.f32 $-Inf;
	[tilespmem:s9], [sflag:$0x3] =	stream.strided.gather [hbm4b:s8+s0], $0x6800, s25, s0, $0x38;
	[tilespmem:$0x1CF80] =	vst v63  }
0xa9: {  	v26 =	vimm.f32 $-Inf;
	v28 =	vimm.f32 $-Inf;
	v27 =	vimm.f32 $-Inf;
	s10 =	rddreg [dreg:$0x9];
	s4 =	simm.s32 $0x0  }
0xaa: {  	v29 =	vimm.f32 $-Inf;
	v33 =	vimm.f32 $-Inf;
	v24 =	vimm.f32 $-Inf;
	[tilespmem:s29], [sflag:$0x4] =	stream.strided.gather [hbm4b:s10+s0], $0x6800, s25, s0, $0x38;
	[tilespmem:$0x1CF80] =	vst v63  }
.LBB2_2:
0xab: {  	_ =	swait.ge [sflag:s30], $0x6800  }
0xac: {  	[sflag:s30] =	ssyncset.done $0x0  }
0xad: {  	s7 =	simm.s32 $0x200;
	[sflag:s30] =	ssyncadd.s32 $0xFFFF9800  }
0xae: {  	v34 =	vld [tilespmem:s7+$0x20]  }
0xaf: {  	v0 =	vld [tilespmem:s7+$0x80]  }
0xb0: {  	v1 =	vld [tilespmem:s7+$0x70]  }
0xb1: {  	v2 =	vld [tilespmem:s7+$0xFFFFFFF0]  }
0xb2: {  	v5 =	vld [tilespmem:s7+$0xFFFFFF00]  }
0xb3: {  	v38 =	vld [tilespmem:s7+$0xFFFFFF70]  }
0xb4: {  	v42 =	vld [tilespmem:s7+$0xFFFFFF50]  }
0xb5: {  	v50 =	vld [tilespmem:s7+$0xFFFFFF40]  }
0xb6: {  	v52 =	vld [tilespmem:s7+$0xFFFFFF20]  }
0xb7: {  	v4 =	vld [tilespmem:s7+$0xFFFFFF80]  }
0xb8: {  	v3 =	vld [tilespmem:s7+$0x0]  }
0xb9: {  	v49 =	vld [tilespmem:s7+$0xE0];
	v37 =	vmin.f32 v24, v5;
	v5 =	vmax.f32 v24, v5  }
0xba: {  	v35 =	vld [tilespmem:s7+$0xF0];
	v40 =	vmin.f32 v19, v38;
	v19 =	vmax.f32 v19, v38;
	v43 =	vmax.f32 v26, v42  }
0xbb: {  	v36 =	vld [tilespmem:s7+$0xFFFFFFC0];
	v41 =	vmax.f32 v28, v50;
	v48 =	vmax.f32 v29, v52;
	v23 =	vmax.f32 v23, v37  }
0xbc: {  	v51 =	vld [tilespmem:s7+$0xFFFFFF30];
	v39 =	vmin.f32 v5, v4;
	v4 =	vmax.f32 v5, v4;
	v18 =	vmax.f32 v18, v40  }
0xbd: {  	v37 =	vld [tilespmem:s7+$0xFFFFFFD0];
	v5 =	vmax.f32 v23, v39;
	v23 =	vmin.f32 v4, v3;
	v3 =	vmax.f32 v4, v3  }
0xbe: {  	v4 =	vld [tilespmem:s7+$0xFFFFFF60];
	v5 =	vmax.f32 v5, v23;
	v23 =	vmin.f32 v19, v2;
	v2 =	vmax.f32 v19, v2  }
0xbf: {  	v63 =	vld [tilespmem:s7+$0xFFFFFFE0];
	v29 =	vmin.f32 v29, v52;
	v18 =	vmax.f32 v18, v23;
	v19 =	vmin.f32 v2, v1  }
0xc0: {  	v45 =	vld [tilespmem:s7+$0xFFFFFFA0];
	v28 =	vmin.f32 v28, v50;
	v1 =	vmax.f32 v2, v1;
	v2 =	vmax.f32 v18, v19  }
0xc1: {  	v24 =	vld [tilespmem:s7+$0x60];
	v18 =	vmin.f32 v1, v35;
	v19 =	vmax.f32 v1, v35;
	v1 =	vmin.f32 v3, v0  }
0xc2: {  	v35 =	vmax.f32 v3, v0;
	v0 =	vld [tilespmem:s7+$0xFFFFFF10];
	v23 =	vmax.f32 v2, v18;
	v38 =	vmin.f32 v43, v37  }
0xc3: {  	v44 =	vld [tilespmem:s7+$0xFFFFFF90];
	v18 =	vmax.f32 v27, v51;
	v2 =	vmin.f32 v21, v4;
	v3 =	vmax.f32 v21, v4  }
0xc4: {  	v47 =	vld [tilespmem:s7+$0x30];
	v21 =	vmax.f32 v5, v1;
	v1 =	vmax.f32 v32, v2;
	v2 =	vmin.f32 v3, v63  }
0xc5: {  	v39 =	vld [tilespmem:s7+$0x50];
	v40 =	vmax.f32 v1, v2;
	v1 =	vmax.f32 v3, v63;
	v2 =	vmin.f32 v26, v42  }
0xc6: {  	v26 =	vmax.f32 v41, v36;
	v42 =	vmin.f32 v1, v24;
	v4 =	vmax.f32 v1, v24;
	v1 =	vld [tilespmem:s7+$0xFFFFFFB0]  }
0xc7: {  	v32 =	vld [tilespmem:s7+$0xD0];
	v3 =	vmin.f32 v33, v0;
	v46 =	vmax.f32 v33, v0;
	v33 =	vmax.f32 v30, v2  }
0xc8: {  	v2 =	vmin.f32 v27, v51;
	v27 =	vld [tilespmem:s7+$0xA0];
	v24 =	vmax.f32 v4, v49;
	v3 =	vmax.f32 v31, v3  }
0xc9: {  	s6 =	simm.s32 $0x0;
	s8 =	simm.s32 $0x400;
	v0 =	vld [tilespmem:s7+$0xB0];
	v31 =	vmin.f32 v48, v45;
	v30 =	vmin.f32 v4, v49;
	v4 =	vmin.f32 v46, v44  }
.LBB2_3:
0xca: {  	v5 =	vld [tilespmem:s8+$0x20];
	s6 =	sadd.s32 $0x4, s6;
	v3 =	vmax.f32 v3, v4;
	v4 =	vmax.f32 v48, v45;
	v37 =	vmax.f32 v43, v37  }
0xcb: {  	p1 =	slt.u32 s6, $0xCC;
	v43 =	vmin.f32 v18, v1;
	v1 =	vmax.f32 v18, v1;
	v45 =	vld [tilespmem:s7+$0x10];
	v48 =	vmax.f32 v37, v39  }
0xcc: {  	v2 =	vmax.f32 v25, v2;
	v25 =	vmin.f32 v1, v47;
	v49 =	vld [tilespmem:s7+$0xC0];
	v50 =	vmax.f32 v48, v32  }
0xcd: {  	v44 =	vmax.f32 v46, v44;
	v40 =	vmax.f32 v40, v42;
	v1 =	vmax.f32 v1, v47;
	v46 =	vld [tilespmem:s7+$0x40]  }
0xce: {  	v36 =	vmin.f32 v41, v36;
	v41 =	vld [tilespmem:s7+$0x90];
	v42 =	vmin.f32 v1, v0;
	v18 =	vmax.f32 v1, v0;
	s7 =	smov.u32 s8  }
0xcf: {  	v1 =	vmax.f32 v22, v28;
	v22 =	vmax.f32 v33, v38;
	v28 =	vmax.f32 v4, v34;
	v0 =	vld [tilespmem:s8+$0x80]  }
0xd0: {  	v32 =	vmin.f32 v48, v32;
	v51 =	vmax.f32 v28, v27;
	v33 =	vld [tilespmem:s8+$0x70];
	v38 =	vmin.f32 v44, v45  }
0xd1: {  	v20 =	vmax.f32 v20, v29;
	v29 =	vmin.f32 v37, v39;
	v27 =	vmin.f32 v28, v27;
	v47 =	vld [tilespmem:s8+$0xFFFFFFF0]  }
0xd2: {  	v37 =	vmax.f32 v44, v45;
	v3 =	vmax.f32 v3, v38;
	v28 =	vld [tilespmem:s8+$0x0];
	v38 =	vmin.f32 v26, v46  }
0xd3: {  	v20 =	vmax.f32 v20, v31;
	v26 =	vmax.f32 v26, v46;
	v39 =	vld [tilespmem:s8+$0xFFFFFF80];
	v31 =	vmin.f32 v37, v41  }
0xd4: {  	v4 =	vmin.f32 v4, v34;
	v34 =	vmovc v5;
	v52 =	vmax.f32 v26, v49;
	v44 =	vld [tilespmem:s8+$0xFFFFFF00];
	v3 =	vmax.f32 v3, v31  }
0xd5: {  	v1 =	vmax.f32 v1, v36;
	v4 =	vmax.f32 v20, v4;
	v31 =	vmax.f32 v37, v41;
	v5 =	vld [tilespmem:s8+$0xE0]  }
0xd6: {  	v2 =	vmax.f32 v2, v43;
	v20 =	vmax.f32 v4, v27;
	v4 =	vmin.f32 v26, v49;
	v41 =	vld [tilespmem:s8+$0xF0]  }
0xd7: {  	v2 =	vmax.f32 v2, v25;
	v27 =	vmax.f32 v22, v29;
	v1 =	vmax.f32 v1, v38;
	v26 =	vld [tilespmem:s8+$0xFFFFFF70]  }
0xd8: {  	v25 =	vmax.f32 v2, v42;
	v22 =	vmax.f32 v1, v4;
	v1 =	vmax.f32 v40, v30;
	v36 =	vld [tilespmem:s8+$0xFFFFFFC0]  }
0xd9: {  	v27 =	vmax.f32 v27, v32;
	v2 =	vmin.f32 v35, v44;
	v4 =	vmax.f32 v35, v44;
	v29 =	vld [tilespmem:s8+$0x60]  }
0xda: {  	v2 =	vmax.f32 v21, v2;
	v21 =	vmin.f32 v4, v39;
	v4 =	vmax.f32 v4, v39;
	v37 =	vld [tilespmem:s8+$0xFFFFFFD0]  }
0xdb: {  	v2 =	vmax.f32 v2, v21;
	v30 =	vld [tilespmem:s8+$0xFFFFFFE0];
	v21 =	vmin.f32 v4, v28;
	v4 =	vmax.f32 v4, v28  }
0xdc: {  	v28 =	vld [tilespmem:s8+$0xFFFFFF60];
	v32 =	vmin.f32 v19, v26;
	v19 =	vmax.f32 v19, v26;
	v2 =	vmax.f32 v2, v21  }
0xdd: {  	v26 =	vld [tilespmem:s8+$0xFFFFFF50];
	v21 =	vmax.f32 v23, v32;
	v23 =	vmin.f32 v19, v47;
	v19 =	vmax.f32 v19, v47  }
0xde: {  	v49 =	vld [tilespmem:s8+$0xFFFFFF40];
	v21 =	vmax.f32 v21, v23;
	v23 =	vmin.f32 v19, v33;
	v19 =	vmax.f32 v19, v33  }
0xdf: {  	v53 =	vld [tilespmem:s8+$0xFFFFFF30];
	v21 =	vmax.f32 v21, v23;
	v23 =	vmin.f32 v19, v41;
	v19 =	vmax.f32 v19, v41  }
0xe0: {  	v35 =	vmax.f32 v4, v0;
	v32 =	vmin.f32 v4, v0;
	v54 =	vld [tilespmem:s8+$0xFFFFFF20];
	v23 =	vmax.f32 v21, v23  }
0xe1: {  	v21 =	vmax.f32 v2, v32;
	v0 =	vld [tilespmem:s8+$0xFFFFFF10];
	v4 =	vmin.f32 v24, v28;
	v24 =	vmax.f32 v24, v28  }
0xe2: {  	v43 =	vmax.f32 v50, v26;
	v1 =	vmax.f32 v1, v4;
	v45 =	vld [tilespmem:s8+$0xFFFFFFA0];
	v2 =	vmin.f32 v24, v30  }
0xe3: {  	v38 =	vmin.f32 v43, v37;
	v40 =	vmax.f32 v1, v2;
	v1 =	vmax.f32 v24, v30;
	v32 =	vld [tilespmem:s8+$0xD0]  }
0xe4: {  	v41 =	vmax.f32 v52, v49;
	v2 =	vmin.f32 v50, v26;
	v44 =	vld [tilespmem:s8+$0xFFFFFF90];
	v42 =	vmin.f32 v1, v29  }
.Ltmp0:
0xe5: {  	v26 =	vmax.f32 v41, v36;
	v4 =	vmax.f32 v1, v29;
	v48 =	vmax.f32 v51, v54;
	v39 =	vld [tilespmem:s8+$0x50];
	(pc) =	sbr.rel @p1 .LBB2_3-.Ltmp0, $4  }
0xe6: {  	v24 =	vmax.f32 v4, v5;
	v28 =	vmin.f32 v31, v0;
	v46 =	vmax.f32 v31, v0;
	v1 =	vld [tilespmem:s8+$0xFFFFFFB0]  }
0xe7: {  	v33 =	vmax.f32 v27, v2;
	v3 =	vmax.f32 v3, v28;
	v31 =	vmin.f32 v48, v45;
	v47 =	vld [tilespmem:s8+$0x30]  }
0xe8: {  	v2 =	vmin.f32 v18, v53;
	v18 =	vmax.f32 v18, v53;
	v30 =	vmin.f32 v4, v5;
	v27 =	vld [tilespmem:s8+$0xA0]  }
0xe9: {  	v29 =	vmin.f32 v51, v54;
	v28 =	vmin.f32 v52, v49;
	s8 =	sadd.s32 $0x200, s8;
	v4 =	vmin.f32 v46, v44;
	v0 =	vld [tilespmem:s7+$0xB0]  }
0xea: {  	p1 =	seq.s32 s4, $0x13  }
0xeb: {  	v5 =	vld [tilespmem:s7+$0x10];
	s6 =	smul.u32 @!p1 $0x270, s4  }
0xec: {  	v49 =	vld [tilespmem:s7+$0xC0]  }
0xed: {  	v50 =	vld [tilespmem:s7+$0x40];
	s8 =	sadd.s32 @!p1 s6, s11  }
0xee: {  	v51 =	vld [tilespmem:s7+$0x90];
	s7 =	simm.s32 @!p1 $0x400;
	s8 =	sshll.u32 @!p1 s8, $0x7  }
0xef: {  	s9 =	simm.s32 @!p1 $0x2000;
	s10 =	simm.s32 @!p1 $0x100;
	s8 =	sadd.s32 @!p1 s8, s5  }
0xf0: {  	v3 =	vmax.f32 v3, v4;
	v4 =	vmax.f32 v48, v45;
	v37 =	vmax.f32 v43, v37;
	[tilespmem:s10], [sflag:$0x2] =	stream.strided.gather @!p1 [hbm4b:s8+s7], $0x6800, s9, s7, $0x38;
	[tilespmem:$0x1CF80] =	vst v63  }
0xf1: {  	v2 =	vmax.f32 v25, v2;
	v44 =	vmax.f32 v46, v44;
	v40 =	vmax.f32 v40, v42;
	_ =	swait.ge [sflag:s31], $0x6800  }
0xf2: {  	v20 =	vmax.f32 v20, v29;
	v58 =	vmin.f32 v18, v1;
	v1 =	vmax.f32 v18, v1;
	[sflag:s31] =	ssyncset.done $0x0  }
0xf3: {  	v25 =	vmax.f32 v37, v39;
	v20 =	vmax.f32 v20, v31;
	v59 =	vmin.f32 v1, v47;
	s7 =	simm.s32 $0x6A00;
	[sflag:s31] =	ssyncadd.s32 $0xFFFF9800  }
0xf4: {  	v1 =	vmax.f32 v1, v47;
	v46 =	vmax.f32 v25, v32;
	v63 =	vmin.f32 v25, v32;
	v18 =	vld [tilespmem:s7+$0x20]  }
0xf5: {  	v60 =	vmin.f32 v1, v0;
	v1 =	vmax.f32 v1, v0;
	v0 =	vmax.f32 v22, v28;
	v61 =	vld [tilespmem:s7+$0x80]  }
0xf6: {  	v28 =	vmax.f32 v4, v34;
	v4 =	vmin.f32 v4, v34;
	v62 =	vmin.f32 v44, v5;
	v29 =	vld [tilespmem:s7+$0x70]  }
0xf7: {  	v52 =	vmax.f32 v28, v27;
	v25 =	vmin.f32 v28, v27;
	v5 =	vmax.f32 v44, v5;
	v42 =	vld [tilespmem:s7+$0xFFFFFFF0]  }
0xf8: {  	v27 =	vmin.f32 v26, v50;
	v3 =	vmax.f32 v3, v62;
	v28 =	vmin.f32 v5, v51;
	v44 =	vld [tilespmem:s7+$0x0]  }
0xf9: {  	v26 =	vmax.f32 v26, v50;
	v4 =	vmax.f32 v20, v4;
	v3 =	vmax.f32 v3, v28;
	v28 =	vld [tilespmem:s7+$0xFFFFFF00]  }
0xfa: {  	v50 =	vmax.f32 v26, v49;
	v25 =	vmax.f32 v4, v25;
	v4 =	vmin.f32 v26, v49;
	v49 =	vld [tilespmem:s7+$0xFFFFFF70]  }
0xfb: {  	v36 =	vmin.f32 v41, v36;
	v37 =	vmin.f32 v37, v39;
	v2 =	vmax.f32 v2, v58;
	v55 =	vld [tilespmem:s7+$0xFFFFFF50]  }
0xfc: {  	v2 =	vmax.f32 v2, v59;
	v22 =	vmax.f32 v33, v38;
	v0 =	vmax.f32 v0, v36;
	v31 =	vld [tilespmem:s7+$0xFFFFFF80]  }
0xfd: {  	v22 =	vmax.f32 v22, v37;
	v5 =	vmax.f32 v5, v51;
	v0 =	vmax.f32 v0, v27;
	v56 =	vld [tilespmem:s7+$0xFFFFFF40]  }
0xfe: {  	v27 =	vmax.f32 v2, v60;
	v26 =	vmax.f32 v0, v4;
	v0 =	vmax.f32 v40, v30;
	v58 =	vld [tilespmem:s7+$0xFFFFFF20]  }
0xff: {  	v4 =	vmax.f32 v22, v63;
	v51 =	vld [tilespmem:s7+$0xE0];
	v2 =	vmin.f32 v35, v28;
	v22 =	vmax.f32 v35, v28  }
0x100: {  	v47 =	vld [tilespmem:s7+$0xF0];
	v54 =	vmin.f32 v19, v49;
	v19 =	vmax.f32 v19, v49;
	v40 =	vmax.f32 v46, v55  }
0x101: {  	v20 =	vld [tilespmem:s7+$0xFFFFFFC0];
	v2 =	vmax.f32 v21, v2;
	v21 =	vmin.f32 v22, v31;
	v22 =	vmax.f32 v22, v31  }
0x102: {  	v28 =	vld [tilespmem:s7+$0xFFFFFFD0];
	v37 =	vmax.f32 v50, v56;
	v2 =	vmax.f32 v2, v21;
	v21 =	vmin.f32 v22, v44  }
0x103: {  	v53 =	vld [tilespmem:s7+$0x60];
	v43 =	vmin.f32 v52, v58;
	v22 =	vmax.f32 v22, v44;
	v2 =	vmax.f32 v2, v21  }
0x104: {  	v31 =	vld [tilespmem:s7+$0xFFFFFF60];
	v21 =	vmax.f32 v23, v54;
	v23 =	vmin.f32 v19, v42;
	v19 =	vmax.f32 v19, v42  }
0x105: {  	v30 =	vld [tilespmem:s7+$0xFFFFFFE0];
	v21 =	vmax.f32 v21, v23;
	v23 =	vmin.f32 v19, v29;
	v19 =	vmax.f32 v19, v29  }
0x106: {  	v34 =	vld [tilespmem:s7+$0x50];
	v59 =	vmin.f32 v22, v61;
	v21 =	vmax.f32 v21, v23;
	v57 =	vmin.f32 v19, v47  }
0x107: {  	v44 =	vld [tilespmem:s7+$0xFFFFFFA0];
	v19 =	vmax.f32 v19, v47;
	v23 =	vmax.f32 v22, v61;
	v32 =	vmin.f32 v40, v28  }
0x108: {  	v29 =	vld [tilespmem:s7+$0xFFFFFF30];
	v61 =	vmin.f32 v46, v55;
	v46 =	vmin.f32 v50, v56;
	v21 =	vmax.f32 v21, v57  }
0x109: {  	v22 =	vld [tilespmem:s7+$0xFFFFFF10];
	v60 =	vmin.f32 v24, v31;
	v31 =	vmax.f32 v24, v31;
	v24 =	vmax.f32 v2, v59  }
0x10a: {  	v42 =	vld [tilespmem:s7+$0xFFFFFF90];
	v41 =	vmax.f32 v4, v61;
	v0 =	vmax.f32 v0, v60;
	v2 =	vmin.f32 v31, v30  }
0x10b: {  	v47 =	vld [tilespmem:s7+$0x30];
	v36 =	vmax.f32 v0, v2;
	v2 =	vmax.f32 v31, v30;
	v0 =	vmax.f32 v52, v58  }
0x10c: {  	v30 =	vmax.f32 v37, v20;
	v39 =	vmin.f32 v2, v53;
	v62 =	vmax.f32 v2, v53;
	v2 =	vld [tilespmem:s7+$0xFFFFFFB0]  }
0x10d: {  	v31 =	vld [tilespmem:s7+$0xD0];
	v35 =	vmin.f32 v0, v44;
	v48 =	vmin.f32 v1, v29;
	v33 =	vmax.f32 v1, v29  }
0x10e: {  	v38 =	vld [tilespmem:s7+$0xA0];
	v63 =	vmin.f32 v5, v22;
	v45 =	vmax.f32 v5, v22;
	v22 =	vmax.f32 v62, v51  }
0x10f: {  	s8 =	simm.s32 $0x0;
	s9 =	simm.s32 $0x6C00;
	v1 =	vld [tilespmem:s7+$0xB0];
	v29 =	vmin.f32 v62, v51;
	v3 =	vmax.f32 v3, v63;
	v4 =	vmin.f32 v45, v42  }
.LBB2_5:
0x110: {  	v5 =	vld [tilespmem:s9+$0x20];
	s8 =	sadd.s32 $0x4, s8;
	v3 =	vmax.f32 v3, v4;
	v0 =	vmax.f32 v0, v44;
	v4 =	vmax.f32 v40, v28  }
0x111: {  	p2 =	slt.u32 s8, $0xCC;
	v28 =	vmin.f32 v33, v2;
	v2 =	vmax.f32 v33, v2;
	v40 =	vld [tilespmem:s7+$0x10];
	v44 =	vmax.f32 v4, v34  }
0x112: {  	v27 =	vmax.f32 v27, v48;
	v48 =	vmin.f32 v2, v47;
	v49 =	vld [tilespmem:s7+$0xC0];
	v50 =	vmax.f32 v44, v31  }
0x113: {  	v42 =	vmax.f32 v45, v42;
	v36 =	vmax.f32 v36, v39;
	v2 =	vmax.f32 v2, v47;
	v45 =	vld [tilespmem:s7+$0x40]  }
0x114: {  	v20 =	vmin.f32 v37, v20;
	v37 =	vld [tilespmem:s7+$0x90];
	v39 =	vmin.f32 v2, v1;
	v33 =	vmax.f32 v2, v1;
	s7 =	smov.u32 s9  }
0x115: {  	v2 =	vmax.f32 v26, v46;
	v26 =	vmax.f32 v41, v32;
	v32 =	vmax.f32 v0, v18;
	v1 =	vld [tilespmem:s9+$0x80]  }
0x116: {  	v31 =	vmin.f32 v44, v31;
	v51 =	vmax.f32 v32, v38;
	v41 =	vld [tilespmem:s9+$0x70];
	v46 =	vmin.f32 v42, v40  }
0x117: {  	v25 =	vmax.f32 v25, v43;
	v4 =	vmin.f32 v4, v34;
	v32 =	vmin.f32 v32, v38;
	v44 =	vld [tilespmem:s9+$0xFFFFFFF0]  }
0x118: {  	v38 =	vmax.f32 v42, v40;
	v3 =	vmax.f32 v3, v46;
	v34 =	vld [tilespmem:s9+$0x0];
	v40 =	vmin.f32 v30, v45  }
0x119: {  	v25 =	vmax.f32 v25, v35;
	v30 =	vmax.f32 v30, v45;
	v42 =	vld [tilespmem:s9+$0xFFFFFF80];
	v35 =	vmin.f32 v38, v37  }
0x11a: {  	v0 =	vmin.f32 v0, v18;
	v18 =	vmovc v5;
	v46 =	vmax.f32 v30, v49;
	v43 =	vld [tilespmem:s9+$0xFFFFFF00];
	v3 =	vmax.f32 v3, v35  }
0x11b: {  	v2 =	vmax.f32 v2, v20;
	v0 =	vmax.f32 v25, v0;
	v35 =	vmax.f32 v38, v37;
	v5 =	vld [tilespmem:s9+$0xE0]  }
0x11c: {  	v20 =	vmax.f32 v27, v28;
	v25 =	vmax.f32 v0, v32;
	v0 =	vmin.f32 v30, v49;
	v37 =	vld [tilespmem:s9+$0xF0]  }
0x11d: {  	v4 =	vmax.f32 v26, v4;
	v27 =	vmax.f32 v20, v48;
	v2 =	vmax.f32 v2, v40;
	v30 =	vld [tilespmem:s9+$0xFFFFFF70]  }
0x11e: {  	v27 =	vmax.f32 v27, v39;
	v26 =	vmax.f32 v2, v0;
	v0 =	vmax.f32 v36, v29;
	v20 =	vld [tilespmem:s9+$0xFFFFFFC0]  }
0x11f: {  	v4 =	vmax.f32 v4, v31;
	v2 =	vmin.f32 v23, v43;
	v23 =	vmax.f32 v23, v43;
	v29 =	vld [tilespmem:s9+$0x60]  }
0x120: {  	v2 =	vmax.f32 v24, v2;
	v24 =	vmin.f32 v23, v42;
	v23 =	vmax.f32 v23, v42;
	v28 =	vld [tilespmem:s9+$0xFFFFFFD0]  }
0x121: {  	v2 =	vmax.f32 v2, v24;
	v31 =	vld [tilespmem:s9+$0xFFFFFFE0];
	v24 =	vmin.f32 v23, v34;
	v23 =	vmax.f32 v23, v34  }
0x122: {  	v32 =	vld [tilespmem:s9+$0xFFFFFF60];
	v34 =	vmin.f32 v19, v30;
	v19 =	vmax.f32 v19, v30;
	v2 =	vmax.f32 v2, v24  }
0x123: {  	v30 =	vld [tilespmem:s9+$0xFFFFFF50];
	v21 =	vmax.f32 v21, v34;
	v24 =	vmin.f32 v19, v44;
	v19 =	vmax.f32 v19, v44  }
0x124: {  	v49 =	vld [tilespmem:s9+$0xFFFFFF40];
	v21 =	vmax.f32 v21, v24;
	v24 =	vmin.f32 v19, v41;
	v19 =	vmax.f32 v19, v41  }
0x125: {  	v38 =	vld [tilespmem:s9+$0xFFFFFF30];
	v21 =	vmax.f32 v21, v24;
	v24 =	vmin.f32 v19, v37;
	v19 =	vmax.f32 v19, v37  }
0x126: {  	v34 =	vmin.f32 v23, v1;
	v23 =	vmax.f32 v23, v1;
	v43 =	vld [tilespmem:s9+$0xFFFFFF20];
	v21 =	vmax.f32 v21, v24  }
0x127: {  	v24 =	vmax.f32 v2, v34;
	v1 =	vld [tilespmem:s9+$0xFFFFFF10];
	v36 =	vmin.f32 v22, v32;
	v22 =	vmax.f32 v22, v32  }
0x128: {  	v40 =	vmax.f32 v50, v30;
	v0 =	vmax.f32 v0, v36;
	v44 =	vld [tilespmem:s9+$0xFFFFFFA0];
	v2 =	vmin.f32 v22, v31  }
0x129: {  	v32 =	vmin.f32 v40, v28;
	v36 =	vmax.f32 v0, v2;
	v2 =	vmax.f32 v22, v31;
	v31 =	vld [tilespmem:s9+$0xD0]  }
0x12a: {  	v41 =	vmin.f32 v50, v30;
	v37 =	vmax.f32 v46, v49;
	v42 =	vld [tilespmem:s9+$0xFFFFFF90];
	v39 =	vmin.f32 v2, v29  }
.Ltmp1:
0x12b: {  	v30 =	vmax.f32 v37, v20;
	v29 =	vmax.f32 v2, v29;
	v0 =	vmax.f32 v51, v43;
	v34 =	vld [tilespmem:s9+$0x50];
	(pc) =	sbr.rel @p2 .LBB2_5-.Ltmp1, $4  }
0x12c: {  	v22 =	vmax.f32 v29, v5;
	v47 =	vmin.f32 v35, v1;
	v45 =	vmax.f32 v35, v1;
	v2 =	vld [tilespmem:s9+$0xFFFFFFB0]  }
0x12d: {  	v41 =	vmax.f32 v4, v41;
	v3 =	vmax.f32 v3, v47;
	v35 =	vmin.f32 v0, v44;
	v47 =	vld [tilespmem:s9+$0x30]  }
0x12e: {  	v48 =	vmin.f32 v33, v38;
	v33 =	vmax.f32 v33, v38;
	v29 =	vmin.f32 v29, v5;
	v38 =	vld [tilespmem:s9+$0xA0]  }
0x12f: {  	v46 =	vmin.f32 v46, v49;
	v43 =	vmin.f32 v51, v43;
	s9 =	sadd.s32 $0x200, s9;
	v4 =	vmin.f32 v45, v42;
	v1 =	vld [tilespmem:s7+$0xB0]  }
0x130: {  	v5 =	vld [tilespmem:s7+$0x10]  }
0x131: {  	v49 =	vld [tilespmem:s7+$0xC0]  }
0x132: {  	s6 =	sadd.s32 @!p1 s6, s12;
	v50 =	vld [tilespmem:s7+$0x40]  }
0x133: {  	v51 =	vld [tilespmem:s7+$0x90];
	s7 =	simm.s32 @!p1 $0x400;
	s6 =	sshll.u32 @!p1 s6, $0x7  }
0x134: {  	s8 =	simm.s32 @!p1 $0x2000;
	s9 =	simm.s32 @!p1 $0x6900;
	s6 =	sadd.s32 @!p1 s6, s5  }
0x135: {  	v3 =	vmax.f32 v3, v4;
	v0 =	vmax.f32 v0, v44;
	v4 =	vmax.f32 v40, v28;
	[tilespmem:s9], [sflag:$0x3] =	stream.strided.gather @!p1 [hbm4b:s6+s7], $0x6800, s8, s7, $0x38;
	[tilespmem:$0x1CF80] =	vst v63  }
0x136: {  	v27 =	vmax.f32 v27, v48;
	v61 =	vmax.f32 v45, v42;
	v36 =	vmax.f32 v36, v39;
	_ =	swait.ge [sflag:s1], $0x6800  }
0x137: {  	v37 =	vmin.f32 v37, v20;
	v25 =	vmax.f32 v25, v43;
	v28 =	vmin.f32 v33, v2;
	[sflag:s1] =	ssyncset.done $0x0  }
0x138: {  	v2 =	vmax.f32 v33, v2;
	v60 =	vmax.f32 v4, v34;
	v4 =	vmin.f32 v4, v34;
	s6 =	simm.s32 $0xD200;
	[sflag:s1] =	ssyncadd.s32 $0xFFFF9800  }
0x139: {  	v25 =	vmax.f32 v25, v35;
	v62 =	vmin.f32 v2, v47;
	v2 =	vmax.f32 v2, v47;
	v20 =	vld [tilespmem:s6+$0x20]  }
0x13a: {  	v63 =	vmin.f32 v2, v1;
	v47 =	vmax.f32 v2, v1;
	v1 =	vmax.f32 v26, v46;
	v46 =	vld [tilespmem:s6+$0x80]  }
0x13b: {  	v2 =	vmax.f32 v41, v32;
	v26 =	vmax.f32 v0, v18;
	v0 =	vmin.f32 v0, v18;
	v54 =	vld [tilespmem:s6+$0x70]  }
0x13c: {  	v18 =	vmax.f32 v27, v28;
	v53 =	vmin.f32 v61, v5;
	v5 =	vmax.f32 v61, v5;
	v55 =	vld [tilespmem:s6+$0xFFFFFFF0]  }
0x13d: {  	v48 =	vmax.f32 v26, v38;
	v3 =	vmax.f32 v3, v53;
	v58 =	vmin.f32 v5, v51;
	v59 =	vld [tilespmem:s6+$0xFFFFFF80]  }
0x13e: {  	v26 =	vmin.f32 v26, v38;
	v56 =	vmin.f32 v30, v50;
	v35 =	vmax.f32 v3, v58;
	v3 =	vld [tilespmem:s6+$0xFFFFFF00]  }
0x13f: {  	v30 =	vmax.f32 v30, v50;
	v0 =	vmax.f32 v25, v0;
	v18 =	vmax.f32 v18, v62;
	v62 =	vld [tilespmem:s6+$0xFFFFFF50]  }
0x140: {  	v1 =	vmax.f32 v1, v37;
	v25 =	vmax.f32 v0, v26;
	v26 =	vmax.f32 v18, v63;
	v63 =	vld [tilespmem:s6+$0xFFFFFF40]  }
0x141: {  	v2 =	vmax.f32 v2, v4;
	v0 =	vmin.f32 v30, v49;
	v1 =	vmax.f32 v1, v56;
	v4 =	vld [tilespmem:s6+$0xFFFFFF70]  }
0x142: {  	v44 =	vmax.f32 v60, v31;
	v28 =	vmax.f32 v1, v0;
	v0 =	vmax.f32 v36, v29;
	v29 =	vld [tilespmem:s6+$0xFFFFFFD0]  }
0x143: {  	v31 =	vmin.f32 v60, v31;
	v50 =	vmax.f32 v30, v49;
	v5 =	vmax.f32 v5, v51;
	v57 =	vld [tilespmem:s6+$0x0]  }
0x144: {  	v60 =	vld [tilespmem:s6+$0xE0];
	v1 =	vmax.f32 v2, v31;
	v2 =	vmin.f32 v23, v3;
	v3 =	vmax.f32 v23, v3  }
0x145: {  	v30 =	vld [tilespmem:s6+$0xF0];
	v40 =	vmax.f32 v44, v62;
	v37 =	vmax.f32 v50, v63;
	v2 =	vmax.f32 v24, v2  }
0x146: {  	v27 =	vld [tilespmem:s6+$0xFFFFFFC0];
	v18 =	vmin.f32 v3, v59;
	v3 =	vmax.f32 v3, v59;
	v24 =	vmin.f32 v19, v4  }
0x147: {  	v52 =	vld [tilespmem:s6+$0xFFFFFF30];
	v4 =	vmax.f32 v19, v4;
	v33 =	vmin.f32 v40, v29;
	v2 =	vmax.f32 v2, v18  }
0x148: {  	v53 =	vld [tilespmem:s6+$0xFFFFFF20];
	v18 =	vmin.f32 v3, v57;
	v3 =	vmax.f32 v3, v57;
	v19 =	vmin.f32 v4, v55  }
0x149: {  	v23 =	vld [tilespmem:s6+$0xFFFFFF60];
	v4 =	vmax.f32 v4, v55;
	v2 =	vmax.f32 v2, v18;
	v18 =	vmax.f32 v21, v24  }
0x14a: {  	v61 =	vld [tilespmem:s6+$0xFFFFFFE0];
	v18 =	vmax.f32 v18, v19;
	v19 =	vmin.f32 v4, v54;
	v4 =	vmax.f32 v4, v54  }
0x14b: {  	v31 =	vld [tilespmem:s6+$0x60];
	v24 =	vmax.f32 v3, v46;
	v18 =	vmax.f32 v18, v19;
	v21 =	vmin.f32 v4, v30  }
0x14c: {  	v19 =	vmax.f32 v4, v30;
	v4 =	vmin.f32 v3, v46;
	v3 =	vld [tilespmem:s6+$0xFFFFFF10];
	v30 =	vmin.f32 v44, v62  }
0x14d: {  	v43 =	vld [tilespmem:s6+$0xFFFFFFA0];
	v46 =	vmin.f32 v47, v52;
	v47 =	vmax.f32 v47, v52;
	v44 =	vmin.f32 v48, v53  }
0x14e: {  	v32 =	vld [tilespmem:s6+$0xD0];
	v18 =	vmax.f32 v18, v21;
	v21 =	vmin.f32 v22, v23;
	v22 =	vmax.f32 v22, v23  }
0x14f: {  	v41 =	vld [tilespmem:s6+$0xFFFFFF90];
	v23 =	vmax.f32 v2, v4;
	v0 =	vmax.f32 v0, v21;
	v2 =	vmin.f32 v22, v61  }
0x150: {  	v34 =	vld [tilespmem:s6+$0x50];
	v42 =	vmax.f32 v1, v30;
	v36 =	vmax.f32 v0, v2;
	v0 =	vmax.f32 v22, v61  }
0x151: {  	v2 =	vmax.f32 v48, v53;
	v4 =	vmin.f32 v5, v3;
	v45 =	vmax.f32 v5, v3;
	v3 =	vld [tilespmem:s6+$0xFFFFFFB0]  }
0x152: {  	v1 =	vld [tilespmem:s6+$0x30];
	v22 =	vmax.f32 v37, v27;
	v39 =	vmin.f32 v0, v31;
	v0 =	vmax.f32 v0, v31  }
0x153: {  	v38 =	vld [tilespmem:s6+$0xA0];
	v21 =	vmax.f32 v0, v60;
	v30 =	vmin.f32 v0, v60;
	v0 =	vmin.f32 v50, v63  }
0x154: {  	s7 =	simm.s32 $0x0;
	s8 =	simm.s32 $0xD400;
	v31 =	vld [tilespmem:s6+$0xB0];
	v4 =	vmax.f32 v35, v4;
	v35 =	vmin.f32 v2, v43;
	v5 =	vmin.f32 v45, v41  }
.LBB2_7:
0x155: {  	v48 =	vld [tilespmem:s8+$0x20];
	s7 =	sadd.s32 $0x4, s7;
	v4 =	vmax.f32 v4, v5;
	v2 =	vmax.f32 v2, v43;
	v5 =	vmax.f32 v40, v29  }
0x156: {  	p2 =	slt.u32 s7, $0xCC;
	v29 =	vmin.f32 v47, v3;
	v3 =	vmax.f32 v47, v3;
	v40 =	vld [tilespmem:s6+$0x10];
	v43 =	vmax.f32 v5, v34  }
0x157: {  	v26 =	vmax.f32 v26, v46;
	v46 =	vmin.f32 v3, v1;
	v47 =	vld [tilespmem:s6+$0xC0];
	v49 =	vmax.f32 v43, v32  }
0x158: {  	v41 =	vmax.f32 v45, v41;
	v36 =	vmax.f32 v36, v39;
	v1 =	vmax.f32 v3, v1;
	v3 =	vld [tilespmem:s6+$0x40]  }
0x159: {  	v27 =	vmin.f32 v37, v27;
	v37 =	vld [tilespmem:s6+$0x90];
	v39 =	vmin.f32 v1, v31;
	v31 =	vmax.f32 v1, v31;
	s6 =	smov.u32 s8  }
0x15a: {  	v0 =	vmax.f32 v28, v0;
	v28 =	vmax.f32 v42, v33;
	v33 =	vmax.f32 v2, v20;
	v1 =	vld [tilespmem:s8+$0x80]  }
0x15b: {  	v32 =	vmin.f32 v43, v32;
	v50 =	vmax.f32 v33, v38;
	v42 =	vld [tilespmem:s8+$0x70];
	v45 =	vmin.f32 v41, v40  }
0x15c: {  	v25 =	vmax.f32 v25, v44;
	v5 =	vmin.f32 v5, v34;
	v33 =	vmin.f32 v33, v38;
	v43 =	vld [tilespmem:s8+$0xFFFFFFF0]  }
0x15d: {  	v38 =	vmax.f32 v41, v40;
	v4 =	vmax.f32 v4, v45;
	v34 =	vld [tilespmem:s8+$0x0];
	v40 =	vmin.f32 v22, v3  }
0x15e: {  	v25 =	vmax.f32 v25, v35;
	v3 =	vmax.f32 v22, v3;
	v41 =	vld [tilespmem:s8+$0xFFFFFF80];
	v22 =	vmin.f32 v38, v37  }
0x15f: {  	v2 =	vmin.f32 v2, v20;
	v20 =	vmovc v48;
	v51 =	vmax.f32 v3, v47;
	v35 =	vld [tilespmem:s8+$0xFFFFFF00];
	v4 =	vmax.f32 v4, v22  }
0x160: {  	v0 =	vmax.f32 v0, v27;
	v2 =	vmax.f32 v25, v2;
	v38 =	vmax.f32 v38, v37;
	v44 =	vld [tilespmem:s8+$0xE0]  }
0x161: {  	v26 =	vmax.f32 v26, v29;
	v25 =	vmax.f32 v2, v33;
	v2 =	vmin.f32 v3, v47;
	v22 =	vld [tilespmem:s8+$0xF0]  }
0x162: {  	v5 =	vmax.f32 v28, v5;
	v26 =	vmax.f32 v26, v46;
	v0 =	vmax.f32 v0, v40;
	v3 =	vld [tilespmem:s8+$0xFFFFFF70]  }
0x163: {  	v26 =	vmax.f32 v26, v39;
	v28 =	vmax.f32 v0, v2;
	v0 =	vmax.f32 v36, v30;
	v27 =	vld [tilespmem:s8+$0xFFFFFFC0]  }
0x164: {  	v5 =	vmax.f32 v5, v32;
	v2 =	vmin.f32 v24, v35;
	v24 =	vmax.f32 v24, v35;
	v30 =	vld [tilespmem:s8+$0x60]  }
0x165: {  	v2 =	vmax.f32 v23, v2;
	v23 =	vmin.f32 v24, v41;
	v24 =	vmax.f32 v24, v41;
	v29 =	vld [tilespmem:s8+$0xFFFFFFD0]  }
0x166: {  	v2 =	vmax.f32 v2, v23;
	v32 =	vld [tilespmem:s8+$0xFFFFFFE0];
	v23 =	vmin.f32 v24, v34;
	v24 =	vmax.f32 v24, v34  }
0x167: {  	v33 =	vld [tilespmem:s8+$0xFFFFFF60];
	v34 =	vmin.f32 v19, v3;
	v3 =	vmax.f32 v19, v3;
	v2 =	vmax.f32 v2, v23  }
0x168: {  	v35 =	vld [tilespmem:s8+$0xFFFFFF50];
	v18 =	vmax.f32 v18, v34;
	v19 =	vmin.f32 v3, v43;
	v3 =	vmax.f32 v3, v43  }
0x169: {  	v48 =	vld [tilespmem:s8+$0xFFFFFF40];
	v18 =	vmax.f32 v18, v19;
	v19 =	vmin.f32 v3, v42;
	v3 =	vmax.f32 v3, v42  }
0x16a: {  	v47 =	vld [tilespmem:s8+$0xFFFFFF30];
	v18 =	vmax.f32 v18, v19;
	v23 =	vmin.f32 v3, v22;
	v19 =	vmax.f32 v3, v22  }
0x16b: {  	v3 =	vmin.f32 v24, v1;
	v24 =	vmax.f32 v24, v1;
	v52 =	vld [tilespmem:s8+$0xFFFFFF20];
	v18 =	vmax.f32 v18, v23  }
0x16c: {  	v23 =	vmax.f32 v2, v3;
	v1 =	vld [tilespmem:s8+$0xFFFFFF10];
	v22 =	vmin.f32 v21, v33;
	v21 =	vmax.f32 v21, v33  }
0x16d: {  	v40 =	vmax.f32 v49, v35;
	v0 =	vmax.f32 v0, v22;
	v43 =	vld [tilespmem:s8+$0xFFFFFFA0];
	v2 =	vmin.f32 v21, v32  }
0x16e: {  	v33 =	vmin.f32 v40, v29;
	v36 =	vmax.f32 v0, v2;
	v0 =	vmax.f32 v21, v32;
	v32 =	vld [tilespmem:s8+$0xD0]  }
0x16f: {  	v35 =	vmin.f32 v49, v35;
	v37 =	vmax.f32 v51, v48;
	v41 =	vld [tilespmem:s8+$0xFFFFFF90];
	v39 =	vmin.f32 v0, v30  }
.Ltmp2:
0x170: {  	v22 =	vmax.f32 v37, v27;
	v0 =	vmax.f32 v0, v30;
	v2 =	vmax.f32 v50, v52;
	v34 =	vld [tilespmem:s8+$0x50];
	(pc) =	sbr.rel @p2 .LBB2_7-.Ltmp2, $4  }
0x171: {  	v21 =	vmax.f32 v0, v44;
	v30 =	vmin.f32 v38, v1;
	v45 =	vmax.f32 v38, v1;
	v3 =	vld [tilespmem:s8+$0xFFFFFFB0]  }
0x172: {  	v42 =	vmax.f32 v5, v35;
	v4 =	vmax.f32 v4, v30;
	v35 =	vmin.f32 v2, v43;
	v1 =	vld [tilespmem:s8+$0x30]  }
0x173: {  	v46 =	vmin.f32 v31, v47;
	v47 =	vmax.f32 v31, v47;
	v30 =	vmin.f32 v0, v44;
	v38 =	vld [tilespmem:s8+$0xA0]  }
0x174: {  	v44 =	vmin.f32 v50, v52;
	v0 =	vmin.f32 v51, v48;
	s8 =	sadd.s32 $0x200, s8;
	v5 =	vmin.f32 v45, v41;
	v31 =	vld [tilespmem:s6+$0xB0]  }
0x175: {  	v4 =	vmax.f32 v4, v5  }
0x176: {  	v2 =	vmax.f32 v2, v43;
	v61 =	vmax.f32 v40, v29;
	v46 =	vmax.f32 v26, v46  }
0x177: {  	v41 =	vmax.f32 v45, v41;
	v36 =	vmax.f32 v36, v39;
	v37 =	vmin.f32 v37, v27  }
0x178: {  	v0 =	vmax.f32 v28, v0;
	v42 =	vmax.f32 v42, v33;
	v25 =	vmax.f32 v25, v44  }
0x179: {  	v62 =	vmin.f32 v47, v3;
	v7 =	vmax.f32 v47, v3;
	v52 =	vmax.f32 v61, v34  }
0x17a: {  	v63 =	vld [tilespmem:s6+$0x10];
	v28 =	vmax.f32 v2, v20;
	v5 =	vmin.f32 v61, v34;
	v25 =	vmax.f32 v25, v35  }
0x17b: {  	v54 =	vld [tilespmem:s6+$0x40];
	v2 =	vmin.f32 v2, v20;
	v0 =	vmax.f32 v0, v37;
	v48 =	vmin.f32 v7, v1  }
0x17c: {  	v55 =	vld [tilespmem:s6+$0x90];
	v26 =	vmax.f32 v52, v32;
	v53 =	vmax.f32 v7, v1;
	v47 =	vmin.f32 v52, v32  }
0x17d: {  	v57 =	vld [tilespmem:s6+$0xC0];
	v2 =	vmax.f32 v25, v2;
	v61 =	vmax.f32 v46, v62;
	v32 =	vmax.f32 v36, v30  }
0x17e: {  	v29 =	vmax.f32 v28, v38;
	v58 =	vmin.f32 v28, v38;
	v62 =	vmax.f32 v61, v48  }
0x17f: {  	v56 =	vmin.f32 v53, v31;
	v27 =	vmax.f32 v53, v31;
	v20 =	vmax.f32 v2, v58  }
.Ltmp3:
0x180: {  	v31 =	vmin.f32 v41, v63;
	v59 =	vmax.f32 v41, v63;
	v60 =	vmin.f32 v22, v54;
	(pc) =	sbr.rel @p1 .LBB2_10-.Ltmp3, $4  }
0x181: {  	v3 =	vmax.f32 v22, v54;
	v63 =	vmax.f32 v42, v5;
	v25 =	vmax.f32 v62, v56  }
0x182: {  	v4 =	vmax.f32 v4, v31;
	v22 =	vmin.f32 v59, v55;
	v28 =	vmax.f32 v3, v57  }
0x183: {  	v33 =	vmax.f32 v59, v55;
	v1 =	vmin.f32 v3, v57;
	v0 =	vmax.f32 v0, v60  }
0x184: {  	v30 =	vmax.f32 v63, v47;
	v31 =	vmax.f32 v4, v22;
	v22 =	vmax.f32 v0, v1  }
0x185: {  	s6 =	smul.u32 $0x270, s4  }
.Ltmp4:
0x186: {  	_ = 	snop;
	(pc) =	sbr.rel .LBB2_2-.Ltmp4, $4  }
0x187: {  	s6 =	sadd.s32 s6, s13  }
0x188: {  	s6 =	sshll.u32 s6, $0x7  }
0x189: {  	s4 =	sadd.s32 $0x1, s4;
	s6 =	sadd.s32 s6, s5  }
0x18a: {  	[tilespmem:s29], [sflag:$0x4] =	stream.strided.gather [hbm4b:s6+s0], $0x6800, s25, s0, $0x38;
	[tilespmem:$0x1CF80] =	vst v63  }
.LBB2_10:
0x18b: {  	s4 =	simm.s32 @p0 $0x5  }
0x18c: {  	_ =	swait.ge @p0 [sflag:s4], $0x400  }
0x18d: {  	[sflag:s4] =	ssyncset.done @p0 $0x0  }
0x18e: {  	[sflag:s4] =	ssyncadd.s32 @p0 $0xFFFFFC00;
	s4 =	simm.s32 @!p0 $0x5  }
0x18f: {  	_ =	swait.ge @!p0 [sflag:s4], $0xC00  }
0x190: {  	[sflag:s4] =	ssyncset.done @!p0 $0x0  }
0x191: {  	[sflag:s4] =	ssyncadd.s32 @!p0 $0xFFFFF400;
	s4 =	simm.s32 $0x13A00  }
0x192: {  	v38 =	vld [tilespmem:s4+$0x40]  }
0x193: {  	v42 =	vld [tilespmem:s4+$0xFFFFFFA0]  }
0x194: {  	v0 =	vld [tilespmem:s4+$0x80]  }
0x195: {  	v1 =	vld [tilespmem:s4+$0x0]  }
0x196: {  	v2 =	vld [tilespmem:s4+$0xFFFFFF80]  }
0x197: {  	v3 =	vld [tilespmem:s4+$0xFFFFFF00]  }
0x198: {  	v39 =	vld [tilespmem:s4+$0xFFFFFF60]  }
0x199: {  	v41 =	vld [tilespmem:s4+$0xFFFFFFE0]  }
0x19a: {  	v48 =	vld [tilespmem:s4+$0xFFFFFF20]  }
0x19b: {  	v4 =	vld [tilespmem:s4+$0xF0]  }
0x19c: {  	v35 =	vld [tilespmem:s4+$0xFFFFFF70]  }
0x19d: {  	v5 =	vld [tilespmem:s4+$0x70];
	v34 =	vmin.f32 v24, v3;
	v3 =	vmax.f32 v24, v3;
	v52 =	vmax.f32 v21, v39  }
0x19e: {  	v36 =	vld [tilespmem:s4+$0xFFFFFFF0];
	v34 =	vmax.f32 v23, v34;
	v40 =	vmin.f32 v3, v2;
	v2 =	vmax.f32 v3, v2  }
0x19f: {  	v37 =	vld [tilespmem:s4+$0xFFFFFFD0];
	v49 =	vmax.f32 v29, v48;
	v34 =	vmax.f32 v34, v40;
	v62 =	vmin.f32 v2, v1  }
0x1a0: {  	v3 =	vld [tilespmem:s4+$0xFFFFFF50];
	v57 =	vmax.f32 v52, v41;
	v1 =	vmax.f32 v2, v1;
	v40 =	vmax.f32 v34, v62  }
0x1a1: {  	v44 =	vld [tilespmem:s4+$0xFFFFFF30];
	v43 =	vmin.f32 v1, v0;
	v34 =	vmax.f32 v1, v0;
	v0 =	vmin.f32 v19, v35  }
0x1a2: {  	v2 =	vld [tilespmem:s4+$0xFFFFFF40];
	v1 =	vmax.f32 v19, v35;
	v35 =	vmax.f32 v40, v43;
	v0 =	vmax.f32 v18, v0  }
0x1a3: {  	v47 =	vld [tilespmem:s4+$0xFFFFFF10];
	v63 =	vmin.f32 v1, v36;
	v43 =	vmax.f32 v1, v36;
	v1 =	vmin.f32 v21, v39  }
0x1a4: {  	v53 =	vld [tilespmem:s4+$0xFFFFFFC0];
	v60 =	vmax.f32 v49, v42;
	v40 =	vmax.f32 v0, v63;
	v46 =	vmax.f32 v32, v1  }
0x1a5: {  	v58 =	vld [tilespmem:s4+$0xD0];
	v45 =	vmax.f32 v43, v5;
	v0 =	vmax.f32 v26, v3;
	v51 =	vmin.f32 v26, v3  }
0x1a6: {  	v63 =	vld [tilespmem:s4+$0xFFFFFF90];
	v3 =	vmin.f32 v27, v44;
	v36 =	vmax.f32 v45, v4;
	v54 =	vmin.f32 v45, v4  }
0x1a7: {  	v1 =	vld [tilespmem:s4+$0x50];
	v4 =	vmin.f32 v43, v5;
	v50 =	vmin.f32 v28, v2;
	v56 =	vmax.f32 v28, v2  }
0x1a8: {  	v2 =	vmin.f32 v33, v47;
	v45 =	vmax.f32 v25, v3;
	v3 =	vld [tilespmem:s4+$0x10];
	v47 =	vmax.f32 v33, v47  }
0x1a9: {  	v55 =	vmin.f32 v0, v37;
	v0 =	vmax.f32 v0, v37;
	v39 =	vmax.f32 v31, v2;
	v2 =	vld [tilespmem:s4+$0x90]  }
0x1aa: {  	v59 =	vld [tilespmem:s4+$0x60];
	v62 =	vmax.f32 v30, v51;
	v61 =	vmax.f32 v56, v53;
	v50 =	vmax.f32 v22, v50  }
0x1ab: {  	s6 =	simm.s32 $0x0;
	p1 =	por $0x1, $0x1;
	s7 =	simm.s32 $0x13A00;
	v43 =	vmovc v20;
	v51 =	vmovc v27;
	v5 =	vmin.f32 v47, v63;
	v37 =	vmax.f32 v47, v63;
	v63 =	vld [tilespmem:s4+$0x20];
	v47 =	vmov v29  }
.LBB2_11:
0x1ac: {  	s6 =	sadd.s32 $0x4, s6;
	v5 =	vmax.f32 v39, v5;
	v6 =	vmax.f32 v0, v1;
	v4 =	vmax.f32 v40, v4;
	v40 =	vld [tilespmem:s4+$0xB0];
	s7 =	sadd.s32 $0x200, s7  }
0x1ad: {  	v0 =	vmin.f32 v0, v1;
	p2 =	slt.u32 s6, $0x14;
	v39 =	vmin.f32 v37, v3;
	v3 =	vmax.f32 v37, v3;
	v1 =	vld [tilespmem:s4+$0xC0]  }
0x1ae: {  	v7 =	vmax.f32 v6, v58;
	v5 =	vmax.f32 v5, v39;
	v37 =	vmin.f32 v3, v2;
	v8 =	vld [tilespmem:s4+$0xE0]  }
0x1af: {  	v9 =	vld [tilespmem:s4+$0x30];
	v10 =	vmax.f32 v57, v59;
	v39 =	vmax.f32 v5, v37;
	v37 =	vmax.f32 v3, v2  }
0x1b0: {  	v6 =	vmin.f32 v6, v58;
	v5 =	vmax.f32 v61, v38;
	v2 =	vld [tilespmem:s4+$0xFFFFFFB0];
	v3 =	vmin.f32 v60, v63  }
0x1b1: {  	v47 =	vmin.f32 v47, v48;
	v41 =	vmin.f32 v52, v41;
	v48 =	vmin.f32 v61, v38;
	v52 =	vld [tilespmem:s4+$0xA0];
	s4 =	smov.u32 s7  }
0x1b2: {  	v53 =	vmin.f32 v56, v53;
	v55 =	vmax.f32 v62, v55;
	v38 =	vld [tilespmem:s7+$0x40];
	v56 =	vmin.f32 v5, v1  }
0x1b3: {  	v44 =	vmax.f32 v51, v44;
	v51 =	vmax.f32 v60, v63;
	v58 =	vld [tilespmem:s7+$0xFFFFFFA0];
	v60 =	vmin.f32 v10, v8  }
0x1b4: {  	v4 =	vmax.f32 v4, v54;
	v57 =	vmin.f32 v57, v59;
	v1 =	vmax.f32 v5, v1;
	v61 =	vld [tilespmem:s7+$0x80]  }
0x1b5: {  	v43 =	vmax.f32 v43, v47;
	v41 =	vmax.f32 v46, v41;
	v5 =	vld [tilespmem:s7+$0x0];
	v54 =	vmin.f32 v44, v2  }
0x1b6: {  	v62 =	vmin.f32 v49, v42;
	v41 =	vmax.f32 v41, v57;
	v46 =	vld [tilespmem:s7+$0xFFFFFF80];
	v47 =	vmax.f32 v51, v52  }
0x1b7: {  	v59 =	vmax.f32 v43, v62;
	v57 =	vmax.f32 v41, v60;
	v2 =	vmax.f32 v44, v2;
	v49 =	vld [tilespmem:s7+$0xFFFFFF00]  }
0x1b8: {  	v3 =	vmax.f32 v59, v3;
	v44 =	vmin.f32 v2, v9;
	v43 =	vmin.f32 v51, v52;
	v41 =	vld [tilespmem:s7+$0xFFFFFFE0];
	v42 =	vmovc v58  }
0x1b9: {  	v0 =	vmax.f32 v55, v0;
	v2 =	vmax.f32 v2, v9;
	v43 =	vmax.f32 v3, v43;
	v59 =	vld [tilespmem:s7+$0xF0]  }
0x1ba: {  	v6 =	vmax.f32 v0, v6;
	v3 =	vmax.f32 v45, v54;
	v45 =	vmax.f32 v50, v53;
	v9 =	vld [tilespmem:s7+$0x70]  }
0x1bb: {  	v3 =	vmax.f32 v3, v44;
	v44 =	vmax.f32 v45, v48;
	v45 =	vmin.f32 v2, v40;
	v0 =	vld [tilespmem:s7+$0xFFFFFFF0]  }
0x1bc: {  	v8 =	vmax.f32 v10, v8;
	v3 =	vmax.f32 v3, v45;
	v50 =	vmax.f32 v44, v56;
	v48 =	vld [tilespmem:s7+$0xFFFFFF70]  }
0x1bd: {  	v51 =	vmax.f32 v2, v40;
	v10 =	vmin.f32 v34, v49;
	v34 =	vmax.f32 v34, v49;
	v45 =	vld [tilespmem:s7+$0xFFFFFFD0]  }
0x1be: {  	v2 =	vmax.f32 v35, v10;
	v35 =	vmin.f32 v34, v46;
	v34 =	vmax.f32 v34, v46;
	v10 =	vld [tilespmem:s7+$0xFFFFFF60]  }
0x1bf: {  	v2 =	vmax.f32 v2, v35;
	v35 =	vmin.f32 v34, v5;
	v5 =	vmax.f32 v34, v5;
	v49 =	vld [tilespmem:s7+$0xFFFFFF50]  }
0x1c0: {  	v2 =	vmax.f32 v2, v35;
	v35 =	vmin.f32 v5, v61;
	v34 =	vmax.f32 v5, v61;
	v54 =	vld [tilespmem:s7+$0xFFFFFF40]  }
0x1c1: {  	v35 =	vmax.f32 v2, v35;
	v44 =	vld [tilespmem:s7+$0xFFFFFF30];
	v5 =	vmin.f32 v36, v48;
	v36 =	vmax.f32 v36, v48  }
0x1c2: {  	v48 =	vld [tilespmem:s7+$0xFFFFFF20];
	v2 =	vmax.f32 v4, v5;
	v4 =	vmin.f32 v36, v0;
	v5 =	vmax.f32 v36, v0  }
0x1c3: {  	v60 =	vld [tilespmem:s7+$0xFFFFFF10];
	v0 =	vmin.f32 v8, v10;
	v52 =	vmax.f32 v8, v10;
	v40 =	vmax.f32 v2, v4  }
0x1c4: {  	v4 =	vmax.f32 v5, v9;
	v2 =	vmax.f32 v7, v49;
	v46 =	vmax.f32 v57, v0;
	v53 =	vld [tilespmem:s7+$0xFFFFFFC0]  }
0x1c5: {  	v7 =	vmin.f32 v7, v49;
	v8 =	vmin.f32 v1, v54;
	v10 =	vld [tilespmem:s7+$0xFFFFFF90];
	v55 =	vmin.f32 v2, v45  }
0x1c6: {  	v36 =	vmax.f32 v4, v59;
	v56 =	vmax.f32 v1, v54;
	v57 =	vmin.f32 v51, v44;
	v58 =	vld [tilespmem:s7+$0xD0]  }
.Ltmp5:
0x1c7: {  	v0 =	vmax.f32 v2, v45;
	v54 =	vmin.f32 v4, v59;
	v49 =	vmax.f32 v47, v48;
	v1 =	vld [tilespmem:s7+$0x50];
	(pc) =	sbr.rel @p2 .LBB2_11-.Ltmp5, $4  }
0x1c8: {  	v45 =	vmax.f32 v3, v57;
	v57 =	vmax.f32 v52, v41;
	v2 =	vmin.f32 v37, v60;
	v3 =	vld [tilespmem:s7+$0x10]  }
0x1c9: {  	v4 =	vmin.f32 v5, v9;
	v39 =	vmax.f32 v39, v2;
	v61 =	vmax.f32 v56, v53;
	v2 =	vld [tilespmem:s7+$0x90]  }
0x1ca: {  	v62 =	vmax.f32 v6, v7;
	v9 =	vmax.f32 v37, v60;
	v60 =	vmax.f32 v49, v42;
	v59 =	vld [tilespmem:s7+$0x60]  }
0x1cb: {  	v50 =	vmax.f32 v50, v8;
	v5 =	vmin.f32 v9, v10;
	v37 =	vmax.f32 v9, v10;
	v63 =	vld [tilespmem:s7+$0x20]  }
0x1cc: {  	v5 =	vmax.f32 v39, v5  }
0x1cd: {  	v6 =	vmax.f32 v0, v1;
	v4 =	vmax.f32 v40, v4;
	v0 =	vmin.f32 v0, v1  }
0x1ce: {  	v10 =	vmin.f32 v52, v41;
	v52 =	vmin.f32 v56, v53;
	v53 =	vmax.f32 v62, v55  }
0x1cf: {  	v44 =	vmax.f32 v51, v44;
	v7 =	vmin.f32 v37, v3;
	v3 =	vmax.f32 v37, v3  }
0x1d0: {  	v37 =	vmax.f32 v6, v58;
	v6 =	vmin.f32 v6, v58;
	v0 =	vmax.f32 v53, v0  }
0x1d1: {  	v1 =	vld [tilespmem:s4+$0xC0];
	v5 =	vmax.f32 v5, v7;
	v40 =	vmin.f32 v3, v2;
	v7 =	vmin.f32 v47, v48  }
0x1d2: {  	v8 =	vld [tilespmem:s4+$0xE0];
	v47 =	vmin.f32 v61, v38;
	v9 =	vmax.f32 v57, v59;
	v39 =	vmax.f32 v5, v40  }
0x1d3: {  	v48 =	vld [tilespmem:s4+$0xA0];
	v40 =	vmax.f32 v3, v2;
	v5 =	vmax.f32 v61, v38;
	v61 =	vmin.f32 v57, v59  }
0x1d4: {  	v3 =	vld [tilespmem:s4+$0xFFFFFFB0];
	v38 =	vmax.f32 v4, v54;
	v62 =	vmax.f32 v43, v7;
	v54 =	vmax.f32 v46, v10  }
0x1d5: {  	v51 =	vld [tilespmem:s4+$0x30];
	v10 =	vmin.f32 v49, v42;
	v2 =	vmin.f32 v60, v63;
	v56 =	vmax.f32 v60, v63  }
0x1d6: {  	v7 =	vmax.f32 v54, v61;
	v61 =	vmax.f32 v50, v52;
	v55 =	vmin.f32 v5, v1  }
0x1d7: {  	v4 =	vld [tilespmem:s4+$0xB0];
	v60 =	vmin.f32 v9, v8;
	v41 =	vmax.f32 v5, v1;
	v1 =	vmax.f32 v62, v10  }
0x1d8: {  	v42 =	vmax.f32 v7, v60;
	v1 =	vmax.f32 v1, v2;
	v43 =	vmax.f32 v56, v48  }
0x1d9: {  	v59 =	vmin.f32 v56, v48;
	v63 =	vmin.f32 v44, v3;
	v3 =	vmax.f32 v44, v3  }
0x1da: {  	v46 =	vmax.f32 v1, v59;
	v44 =	vmax.f32 v0, v6;
	v58 =	vmin.f32 v3, v51  }
0x1db: {  	v3 =	vmax.f32 v3, v51;
	v60 =	vmax.f32 v45, v63;
	v63 =	vmax.f32 v61, v47  }
0x1dc: {  	v45 =	vmax.f32 v9, v8;
	v1 =	vmax.f32 v60, v58;
	v62 =	vmin.f32 v3, v4  }
0x1dd: {  	s4 =	simm.s32 $0x0;
	v47 =	vmax.f32 v63, v55;
	v49 =	vmax.f32 v3, v4;
	v48 =	vmax.f32 v1, v62  }
.LBB2_13:
0x1de: {  	s4 =	sshra.s32 s4, $0x2  }
0x1df: {  	v0 =	vld [tilespmem:s4+$0x14500]  }
0x1e0: {  	v1 =	vld [tilespmem:s4+$0x14510]  }
0x1e1: {  	v2 =	vld [tilespmem:s4+$0x14520]  }
0x1e2: {  	v4 =	vld [tilespmem:s4+$0x14540]  }
0x1e3: {  	v3 =	vld [tilespmem:s4+$0x14530]  }
0x1e4: {  	v8 =	vld [tilespmem:s4+$0x14560]  }
0x1e5: {  	v6 =	vld [tilespmem:s4+$0x14550];
	v5 =	vmin.f32 v24, v0;
	v7 =	vmin.f32 v33, v1  }
0x1e6: {  	v10 =	vld [tilespmem:s4+$0x14570];
	v0 =	vmax.f32 v24, v0;
	v9 =	vmin.f32 v29, v2;
	v1 =	vmax.f32 v33, v1  }
0x1e7: {  	v2 =	vmax.f32 v29, v2;
	v24 =	vmin.f32 v28, v4;
	v4 =	vmax.f32 v28, v4;
	v29 =	vld [tilespmem:s4+$0x145B0]  }
0x1e8: {  	v5 =	vmax.f32 v23, v5;
	v9 =	vmax.f32 v20, v9;
	v20 =	vmin.f32 v27, v3;
	v23 =	vld [tilespmem:s4+$0x14580]  }
0x1e9: {  	v28 =	vmin.f32 v21, v8;
	v3 =	vmax.f32 v27, v3;
	v20 =	vmax.f32 v25, v20;
	v25 =	vld [tilespmem:s4+$0x14590]  }
0x1ea: {  	v22 =	vmax.f32 v22, v24;
	v24 =	vmin.f32 v26, v6;
	v27 =	vld [tilespmem:s4+$0x145A0];
	v6 =	vmax.f32 v26, v6  }
0x1eb: {  	v26 =	vmax.f32 v32, v28;
	v28 =	vmin.f32 v19, v10;
	v24 =	vmax.f32 v30, v24;
	v30 =	vld [tilespmem:s4+$0x145C0]  }
0x1ec: {  	v8 =	vmax.f32 v21, v8;
	v7 =	vmax.f32 v31, v7;
	v18 =	vmax.f32 v18, v28;
	v28 =	vld [tilespmem:s4+$0x145D0]  }
0x1ed: {  	v10 =	vmax.f32 v19, v10;
	v21 =	vmin.f32 v0, v23;
	v0 =	vmax.f32 v0, v23;
	v23 =	vld [tilespmem:s4+$0x145F0]  }
0x1ee: {  	v5 =	vmax.f32 v5, v21;
	v19 =	vmin.f32 v1, v25;
	v21 =	vld [tilespmem:s4+$0x145E0];
	v1 =	vmax.f32 v1, v25  }
0x1ef: {  	v25 =	vld [tilespmem:s4+$0x14600];
	v7 =	vmax.f32 v7, v19;
	v19 =	vmin.f32 v2, v27;
	v2 =	vmax.f32 v2, v27  }
0x1f0: {  	v27 =	vld [tilespmem:s4+$0x14610];
	v9 =	vmax.f32 v9, v19;
	v19 =	vmin.f32 v3, v29;
	v3 =	vmax.f32 v3, v29  }
0x1f1: {  	v29 =	vld [tilespmem:s4+$0x14620];
	v19 =	vmax.f32 v20, v19;
	v20 =	vmin.f32 v4, v30;
	v4 =	vmax.f32 v4, v30  }
0x1f2: {  	v51 =	vld [tilespmem:s4+$0x146D0];
	v20 =	vmax.f32 v22, v20;
	v22 =	vmin.f32 v6, v28;
	v6 =	vmax.f32 v6, v28  }
0x1f3: {  	v30 =	vld [tilespmem:s4+$0x14630];
	v22 =	vmax.f32 v24, v22;
	v24 =	vmin.f32 v8, v21;
	v8 =	vmax.f32 v8, v21  }
0x1f4: {  	v28 =	vld [tilespmem:s4+$0x14640];
	v21 =	vmin.f32 v0, v25;
	v24 =	vmax.f32 v26, v24;
	v26 =	vmin.f32 v10, v23  }
0x1f5: {  	v5 =	vmax.f32 v5, v21;
	v21 =	vmin.f32 v1, v27;
	v18 =	vmax.f32 v18, v26;
	v26 =	vld [tilespmem:s4+$0x14650]  }
0x1f6: {  	v7 =	vmax.f32 v7, v21;
	v21 =	vmin.f32 v2, v29;
	v2 =	vmax.f32 v2, v29;
	v29 =	vld [tilespmem:s4+$0x14690]  }
0x1f7: {  	v10 =	vmax.f32 v10, v23;
	v23 =	vld [tilespmem:s4+$0x14660]  }
0x1f8: {  	v9 =	vmax.f32 v9, v21;
	v21 =	vmin.f32 v3, v30;
	v3 =	vmax.f32 v3, v30;
	v30 =	vld [tilespmem:s4+$0x146A0]  }
0x1f9: {  	v0 =	vmax.f32 v0, v25;
	v25 =	vld [tilespmem:s4+$0x14670];
	v19 =	vmax.f32 v19, v21;
	v21 =	vmin.f32 v4, v28  }
0x1fa: {  	v1 =	vmax.f32 v1, v27;
	v27 =	vld [tilespmem:s4+$0x14680];
	v4 =	vmax.f32 v4, v28;
	v21 =	vmax.f32 v20, v21  }
0x1fb: {  	v52 =	vld [tilespmem:s4+$0x146E0];
	v20 =	vmin.f32 v6, v26;
	v6 =	vmax.f32 v6, v26;
	v56 =	vmin.f32 v1, v29  }
0x1fc: {  	v58 =	vld [tilespmem:s4+$0x146F0];
	v33 =	vmax.f32 v1, v29;
	v63 =	vmax.f32 v22, v20;
	v20 =	vmin.f32 v8, v23  }
0x1fd: {  	v8 =	vmax.f32 v8, v23;
	v31 =	vmax.f32 v7, v56;
	v57 =	vmin.f32 v2, v30  }
0x1fe: {  	v26 =	vld [tilespmem:s4+$0x146C0];
	v29 =	vmax.f32 v2, v30;
	v61 =	vmin.f32 v6, v51;
	v50 =	vmax.f32 v24, v20  }
0x1ff: {  	v22 =	vld [tilespmem:s4+$0x146B0];
	v20 =	vmin.f32 v10, v25;
	v10 =	vmax.f32 v10, v25;
	v24 =	vmax.f32 v0, v27  }
0x200: {  	p2 =	por p1, p1;
	v30 =	vmax.f32 v63, v61;
	v62 =	vmin.f32 v8, v52;
	v18 =	vmax.f32 v18, v20  }
.Ltmp6:
0x201: {  	v20 =	vmin.f32 v0, v27;
	v32 =	vmax.f32 v50, v62;
	v63 =	vmin.f32 v10, v58;
	(pc) =	sbr.rel @p2 .LBB2_13-.Ltmp6, $4  }
0x202: {  	v23 =	vmax.f32 v5, v20;
	v20 =	vmax.f32 v9, v57;
	v18 =	vmax.f32 v18, v63  }
0x203: {  	v60 =	vmin.f32 v4, v26;
	v28 =	vmax.f32 v4, v26;
	v26 =	vmax.f32 v6, v51  }
0x204: {  	v59 =	vmin.f32 v3, v22;
	v27 =	vmax.f32 v3, v22;
	v22 =	vmax.f32 v21, v60  }
0x205: {  	p1 =	por $0x0, $0x0;
	s4 =	simm.s32 $0x800;
	v21 =	vmax.f32 v8, v52;
	v25 =	vmax.f32 v19, v59;
	v19 =	vmax.f32 v10, v58  }
0x206: {  	_ =	swait.ge [sflag:s26], $0x400  }
0x207: {  	[sflag:s26] =	ssyncset.done $0x0  }
0x208: {  	[sflag:s26] =	ssyncadd.s32 $0xFFFFFC00  }
0x209: {  	_ =	swait.ge [sflag:s26], $0x400  }
0x20a: {  	[sflag:s26] =	ssyncset.done $0x0  }
0x20b: {  	[sflag:s26] =	ssyncadd.s32 $0xFFFFFC00  }
0x20c: {  	_ =	swait.ge [sflag:s26], $0x400  }
0x20d: {  	[sflag:s26] =	ssyncset.done $0x0  }
0x20e: {  	[sflag:s26] =	ssyncadd.s32 $0xFFFFFC00  }
0x20f: {  	_ =	swait.ge [sflag:s26], $0x400  }
0x210: {  	[sflag:s26] =	ssyncset.done $0x0  }
0x211: {  	[sflag:s26] =	ssyncadd.s32 $0xFFFFFC00  }
0x212: {  	_ =	swait.ge [sflag:s26], $0x400  }
0x213: {  	[sflag:s26] =	ssyncset.done $0x0  }
0x214: {  	[sflag:s26] =	ssyncadd.s32 $0xFFFFFC00  }
0x215: {  	_ =	swait.ge [sflag:s26], $0x400  }
0x216: {  	[sflag:s26] =	ssyncset.done $0x0  }
0x217: {  	[sflag:s26] =	ssyncadd.s32 $0xFFFFFC00  }
0x218: {  	_ =	swait.ge [sflag:s26], $0x400  }
0x219: {  	[sflag:s26] =	ssyncset.done $0x0  }
0x21a: {  	[sflag:s26] =	ssyncadd.s32 $0xFFFFFC00  }
0x21b: {  	_ =	swait.ge [sflag:s26], $0x400  }
0x21c: {  	[sflag:s26] =	ssyncset.done $0x0  }
0x21d: {  	[sflag:s26] =	ssyncadd.s32 $0xFFFFFC00  }
0x21e: {  	_ =	swait.ge [sflag:s26], $0x400  }
0x21f: {  	[sflag:s26] =	ssyncset.done $0x0  }
0x220: {  	[sflag:s26] =	ssyncadd.s32 $0xFFFFFC00  }
0x221: {  	_ =	swait.ge [sflag:s26], $0x400  }
0x222: {  	[sflag:s26] =	ssyncset.done $0x0  }
0x223: {  	[sflag:s26] =	ssyncadd.s32 $0xFFFFFC00  }
0x224: {  	_ =	swait.ge [sflag:s26], $0x400  }
0x225: {  	[sflag:s26] =	ssyncset.done $0x0  }
0x226: {  	[sflag:s26] =	ssyncadd.s32 $0xFFFFFC00  }
0x227: {  	_ =	swait.ge [sflag:s26], $0x400  }
0x228: {  	[sflag:s26] =	ssyncset.done $0x0  }
0x229: {  	[sflag:s26] =	ssyncadd.s32 $0xFFFFFC00  }
0x22a: {  	_ =	swait.ge [sflag:s26], $0x400  }
0x22b: {  	[sflag:s26] =	ssyncset.done $0x0  }
0x22c: {  	[sflag:s26] =	ssyncadd.s32 $0xFFFFFC00  }
0x22d: {  	_ =	swait.ge [sflag:s26], $0x400  }
0x22e: {  	[sflag:s26] =	ssyncset.done $0x0  }
0x22f: {  	[sflag:s26] =	ssyncadd.s32 $0xFFFFFC00  }
0x230: {  	_ =	swait.ge [sflag:s26], $0x400  }
0x231: {  	[sflag:s26] =	ssyncset.done $0x0  }
0x232: {  	[sflag:s26] =	ssyncadd.s32 $0xFFFFFC00  }
0x233: {  	_ =	swait.ge [sflag:s26], $0x400  }
0x234: {  	[sflag:s26] =	ssyncset.done $0x0  }
0x235: {  	[sflag:s26] =	ssyncadd.s32 $0xFFFFFC00  }
0x236: {  	_ =	swait.ge [sflag:s26], $0x400  }
0x237: {  	[sflag:s26] =	ssyncset.done $0x0  }
0x238: {  	[sflag:s26] =	ssyncadd.s32 $0xFFFFFC00  }
0x239: {  	_ =	swait.ge [sflag:s26], $0x400  }
0x23a: {  	[sflag:s26] =	ssyncset.done $0x0  }
0x23b: {  	[sflag:s26] =	ssyncadd.s32 $0xFFFFFC00  }
0x23c: {  	_ =	swait.ge [sflag:s26], $0x400  }
0x23d: {  	[sflag:s26] =	ssyncset.done $0x0  }
0x23e: {  	[sflag:s26] =	ssyncadd.s32 $0xFFFFFC00  }
0x23f: {  	_ =	swait.ge [sflag:s26], $0x400  }
0x240: {  	[sflag:s26] =	ssyncset.done $0x0  }
0x241: {  	[sflag:s26] =	ssyncadd.s32 $0xFFFFFC00  }
0x242: {  	_ =	swait.ge [sflag:s26], $0x400  }
0x243: {  	[sflag:s26] =	ssyncset.done $0x0  }
0x244: {  	[sflag:s26] =	ssyncadd.s32 $0xFFFFFC00  }
0x245: {  	_ =	swait.ge [sflag:s26], $0x400  }
0x246: {  	[sflag:s26] =	ssyncset.done $0x0  }
0x247: {  	[sflag:s26] =	ssyncadd.s32 $0xFFFFFC00  }
0x248: {  	_ =	swait.ge [sflag:s26], $0x400  }
0x249: {  	[sflag:s26] =	ssyncset.done $0x0  }
0x24a: {  	[sflag:s26] =	ssyncadd.s32 $0xFFFFFC00  }
0x24b: {  	_ =	swait.ge [sflag:s26], $0x400  }
0x24c: {  	[sflag:s26] =	ssyncset.done $0x0  }
0x24d: {  	[sflag:s26] =	ssyncadd.s32 $0xFFFFFC00  }
0x24e: {  	_ =	swait.ge [sflag:s26], $0x400  }
0x24f: {  	[sflag:s26] =	ssyncset.done $0x0  }
0x250: {  	[sflag:s26] =	ssyncadd.s32 $0xFFFFFC00  }
0x251: {  	_ =	swait.ge [sflag:s26], $0x400  }
0x252: {  	[sflag:s26] =	ssyncset.done $0x0  }
0x253: {  	[sflag:s26] =	ssyncadd.s32 $0xFFFFFC00  }
0x254: {  	_ =	swait.ge [sflag:s26], $0x400  }
0x255: {  	[sflag:s26] =	ssyncset.done $0x0  }
0x256: {  	[sflag:s26] =	ssyncadd.s32 $0xFFFFFC00  }
0x257: {  	_ =	swait.ge [sflag:s26], $0x400  }
0x258: {  	[sflag:s26] =	ssyncset.done $0x0  }
0x259: {  	[sflag:s26] =	ssyncadd.s32 $0xFFFFFC00  }
0x25a: {  	_ =	swait.ge [sflag:s26], $0x400  }
0x25b: {  	[sflag:s26] =	ssyncset.done $0x0  }
0x25c: {  	[sflag:s26] =	ssyncadd.s32 $0xFFFFFC00  }
0x25d: {  	_ =	swait.ge [sflag:s26], $0x400  }
0x25e: {  	[sflag:s26] =	ssyncset.done $0x0  }
0x25f: {  	[sflag:s26] =	ssyncadd.s32 $0xFFFFFC00  }
0x260: {  	_ =	swait.ge [sflag:s26], $0x400  }
0x261: {  	[sflag:s26] =	ssyncset.done $0x0  }
0x262: {  	[sflag:s26] =	ssyncadd.s32 $0xFFFFFC00  }
0x263: {  	_ =	swait.ge [sflag:s26], $0x400  }
0x264: {  	[sflag:s26] =	ssyncset.done $0x0  }
0x265: {  	v0 =	vpsel p0, v24, v34;
	[sflag:s26] =	ssyncadd.s32 $0xFFFFFC00  }
0x266: {  	v1 =	vpsel p0, v23, v35;
	[tilespmem:$0x1C900] =	vst v0  }
0x267: {  	v7 =	vpsel p0, v33, v40;
	[tilespmem:$0x1C980] =	vst v1  }
0x268: {  	v23 =	vpsel p0, v31, v39;
	[tilespmem:$0x1C910] =	vst v7  }
0x269: {  	v24 =	vpsel p0, v29, v43;
	[tilespmem:$0x1C990] =	vst v23  }
0x26a: {  	v29 =	vpsel p0, v20, v46;
	[tilespmem:$0x1C920] =	vst v24  }
0x26b: {  	v31 =	vpsel p0, v27, v49;
	[tilespmem:$0x1C9A0] =	vst v29  }
0x26c: {  	v33 =	vpsel p0, v25, v48;
	[tilespmem:$0x1C930] =	vst v31  }
0x26d: {  	v34 =	vpsel p0, v28, v41;
	[tilespmem:$0x1C9B0] =	vst v33  }
0x26e: {  	v35 =	vpsel p0, v22, v47;
	[tilespmem:$0x1C940] =	vst v34  }
0x26f: {  	v39 =	vpsel p0, v26, v37;
	[tilespmem:$0x1C9C0] =	vst v35  }
0x270: {  	v40 =	vpsel p0, v30, v44;
	[tilespmem:$0x1C950] =	vst v39  }
0x271: {  	v41 =	vpsel p0, v21, v45;
	[tilespmem:$0x1C9D0] =	vst v40  }
0x272: {  	v42 =	vpsel p0, v32, v42;
	[tilespmem:$0x1C960] =	vst v41  }
0x273: {  	v43 =	vpsel p0, v19, v36;
	[tilespmem:$0x1C9E0] =	vst v42  }
0x274: {  	v44 =	vpsel p0, v18, v38;
	[tilespmem:$0x1C970] =	vst v43  }
0x275: {  	s6 =	simm.s32 $0x1C900;
	s4 =	rddreg [dreg:$0xa];
	[tilespmem:$0x1C9F0] =	vst v44  }
0x276: {  	[spmem:s4] =	stream.strided.scatter [tilespmem:s6], [sflag:$0x7], $0x100, s0, s22, $0x38;
	[tilespmem:$0x1CF80] =	vst v63  }
0x277: {  	_ =	swait.ge [sflag:s23], $0x100  }
0x278: {  	[sflag:s23] =	ssyncset.done $0x0  }
0x279: {  	[sflag:s23] =	ssyncadd.s32 $0xFFFFFF00  }
0x27a: {  	[bflag:$0x0] =	sbarrier.arrive $0xFFFF  }
0x27b: {  	[tilespmem:s28], [sflag:$0x7] =	stream.strided.gather [spmem:s14], $0x100, s0, s22, $0x38;
	[tilespmem:$0x1CF80] =	vst v63  }
0x27c: {  	_ =	swait.ge [sflag:s23], $0x100  }
0x27d: {  	[sflag:s23] =	ssyncset.done $0x0  }
0x27e: {  	s7 =	simm.s32 $0x1CB00;
	s6 =	rddreg [dreg:$0xb];
	[sflag:s23] =	ssyncadd.s32 $0xFFFFFF00  }
0x27f: {  	[tilespmem:s7], [sflag:$0x7] =	stream.strided.gather [spmem:s6], $0x100, s0, s22, $0x38;
	[tilespmem:$0x1CF80] =	vst v63  }
0x280: {  	_ =	swait.ge [sflag:s23], $0x100  }
0x281: {  	[sflag:s23] =	ssyncset.done $0x0  }
0x282: {  	s8 =	simm.s32 $0x1CC00;
	[sflag:s23] =	ssyncadd.s32 $0xFFFFFF00  }
0x283: {  	[tilespmem:s8], [sflag:$0x7] =	stream.strided.gather [spmem:s17], $0x100, s0, s22, $0x38;
	[tilespmem:$0x1CF80] =	vst v63  }
0x284: {  	_ =	swait.ge [sflag:s23], $0x100  }
0x285: {  	[sflag:s23] =	ssyncset.done $0x0  }
0x286: {  	s9 =	simm.s32 $0x1CD00;
	[sflag:s23] =	ssyncadd.s32 $0xFFFFFF00  }
0x287: {  	[tilespmem:s9], [sflag:$0x7] =	stream.strided.gather [spmem:s18], $0x100, s0, s22, $0x38;
	[tilespmem:$0x1CF80] =	vst v63  }
0x288: {  	_ =	swait.ge [sflag:s23], $0x100  }
0x289: {  	v46 =	vld [tilespmem:$0x1FFC0]  }
0x28a: {  	v2 =	vld [tilespmem:$0x1FF50]  }
0x28b: {  	v3 =	vld [tilespmem:$0x1FF60]  }
0x28c: {  	v4 =	vld [tilespmem:$0x1FF70]  }
0x28d: {  	v5 =	vld [tilespmem:$0x1FF80]  }
0x28e: {  	v6 =	vld [tilespmem:$0x1FFD0]  }
0x28f: {  	v47 =	vld [tilespmem:$0x1FF90]  }
0x290: {  	v7 =	vld [tilespmem:$0x1FFA0]  }
0x291: {  	v9 =	vld [tilespmem:$0x1FFB0]  }
0x292: {  	[sflag:s23] =	ssyncset.done $0x0;
	v18 =	vld [tilespmem:$0x1FFE0]  }
0x293: {  	v19 =	vld [tilespmem:$0x1FFF0];
	[sflag:s23] =	ssyncadd.s32 $0xFFFFFF00  }
0x294: {  	v45 =	vld [tilespmem:$0x0]  }
0x295: {  	v8 =	vld [tilespmem:$0x10]  }
0x296: {  	v10 =	vld.idx.msk [tilespmem:v16+s28+$0x0], $0xffff  }
0x297: {  	v48 =	vld.idx.msk [tilespmem:v11+s28+$0x0], $0xffff  }
0x298: {  	v50 =	vld.idx.msk [tilespmem:v12+s28+$0x0], $0xffff  }
0x299: {  	v51 =	vld.idx.msk [tilespmem:v13+s28+$0x0], $0xffff  }
0x29a: {  	v1 =	vld.idx.msk [tilespmem:v46+s28+$0x0], $0xffff  }
0x29b: {  	v2 =	vld.idx.msk [tilespmem:v2+s28+$0x0], $0xffff  }
0x29c: {  	v3 =	vld.idx.msk [tilespmem:v3+s28+$0x0], $0xffff  }
0x29d: {  	v4 =	vld.idx.msk [tilespmem:v4+s28+$0x0], $0xffff  }
0x29e: {  	v0 =	vshll.u32 v45, $0x7;
	v5 =	vld.idx.msk [tilespmem:v5+s28+$0x0], $0xffff  }
0x29f: {  	v0 =	vand.u32 $0x380, v0;
	v18 =	vld.idx.msk [tilespmem:v18+s28+$0x0], $0xffff  }
0x2a0: {  	v8 =	vshll.u32 v8, $0x7;
	v0 =	vor.u32 v0, v6;
	v6 =	vld.idx.msk [tilespmem:v47+s28+$0x0], $0xffff  }
0x2a1: {  	v19 =	vld.idx.msk [tilespmem:v19+s28+$0x0], $0xffff;
	v8 =	vand.u32 $0x380, v8  }
0x2a2: {  	v9 =	vld.idx.msk [tilespmem:v9+s28+$0x0], $0xffff;
	v8 =	vor.u32 v8, v17  }
0x2a3: {  	v7 =	vld.idx.msk [tilespmem:v7+s28+$0x0], $0xffff;
	v49 =	vmin.f32 v1, v3;
	v2 =	vmax.f32 v2, v4  }
0x2a4: {  	v53 =	vld.idx.msk [tilespmem:v14+s28+$0x0], $0xffff;
	v1 =	vmax.f32 v1, v3;
	v2 =	vmax.f32 v49, v2  }
0x2a5: {  	v0 =	vld.idx.msk [tilespmem:v0+s24+$0x0], $0xffff;
	v52 =	vmax.f32 v1, v5;
	v1 =	vmin.f32 v1, v5;
	v2 =	vmax.f32 v2, v6  }
0x2a6: {  	v56 =	vld.idx.msk [tilespmem:v15+s28+$0x0], $0xffff;
	v18 =	vmax.f32 v18, v48;
	v57 =	vmax.f32 v10, v19;
	v1 =	vmax.f32 v1, v2  }
0x2a7: {  	v8 =	vld.idx.msk [tilespmem:v8+s24+$0x0], $0xffff;
	v58 =	vmax.f32 v57, v50;
	v1 =	vmax.f32 v1, v9;
	v9 =	vmin.f32 v10, v19  }
0x2a8: {  	v54 =	vmax.f32 v52, v7;
	v55 =	vmin.f32 v52, v7;
	v9 =	vmax.f32 v9, v18  }
0x2a9: {  	v4 =	vmin.f32 v58, v53;
	v10 =	vmin.f32 v57, v50;
	v3 =	vmax.f32 v9, v51  }
0x2aa: {  	v1 =	vmax.f32 v55, v1;
	v2 =	vsub.f32 v54, v0;
	v3 =	vmax.f32 v10, v3  }
0x2ab: {  	v0 =	vsub.f32 v1, v0;
	v1 =	vmax.f32 v58, v53;
	v3 =	vmax.f32 v3, v56  }
0x2ac: {  	v1 =	vsub.f32 v1, v8;
	v2 =	vadd.f32 $5.000000000e-01, v2;
	v3 =	vmax.f32 v4, v3  }
0x2ad: {  	v59 =	vld [tilespmem:$0x80];
	v0 =	vadd.f32 $5.000000000e-01, v0;
	v3 =	vsub.f32 v3, v8  }
0x2ae: {  	v1 =	vadd.f32 $5.000000000e-01, v1  }
0x2af: {  	v60 =	vld [tilespmem:$0x90];
	v2 =	vmax.f32 v2, $0.0e+00;
	v0 =	vmax.f32 v0, $0.0e+00;
	v3 =	vadd.f32 $5.000000000e-01, v3  }
0x2b0: {  	v0 =	vadd.f32 v0, v2  }
0x2b1: {  	v1 =	vmax.f32 v1, $0.0e+00;
	v61 =	vmax.f32 v3, $0.0e+00  }
0x2b2: {  	v0 =	vmul.f32 v0, v59;
	v1 =	vadd.f32 v61, v1  }
0x2b3: {  	v62 =	vadd.f32 $0.0e+00, v59  }
0x2b4: {  	v0 =	vadd.f32 $0.0e+00, v0;
	v1 =	vmul.f32 v1, v60  }
0x2b5: {  	v63 =	vadd.f32 v60, v62  }
0x2b6: {  	s3 =	sadd.s32 $0x1, s3;
	v0 =	vadd.f32 v1, v0  }
0x2b7: {  	p1 =	sne.s32 s3, s20;
	[tilespmem:$0x1CE10] =	vst v63  }
.Ltmp7:
0x2b8: {  	s10 =	simm.s32 $0x1CE00;
	[tilespmem:$0x1CE00] =	vst v0;
	(pc) =	sbr.rel @p1 .LBB2_1-.Ltmp7, $4  }
0x2b9: {  	[hbm4b:s19+s2] =	stream.linear.scatter [tilespmem:s10], [sflag:$0x7], $0x80, $0x38;
	[tilespmem:$0x1CF80] =	vst v63  }
0x2ba: {  	_ =	swait.ge [sflag:s23], $0x80  }
0x2bb: {  	[sflag:s23] =	ssyncset.done $0x0  }
0x2bc: {  	[sflag:s23] =	ssyncadd.s32 $0xFFFFFF80  }
0x2bd: {  	_ =	sfence.sel $0x180000  }
0x2be: {  	[bflag:$0x0] =	sbarrier.arrive $0xFFFF  }
0x2bf: {  	_ =	strace $0x90000047  }
0x2c0: {  	s0 =	stileid.u32;
	[bflag:$0x2] =	sbarrier.arrive $0xFFFF  }
0x2c1: {  	p0 =	sne.s32 s0, $0x0;
	s0 =	rddreg [dreg:$0x4]  }
0x2c2: {  	s0 =	sadd.s32 @!p0 $0x100000, s0  }
0x2c3: {  	[sflag:s0] =	ssyncadd.tile.s32 @!p0 $0x1;
	_ =	shalt  }
.Lfunc_end2:
_tile_overlayer_lowered:
.L_overlay_start_2:
0x2c4: {  	(tag) =	ssettag $0x2  }
0x2c5: {  	s0 =	rddreg [dreg:$0x0];
	s2 =	stileid.u32  }
0x2c6: {  	s1 =	rddreg [dreg:$0x1];
	p0 =	sne.s32 s2, $0x0  }
0x2c7: {  	s3 =	rddreg [dreg:$0x2];
	[bflag:$0x3] =	sbarrier.arrive $0xFFFF;
	s2 =	simm.s32 @!p0 $0x1C07  }
0x2c8: {  	[timem:s3], [sflag:s2] =	dma.local @!p0 [hbm:s0], s1  }
0x2c9: {  	s0 =	simm.s32 @!p0 $0x7  }
0x2ca: {  	_ =	swait.ge @!p0 [sflag:s0], s1  }
0x2cb: {  	s1 =	ssub.s32 @!p0 $0x0, s1;
	[sflag:s0] =	ssyncset.done @!p0 $0x0  }
0x2cc: {  	[sflag:s0] =	ssyncadd.s32 @!p0 s1  }
0x2cd: {  	[bflag:$0x3] =	sbarrier.arrive $0xFFFF  }
0x2ce: {  	_ =	shalt  }

</sc_bundles>
